<compile_context>
chip_gen: v7x
topology: tpu7x:2x2x1
jax: 0.10.2.dev20260603
libtpu: 0.0.44.dev20260713+nightly
codegen_flags: <defaults>
</compile_context>

<pallas_src>
import jax
import jax.numpy as jnp
from jax import lax
from jax.experimental import pallas as pl
from jax.experimental.pallas import tpu as pltpu
from jax.experimental.pallas import tpu_sc as plsc

N_PRED = 64
N_CLAUSES = 32
ROW_PITCH = N_PRED + 1

CHUNK_ROWS = 160
TILES_PER_CHUNK = CHUNK_ROWS // 16
N_WORKERS = 32


def _sc_body(ga, ew, cw2, out, in_bufs, ew_bufs, cw_buf, out_bufs, in_sems, out_sems):
    cid = lax.axis_index("c")
    sid = lax.axis_index("s")
    w = sid * 2 + cid
    pltpu.sync_copy(cw2, cw_buf)
    nchunks = ga.shape[0] // CHUNK_ROWS
    n_my = (nchunks - 1 - w) // N_WORKERS + 1
    iota16 = lax.iota(jnp.int32, 16)

    def row0_of(i):
        return (w + i * N_WORKERS) * CHUNK_ROWS

    def start_in(i, b):
        row0 = row0_of(i)
        pltpu.async_copy(
            ga.at[pl.ds(row0, CHUNK_ROWS)], in_bufs[b].at[:, pl.ds(0, N_PRED)],
            in_sems[b])
        pltpu.async_copy(ew.at[pl.ds(row0, CHUNK_ROWS)], ew_bufs[b], in_sems[b])

    def wait_in(b):
        pltpu.make_async_copy(
            ga.at[pl.ds(0, CHUNK_ROWS)], in_bufs[b].at[:, pl.ds(0, N_PRED)],
            in_sems[b]).wait()
        pltpu.make_async_copy(ew.at[pl.ds(0, CHUNK_ROWS)], ew_bufs[b],
                              in_sems[b]).wait()

    def start_out(i, b):
        pltpu.async_copy(
            out_bufs[b].at[:, pl.ds(0, N_PRED)],
            out.at[pl.ds(row0_of(i), CHUNK_ROWS)], out_sems[b])

    def wait_out(b):
        pltpu.make_async_copy(
            out_bufs[b].at[:, pl.ds(0, N_PRED)],
            out.at[pl.ds(0, CHUNK_ROWS)], out_sems[b]).wait()

    def compute(b):
        in_buf = in_bufs[b]
        out_buf = out_bufs[b]
        ew_buf = ew_bufs[b]

        @plsc.parallel_loop(0, TILES_PER_CHUNK, unroll=2)
        def tile_body(t):
            r0 = t * 16
            rows = r0 + iota16
            ewv = ew_buf[pl.ds(r0, 16)]

            def clause_deltas(c, c0, c1, c2):
                v0 = plsc.load_gather(in_buf, [rows, c0])
                v1 = plsc.load_gather(in_buf, [rows, c1])
                v2 = plsc.load_gather(in_buf, [rows, c2])
                a = jnp.exp(-(v0 + v1))
                b = jnp.exp(v2 - v1)
                s = cw_buf[c, :] * ewv / (a + 1.0 + b)
                return -(a * s), s, b * s

            @plsc.parallel_loop(0, 21, unroll=3,
                                carry=jnp.zeros((16,), jnp.int32))
            def first_loop(c, col):
                d0, d1, d2 = clause_deltas(c, col, col + 1, col + 2)
                plsc.store_scatter(out_buf, [rows, col], d0)
                plsc.store_scatter(out_buf, [rows, col + 1], d1)
                plsc.store_scatter(out_buf, [rows, col + 2], d2)
                return col + 3

            c63 = jnp.full((16,), 63, jnp.int32)
            z = jnp.zeros((16,), jnp.int32)
            d0, d1, d2 = clause_deltas(21, c63, z, z + 1)
            plsc.store_scatter(out_buf, [rows, c63], d0)
            plsc.addupdate_scatter(out_buf, [rows, z], d1)
            plsc.addupdate_scatter(out_buf, [rows, z + 1], d2)

            @plsc.parallel_loop(22, N_CLAUSES, unroll=2, carry=z + 2)
            def second_loop(c, col):
                d0, d1, d2 = clause_deltas(c, col, col + 1, col + 2)
                plsc.addupdate_scatter(out_buf, [rows, col], d0)
                plsc.addupdate_scatter(out_buf, [rows, col + 1], d1)
                plsc.addupdate_scatter(out_buf, [rows, col + 2], d2)
                return col + 3

    start_in(0, 0)

    @pl.when(n_my > 1)
    def _():
        start_in(1, 1)

    def pair_body(ip, carry):
        for b in range(2):
            i = ip * 2 + b

            @pl.when(i < n_my)
            def _():
                wait_in(b)

                @pl.when(i >= 2)
                def _():
                    wait_out(b)

                compute(b)
                start_out(i, b)

                @pl.when(i + 2 < n_my)
                def _():
                    start_in(i + 2, b)

        return carry

    lax.fori_loop(0, (n_my + 1) // 2, pair_body, 0)

    @pl.when(n_my >= 1)
    def _():
        wait_out(0)

    @pl.when(n_my >= 2)
    def _():
        wait_out(1)


def kernel(ground_atoms, edge_weight, clause_weights):
    b, n_pred = ground_atoms.shape
    assert n_pred == N_PRED and b % CHUNK_ROWS == 0
    ew = edge_weight.reshape(-1)
    cw2 = jnp.broadcast_to(clause_weights[:, None], (N_CLAUSES, 16))
    mesh = plsc.VectorSubcoreMesh(
        core_axis_name="c", subcore_axis_name="s", num_cores=2, num_subcores=16
    )
    call = pl.kernel(
        _sc_body,
        out_type=jax.ShapeDtypeStruct((b, N_PRED), jnp.float32),
        mesh=mesh,
        scratch_types=[
            [pltpu.VMEM((CHUNK_ROWS, ROW_PITCH), jnp.float32) for _ in range(2)],
            [pltpu.VMEM((CHUNK_ROWS,), jnp.float32) for _ in range(2)],
            pltpu.VMEM((N_CLAUSES, 16), jnp.float32),
            [pltpu.VMEM((CHUNK_ROWS, ROW_PITCH), jnp.float32) for _ in range(2)],
            [pltpu.SemaphoreType.DMA for _ in range(2)],
            [pltpu.SemaphoreType.DMA for _ in range(2)],
        ],
        compiler_params=pltpu.CompilerParams(
            use_tc_tiling_on_sc=False, needs_layout_passes=False
        ),
    )
    return call(ground_atoms, ew, cw2)

# --- scband reference (transcript-rebuilt; emitter-appended) ---
"""Pipeline reference for scband-knowledge-enhancer-86028194939419 (READ-ONLY COPY).

The authoritative reference and input builder live on the scoring server;
editing this copy changes nothing except your own understanding.
"""

import jax, jax.numpy as jnp
import numpy as np

N_PRED = 64
PREDICATES = [f"P{i}" for i in range(N_PRED)]
CLAUSES = ["_:nP%d,P%d,P%d\n" % ((3 * i) % N_PRED, (3 * i + 1) % N_PRED, (3 * i + 2) % N_PRED) for i in range(32)]


def _parse_clauses():
    pred_map = {p: i for i, p in enumerate(PREDICATES)}
    idx_list, sign_list = [], []
    for clause in CLAUSES:
        body = clause[:-1].split(":")[1]  # strip trailing char like the torch code (clause[:-1])
        idxs, sgns = [], []
        for lit in body.split(","):
            if lit.startswith("n"):
                sgns.append(-1.0)
                idxs.append(pred_map[lit[1:]])
            else:
                sgns.append(1.0)
                idxs.append(pred_map[lit])
        idx_list.append(idxs)
        sign_list.append(sgns)
    return jnp.asarray(np.array(idx_list, dtype=np.int32)), jnp.asarray(np.array(sign_list, dtype=np.float32))

LIT_IDX, LIT_SIGN = _parse_clauses()  # [C, L] each, C=32, L=3


def setup_inputs(seed: int = 0) -> dict:
    key = jax.random.key(seed)
    k1, k2 = jax.random.split(key)
    ground_atoms = jax.random.normal(k1, (100000, N_PRED), dtype=jnp.float32)
    edge_weight = jax.random.uniform(k2, (100000, 1), dtype=jnp.float32)
    clause_weights = jnp.full((len(CLAUSES),), 0.5, dtype=jnp.float32)  # learned clause weights ('_' in spec)
    return {"ground_atoms": ground_atoms, "edge_weight": edge_weight, "clause_weights": clause_weights}


def reference(ground_atoms, edge_weight, clause_weights):
    # Each ClauseEnhancer: gather literal columns (with sign), Godel boost conorm approx via
    # softmax over literals, scaled by the (learned) clause weight and the edge weight.
    B = ground_atoms.shape[0]
    gathered = ground_atoms[:, LIT_IDX] * LIT_SIGN[None, :, :]            # [B, C, L] gather
    sm = jax.nn.softmax(gathered, axis=-1)                                 # GodelBoostConormApprox
    deltas = clause_weights[None, :, None] * sm * LIT_SIGN[None, :, :]     # [B, C, L]
    deltas = deltas * edge_weight[:, :, None]                              # broadcast [B,1,1]
    # KnowledgeEnhancer.forward: concat deltas/indices over clauses, scatter_add over predicate dim
    all_deltas = deltas.reshape(B, -1)                                     # [B, C*L]
    all_indices = LIT_IDX.reshape(-1)                                      # [C*L]
    result = jnp.zeros((N_PRED, B), dtype=ground_atoms.dtype).at[all_indices].add(jnp.transpose(all_deltas))
    return jnp.transpose(result)                                           # [B, N_PRED]

if __name__ == "__main__":
    import jax
    _d = setup_inputs()
    print(jax.jit(kernel)(*tuple(_d.values())))

</pallas_src>

<mosaic_0001>
#map = affine_map<(d0, d1) -> (0, 0)>
#map1 = affine_map<(d0, d1) -> (0)>
module attributes {stable_mosaic.version = 14 : i64} {
  func.func @_sc_body(%arg0: i32, %arg1: i32, %arg2: memref<100000x64xf32, #tpu.memory_space<hbm>>, %arg3: memref<100000xf32, #tpu.memory_space<hbm>>, %arg4: memref<32x16xf32, #tpu.memory_space<hbm>>, %arg5: memref<100000x64xf32, #tpu.memory_space<hbm>>, %arg6: memref<160x65xf32, #tpu.memory_space<vmem>>, %arg7: memref<160x65xf32, #tpu.memory_space<vmem>>, %arg8: memref<160xf32, #tpu.memory_space<vmem>>, %arg9: memref<160xf32, #tpu.memory_space<vmem>>, %arg10: memref<32x16xf32, #tpu.memory_space<vmem>>, %arg11: memref<160x65xf32, #tpu.memory_space<vmem>>, %arg12: memref<160x65xf32, #tpu.memory_space<vmem>>, %arg13: memref<!tpu.dma_semaphore, #tpu.memory_space<semaphore_mem>>, %arg14: memref<!tpu.dma_semaphore, #tpu.memory_space<semaphore_mem>>, %arg15: memref<!tpu.dma_semaphore, #tpu.memory_space<semaphore_mem>>, %arg16: memref<!tpu.dma_semaphore, #tpu.memory_space<semaphore_mem>>) attributes {dimension_semantics = [#tpu.dimension_semantics<core_parallel>, #tpu.dimension_semantics<subcore_parallel>], iteration_bounds = array<i64: 2, 16>, scalar_prefetch = 0 : i64, scratch_operands = 11 : i64, tpu.core_type = #tpu.core_type<sc_vector_subcore>, window_params = [{transform_indices = #map}, {transform_indices = #map1}, {transform_indices = #map}, {transform_indices = #map}]} {
    %mul3A = arith.constant 2 : i32
    %mul3A_0 = arith.muli %arg1, %mul3A : i32
    %add3A = arith.addi %mul3A_0, %arg0 : i32
    "tpu.region"() ({
      %run_scoped3A = tpu.sem_alloc : memref<!tpu.dma_semaphore, #tpu.memory_space<semaphore_mem>>
      tpu.enqueue_dma source(%arg4 : memref<32x16xf32, #tpu.memory_space<hbm>>) target(%arg10 : memref<32x16xf32, #tpu.memory_space<vmem>>) target_semaphore(%run_scoped3A : memref<!tpu.dma_semaphore, #tpu.memory_space<semaphore_mem>>)
      tpu.wait_dma2 semaphore(%run_scoped3A : memref<!tpu.dma_semaphore, #tpu.memory_space<semaphore_mem>>) src(%arg4 : memref<32x16xf32, #tpu.memory_space<hbm>>) dst(%arg10 : memref<32x16xf32, #tpu.memory_space<vmem>>)
      tpu.yield
    }) : () -> ()
    %sub3A = arith.constant 624 : i32
    %sub3A_1 = arith.subi %sub3A, %add3A : i32
    %jit3A = arith.constant 32 : i32
    %div3A = arith.divsi %sub3A_1, %jit3A : i32
    %sign3A = arith.constant 0 : i32
    %sign3A_2 = arith.cmpi sgt, %sub3A_1, %sign3A : i32
    %sign3A_3 = arith.extui %sign3A_2 : i1 to i32
    %sign3A_4 = arith.constant 0 : i32
    %sign3A_5 = arith.cmpi slt, %sub3A_1, %sign3A_4 : i32
    %sign3A_6 = arith.extui %sign3A_5 : i1 to i32
    %sign3A_7 = arith.subi %sign3A_3, %sign3A_6 : i32
    %sign3A_8 = arith.constant 0 : i32
    %sign3A_9 = arith.cmpi sgt, %jit3A, %sign3A_8 : i32
    %sign3A_10 = arith.extui %sign3A_9 : i1 to i32
    %sign3A_11 = arith.constant 0 : i32
    %sign3A_12 = arith.cmpi slt, %jit3A, %sign3A_11 : i32
    %sign3A_13 = arith.extui %sign3A_12 : i1 to i32
    %sign3A_14 = arith.subi %sign3A_10, %sign3A_13 : i32
    %ne3A = arith.cmpi ne, %sign3A_7, %sign3A_14 : i32
    %rem3A = arith.remsi %sub3A_1, %jit3A : i32
    %ne3A_15 = arith.constant 0 : i32
    %ne3A_16 = arith.cmpi ne, %rem3A, %ne3A_15 : i32
    %and3A = arith.andi %ne3A, %ne3A_16 : i1
    %sub3A_17 = arith.constant 1 : i32
    %sub3A_18 = arith.subi %div3A, %sub3A_17 : i32
    %select_n3A = arith.select %and3A, %sub3A_18, %div3A : i32
    %add3A_19 = arith.constant 1 : i32
    %add3A_20 = arith.addi %select_n3A, %add3A_19 : i32
    %iota3A = tpu.iota {dimensions = array<i32: 0>} : vector<16xi32>
    %add3A_21 = arith.constant 0 : i32
    %add3A_22 = arith.addi %add3A, %add3A_21 : i32
    %mul3A_23 = arith.constant 160 : i32
    %mul3A_24 = arith.muli %add3A_22, %mul3A_23 : i32
    %dma_start3A = arith.constant 0 : i32
    %dma_start3A_25 = arith.constant 0 : i32
    %dma_start3A_26 = tpu.memref_slice %arg6[%dma_start3A, %dma_start3A_25] : memref<160x65xf32, #tpu.memory_space<vmem>> -> memref<160x64xf32, #tpu.memory_space<vmem>>
    %dma_start3A_27 = arith.constant 0 : i32
    %dma_start3A_28 = tpu.memref_slice %arg2[%mul3A_24, %dma_start3A_27] : memref<100000x64xf32, #tpu.memory_space<hbm>> -> memref<160x64xf32, #tpu.memory_space<hbm>>
    %dma_start3A_29 = arith.constant 0 : i32
    %dma_start3A_30 = arith.constant 0 : i32
    %dma_start3A_31 = tpu.memref_slice %arg6[%dma_start3A_29, %dma_start3A_30] : memref<160x65xf32, #tpu.memory_space<vmem>> -> memref<160x64xf32, #tpu.memory_space<vmem>>
    %dma_start3A_32 = arith.constant 0 : i32
    %dma_start3A_33 = tpu.memref_slice %arg2[%mul3A_24, %dma_start3A_32] : memref<100000x64xf32, #tpu.memory_space<hbm>> -> memref<160x64xf32, #tpu.memory_space<hbm>>
    tpu.enqueue_dma source(%dma_start3A_33 : memref<160x64xf32, #tpu.memory_space<hbm>>) target(%dma_start3A_31 : memref<160x64xf32, #tpu.memory_space<vmem>>) target_semaphore(%arg13 : memref<!tpu.dma_semaphore, #tpu.memory_space<semaphore_mem>>)
    %dma_start3A_34 = tpu.memref_slice %arg3[%mul3A_24] : memref<100000xf32, #tpu.memory_space<hbm>> -> memref<160xf32, #tpu.memory_space<hbm>>
    %dma_start3A_35 = tpu.memref_slice %arg3[%mul3A_24] : memref<100000xf32, #tpu.memory_space<hbm>> -> memref<160xf32, #tpu.memory_space<hbm>>
    tpu.enqueue_dma source(%dma_start3A_35 : memref<160xf32, #tpu.memory_space<hbm>>) target(%arg8 : memref<160xf32, #tpu.memory_space<vmem>>) target_semaphore(%arg13 : memref<!tpu.dma_semaphore, #tpu.memory_space<semaphore_mem>>)
    %gt3A = arith.constant 1 : i32
    %gt3A_36 = arith.cmpi sgt, %add3A_20, %gt3A : i32
    %convert_element_type3A = arith.extui %gt3A_36 : i1 to i32
    %cond3A = arith.constant 0 : i32
    %cond3A_37 = arith.cmpi ne, %convert_element_type3A, %cond3A : i32
    scf.if %cond3A_37 {
      %add3A_82 = arith.constant 32 : i32
      %add3A_83 = arith.addi %add3A, %add3A_82 : i32
      %mul3A_84 = arith.constant 160 : i32
      %mul3A_85 = arith.muli %add3A_83, %mul3A_84 : i32
      %dma_start3A_86 = arith.constant 0 : i32
      %dma_start3A_87 = arith.constant 0 : i32
      %dma_start3A_88 = tpu.memref_slice %arg7[%dma_start3A_86, %dma_start3A_87] : memref<160x65xf32, #tpu.memory_space<vmem>> -> memref<160x64xf32, #tpu.memory_space<vmem>>
      %dma_start3A_89 = arith.constant 0 : i32
      %dma_start3A_90 = tpu.memref_slice %arg2[%mul3A_85, %dma_start3A_89] : memref<100000x64xf32, #tpu.memory_space<hbm>> -> memref<160x64xf32, #tpu.memory_space<hbm>>
      %dma_start3A_91 = arith.constant 0 : i32
      %dma_start3A_92 = arith.constant 0 : i32
      %dma_start3A_93 = tpu.memref_slice %arg7[%dma_start3A_91, %dma_start3A_92] : memref<160x65xf32, #tpu.memory_space<vmem>> -> memref<160x64xf32, #tpu.memory_space<vmem>>
      %dma_start3A_94 = arith.constant 0 : i32
      %dma_start3A_95 = tpu.memref_slice %arg2[%mul3A_85, %dma_start3A_94] : memref<100000x64xf32, #tpu.memory_space<hbm>> -> memref<160x64xf32, #tpu.memory_space<hbm>>
      tpu.enqueue_dma source(%dma_start3A_95 : memref<160x64xf32, #tpu.memory_space<hbm>>) target(%dma_start3A_93 : memref<160x64xf32, #tpu.memory_space<vmem>>) target_semaphore(%arg14 : memref<!tpu.dma_semaphore, #tpu.memory_space<semaphore_mem>>)
      %dma_start3A_96 = tpu.memref_slice %arg3[%mul3A_85] : memref<100000xf32, #tpu.memory_space<hbm>> -> memref<160xf32, #tpu.memory_space<hbm>>
      %dma_start3A_97 = tpu.memref_slice %arg3[%mul3A_85] : memref<100000xf32, #tpu.memory_space<hbm>> -> memref<160xf32, #tpu.memory_space<hbm>>
      tpu.enqueue_dma source(%dma_start3A_97 : memref<160xf32, #tpu.memory_space<hbm>>) target(%arg9 : memref<160xf32, #tpu.memory_space<vmem>>) target_semaphore(%arg14 : memref<!tpu.dma_semaphore, #tpu.memory_space<semaphore_mem>>)
    } else {
    }
    %add3A_38 = arith.constant 1 : i32
    %add3A_39 = arith.addi %add3A_20, %add3A_38 : i32
    %jit3A_40 = arith.constant 2 : i32
    %div3A_41 = arith.divsi %add3A_39, %jit3A_40 : i32
    %sign3A_42 = arith.constant 0 : i32
    %sign3A_43 = arith.cmpi sgt, %add3A_39, %sign3A_42 : i32
    %sign3A_44 = arith.extui %sign3A_43 : i1 to i32
    %sign3A_45 = arith.constant 0 : i32
    %sign3A_46 = arith.cmpi slt, %add3A_39, %sign3A_45 : i32
    %sign3A_47 = arith.extui %sign3A_46 : i1 to i32
    %sign3A_48 = arith.subi %sign3A_44, %sign3A_47 : i32
    %sign3A_49 = arith.constant 0 : i32
    %sign3A_50 = arith.cmpi sgt, %jit3A_40, %sign3A_49 : i32
    %sign3A_51 = arith.extui %sign3A_50 : i1 to i32
    %sign3A_52 = arith.constant 0 : i32
    %sign3A_53 = arith.cmpi slt, %jit3A_40, %sign3A_52 : i32
    %sign3A_54 = arith.extui %sign3A_53 : i1 to i32
    %sign3A_55 = arith.subi %sign3A_51, %sign3A_54 : i32
    %ne3A_56 = arith.cmpi ne, %sign3A_48, %sign3A_55 : i32
    %rem3A_57 = arith.remsi %add3A_39, %jit3A_40 : i32
    %ne3A_58 = arith.constant 0 : i32
    %ne3A_59 = arith.cmpi ne, %rem3A_57, %ne3A_58 : i32
    %and3A_60 = arith.andi %ne3A_56, %ne3A_59 : i1
    %sub3A_61 = arith.constant 1 : i32
    %sub3A_62 = arith.subi %div3A_41, %sub3A_61 : i32
    %select_n3A_63 = arith.select %and3A_60, %sub3A_62, %div3A_41 : i32
    %while3A = arith.constant 0 : i32
    %while3A_64 = arith.constant 0 : i32
    %while3A_65 = arith.subi %select_n3A_63, %while3A_64 : i32
    %while3A_66 = arith.addi %while3A_64, %while3A_65 : i32
    %while3A_67 = arith.constant 1 : i32
    %while3A_68 = arith.divsi %while3A_65, %while3A_67 : i32
    %while3A_69 = arith.muli %while3A_68, %while3A_67 : i32
    %while3A_70 = arith.addi %while3A_64, %while3A_69 : i32
    %while3A_71 = arith.constant 1 : i32
    scf.for %while3A_82 = %while3A_64 to %while3A_70 step %while3A_71  : i32 {
      %mul3A_83 = arith.constant 2 : i32
      %mul3A_84 = arith.muli %while3A_82, %mul3A_83 : i32
      %add3A_85 = arith.constant 0 : i32
      %add3A_86 = arith.addi %mul3A_84, %add3A_85 : i32
      %lt3A = arith.cmpi slt, %add3A_86, %add3A_20 : i32
      %convert_element_type3A_87 = arith.extui %lt3A : i1 to i32
      %cond3A_88 = arith.constant 0 : i32
      %cond3A_89 = arith.cmpi ne, %convert_element_type3A_87, %cond3A_88 : i32
      scf.if %cond3A_89 {
        %dma_wait3A = arith.constant 0 : i32
        %dma_wait3A_98 = arith.constant 0 : i32
        %dma_wait3A_99 = tpu.memref_slice %arg6[%dma_wait3A, %dma_wait3A_98] : memref<160x65xf32, #tpu.memory_space<vmem>> -> memref<160x64xf32, #tpu.memory_space<vmem>>
        %dma_wait3A_100 = arith.constant 0 : i32
        %dma_wait3A_101 = arith.constant 0 : i32
        %dma_wait3A_102 = tpu.memref_slice %arg2[%dma_wait3A_100, %dma_wait3A_101] : memref<100000x64xf32, #tpu.memory_space<hbm>> -> memref<160x64xf32, #tpu.memory_space<hbm>>
        %dma_wait3A_103 = arith.constant 0 : i32
        %dma_wait3A_104 = arith.constant 0 : i32
        %dma_wait3A_105 = tpu.memref_slice %arg6[%dma_wait3A_103, %dma_wait3A_104] : memref<160x65xf32, #tpu.memory_space<vmem>> -> memref<160x64xf32, #tpu.memory_space<vmem>>
        %dma_wait3A_106 = arith.constant 0 : i32
        %dma_wait3A_107 = arith.constant 0 : i32
        %dma_wait3A_108 = tpu.memref_slice %arg2[%dma_wait3A_106, %dma_wait3A_107] : memref<100000x64xf32, #tpu.memory_space<hbm>> -> memref<160x64xf32, #tpu.memory_space<hbm>>
        tpu.wait_dma2 semaphore(%arg13 : memref<!tpu.dma_semaphore, #tpu.memory_space<semaphore_mem>>) src(%dma_wait3A_108 : memref<160x64xf32, #tpu.memory_space<hbm>>) dst(%dma_wait3A_105 : memref<160x64xf32, #tpu.memory_space<vmem>>)
        %dma_wait3A_109 = arith.constant 0 : i32
        %dma_wait3A_110 = tpu.memref_slice %arg3[%dma_wait3A_109] : memref<100000xf32, #tpu.memory_space<hbm>> -> memref<160xf32, #tpu.memory_space<hbm>>
        %dma_wait3A_111 = arith.constant 0 : i32
        %dma_wait3A_112 = tpu.memref_slice %arg3[%dma_wait3A_111] : memref<100000xf32, #tpu.memory_space<hbm>> -> memref<160xf32, #tpu.memory_space<hbm>>
        tpu.wait_dma2 semaphore(%arg13 : memref<!tpu.dma_semaphore, #tpu.memory_space<semaphore_mem>>) src(%dma_wait3A_112 : memref<160xf32, #tpu.memory_space<hbm>>) dst(%arg8 : memref<160xf32, #tpu.memory_space<vmem>>)
        %ge3A_113 = arith.constant 2 : i32
        %ge3A_114 = arith.cmpi sge, %add3A_86, %ge3A_113 : i32
        %convert_element_type3A_115 = arith.extui %ge3A_114 : i1 to i32
        %cond3A_116 = arith.constant 0 : i32
        %cond3A_117 = arith.cmpi ne, %convert_element_type3A_115, %cond3A_116 : i32
        scf.if %cond3A_117 {
          %dma_wait3A_141 = arith.constant 0 : i32
          %dma_wait3A_142 = arith.constant 0 : i32
          %dma_wait3A_143 = tpu.memref_slice %arg11[%dma_wait3A_141, %dma_wait3A_142] : memref<160x65xf32, #tpu.memory_space<vmem>> -> memref<160x64xf32, #tpu.memory_space<vmem>>
          %dma_wait3A_144 = arith.constant 0 : i32
          %dma_wait3A_145 = arith.constant 0 : i32
          %dma_wait3A_146 = tpu.memref_slice %arg5[%dma_wait3A_144, %dma_wait3A_145] : memref<100000x64xf32, #tpu.memory_space<hbm>> -> memref<160x64xf32, #tpu.memory_space<hbm>>
          %dma_wait3A_147 = arith.constant 0 : i32
          %dma_wait3A_148 = arith.constant 0 : i32
          %dma_wait3A_149 = tpu.memref_slice %arg5[%dma_wait3A_147, %dma_wait3A_148] : memref<100000x64xf32, #tpu.memory_space<hbm>> -> memref<160x64xf32, #tpu.memory_space<hbm>>
          %dma_wait3A_150 = arith.constant 0 : i32
          %dma_wait3A_151 = arith.constant 0 : i32
          %dma_wait3A_152 = tpu.memref_slice %arg11[%dma_wait3A_150, %dma_wait3A_151] : memref<160x65xf32, #tpu.memory_space<vmem>> -> memref<160x64xf32, #tpu.memory_space<vmem>>
          tpu.wait_dma2 semaphore(%arg15 : memref<!tpu.dma_semaphore, #tpu.memory_space<semaphore_mem>>) src(%dma_wait3A_152 : memref<160x64xf32, #tpu.memory_space<vmem>>) dst(%dma_wait3A_149 : memref<160x64xf32, #tpu.memory_space<hbm>>)
        } else {
        }
        %parallel_loop3A = arith.constant 0 : i32
        %parallel_loop3A_118 = arith.constant 10 : i32
        %parallel_loop3A_119 = arith.constant 1 : i32
        scf.for %parallel_loop3A_141 = %parallel_loop3A to %parallel_loop3A_118 step %parallel_loop3A_119  : i32 {
          %parallel_loop3A_142 = arith.constant 16 : i32
          %parallel_loop3A_143 = arith.muli %parallel_loop3A_141, %parallel_loop3A_142 : i32
          %parallel_loop3A_144 = vector.broadcast %parallel_loop3A_143 : i32 to vector<16xi32>
          %parallel_loop3A_145 = arith.addi %parallel_loop3A_144, %iota3A : vector<16xi32>
          %parallel_loop3A_146 = arith.index_cast %parallel_loop3A_143 : i32 to index
          %parallel_loop3A_147 = tpu.vector_load %arg8[%parallel_loop3A_146] {strides = array<i32>} : memref<160xf32, #tpu.memory_space<vmem>>, vector<16xf32>,
          %parallel_loop3A_148 = arith.constant 0 : i32
          %parallel_loop3A_149 = vector.broadcast %parallel_loop3A_148 : i32 to vector<16xi32>
          %parallel_loop3A_150 = arith.constant 0 : i32
          %parallel_loop3A_151 = arith.constant 21 : i32
          %parallel_loop3A_152 = arith.constant 1 : i32
          %parallel_loop3A_153 = scf.for %parallel_loop3A_196 = %parallel_loop3A_150 to %parallel_loop3A_151 step %parallel_loop3A_152 iter_args(%parallel_loop3A_197 = %parallel_loop3A_149) -> (vector<16xi32>)  : i32 {
            %parallel_loop3A_198 = arith.constant 1 : i32
            %parallel_loop3A_199 = vector.broadcast %parallel_loop3A_198 : i32 to vector<16xi32>
            %parallel_loop3A_200 = arith.addi %parallel_loop3A_197, %parallel_loop3A_199 : vector<16xi32>
            %parallel_loop3A_201 = arith.constant 2 : i32
            %parallel_loop3A_202 = vector.broadcast %parallel_loop3A_201 : i32 to vector<16xi32>
            %parallel_loop3A_203 = arith.addi %parallel_loop3A_197, %parallel_loop3A_202 : vector<16xi32>
            %parallel_loop3A_204 = tpu.vector_load_idx %arg6[%parallel_loop3A_145, %parallel_loop3A_197] : memref<160x65xf32, #tpu.memory_space<vmem>>[vector<16xi32>, vector<16xi32>], vector<16xf32>,
            %parallel_loop3A_205 = tpu.vector_load_idx %arg6[%parallel_loop3A_145, %parallel_loop3A_200] : memref<160x65xf32, #tpu.memory_space<vmem>>[vector<16xi32>, vector<16xi32>], vector<16xf32>,
            %parallel_loop3A_206 = tpu.vector_load_idx %arg6[%parallel_loop3A_145, %parallel_loop3A_203] : memref<160x65xf32, #tpu.memory_space<vmem>>[vector<16xi32>, vector<16xi32>], vector<16xf32>,
            %parallel_loop3A_207 = arith.addf %parallel_loop3A_204, %parallel_loop3A_205 : vector<16xf32>
            %parallel_loop3A_208 = arith.constant 0.000000e+00 : f32
            %parallel_loop3A_209 = vector.broadcast %parallel_loop3A_208 : f32 to vector<16xf32>
            %parallel_loop3A_210 = arith.subf %parallel_loop3A_209, %parallel_loop3A_207 : vector<16xf32>
            %parallel_loop3A_211 = math.exp %parallel_loop3A_210 : vector<16xf32>
            %parallel_loop3A_212 = arith.subf %parallel_loop3A_206, %parallel_loop3A_205 : vector<16xf32>
            %parallel_loop3A_213 = math.exp %parallel_loop3A_212 : vector<16xf32>
            %parallel_loop3A_214 = arith.index_cast %parallel_loop3A_196 : i32 to index
            %parallel_loop3A_215 = arith.constant 0 : index
            %parallel_loop3A_216 = tpu.vector_load %arg10[%parallel_loop3A_214, %parallel_loop3A_215] {strides = array<i32>} : memref<32x16xf32, #tpu.memory_space<vmem>>, vector<16xf32>,
            %parallel_loop3A_217 = arith.mulf %parallel_loop3A_216, %parallel_loop3A_147 : vector<16xf32>
            %parallel_loop3A_218 = arith.constant 1.000000e+00 : f32
            %parallel_loop3A_219 = vector.broadcast %parallel_loop3A_218 : f32 to vector<16xf32>
            %parallel_loop3A_220 = arith.addf %parallel_loop3A_211, %parallel_loop3A_219 : vector<16xf32>
            %parallel_loop3A_221 = arith.addf %parallel_loop3A_220, %parallel_loop3A_213 : vector<16xf32>
            %parallel_loop3A_222 = arith.divf %parallel_loop3A_217, %parallel_loop3A_221 : vector<16xf32>
            %parallel_loop3A_223 = arith.mulf %parallel_loop3A_211, %parallel_loop3A_222 : vector<16xf32>
            %parallel_loop3A_224 = arith.constant 0.000000e+00 : f32
            %parallel_loop3A_225 = vector.broadcast %parallel_loop3A_224 : f32 to vector<16xf32>
            %parallel_loop3A_226 = arith.subf %parallel_loop3A_225, %parallel_loop3A_223 : vector<16xf32>
            %parallel_loop3A_227 = arith.mulf %parallel_loop3A_213, %parallel_loop3A_222 : vector<16xf32>
            tpu.vector_store_idx %arg11[%parallel_loop3A_145, %parallel_loop3A_197], %parallel_loop3A_226 : memref<160x65xf32, #tpu.memory_space<vmem>>[vector<16xi32>, vector<16xi32>], vector<16xf32>,
            %parallel_loop3A_228 = arith.constant 1 : i32
            %parallel_loop3A_229 = vector.broadcast %parallel_loop3A_228 : i32 to vector<16xi32>
            %parallel_loop3A_230 = arith.addi %parallel_loop3A_197, %parallel_loop3A_229 : vector<16xi32>
            tpu.vector_store_idx %arg11[%parallel_loop3A_145, %parallel_loop3A_230], %parallel_loop3A_222 : memref<160x65xf32, #tpu.memory_space<vmem>>[vector<16xi32>, vector<16xi32>], vector<16xf32>,
            %parallel_loop3A_231 = arith.constant 2 : i32
            %parallel_loop3A_232 = vector.broadcast %parallel_loop3A_231 : i32 to vector<16xi32>
            %parallel_loop3A_233 = arith.addi %parallel_loop3A_197, %parallel_loop3A_232 : vector<16xi32>
            tpu.vector_store_idx %arg11[%parallel_loop3A_145, %parallel_loop3A_233], %parallel_loop3A_227 : memref<160x65xf32, #tpu.memory_space<vmem>>[vector<16xi32>, vector<16xi32>], vector<16xf32>,
            %parallel_loop3A_234 = arith.constant 3 : i32
            %parallel_loop3A_235 = vector.broadcast %parallel_loop3A_234 : i32 to vector<16xi32>
            %parallel_loop3A_236 = arith.addi %parallel_loop3A_197, %parallel_loop3A_235 : vector<16xi32>
            scf.yield %parallel_loop3A_236 : vector<16xi32>
          } {sc.loop_unroll_factor = 3 : i64, sc.parallel_access}
          %parallel_loop3A_154 = arith.constant 63 : i32
          %parallel_loop3A_155 = vector.broadcast %parallel_loop3A_154 : i32 to vector<16xi32>
          %parallel_loop3A_156 = arith.constant 0 : i32
          %parallel_loop3A_157 = vector.broadcast %parallel_loop3A_156 : i32 to vector<16xi32>
          %parallel_loop3A_158 = arith.constant 1 : i32
          %parallel_loop3A_159 = vector.broadcast %parallel_loop3A_158 : i32 to vector<16xi32>
          %parallel_loop3A_160 = arith.addi %parallel_loop3A_157, %parallel_loop3A_159 : vector<16xi32>
          %parallel_loop3A_161 = tpu.vector_load_idx %arg6[%parallel_loop3A_145, %parallel_loop3A_155] : memref<160x65xf32, #tpu.memory_space<vmem>>[vector<16xi32>, vector<16xi32>], vector<16xf32>,
          %parallel_loop3A_162 = tpu.vector_load_idx %arg6[%parallel_loop3A_145, %parallel_loop3A_157] : memref<160x65xf32, #tpu.memory_space<vmem>>[vector<16xi32>, vector<16xi32>], vector<16xf32>,
          %parallel_loop3A_163 = tpu.vector_load_idx %arg6[%parallel_loop3A_145, %parallel_loop3A_160] : memref<160x65xf32, #tpu.memory_space<vmem>>[vector<16xi32>, vector<16xi32>], vector<16xf32>,
          %parallel_loop3A_164 = arith.addf %parallel_loop3A_161, %parallel_loop3A_162 : vector<16xf32>
          %parallel_loop3A_165 = arith.constant 0.000000e+00 : f32
          %parallel_loop3A_166 = vector.broadcast %parallel_loop3A_165 : f32 to vector<16xf32>
          %parallel_loop3A_167 = arith.subf %parallel_loop3A_166, %parallel_loop3A_164 : vector<16xf32>
          %parallel_loop3A_168 = math.exp %parallel_loop3A_167 : vector<16xf32>
          %parallel_loop3A_169 = arith.subf %parallel_loop3A_163, %parallel_loop3A_162 : vector<16xf32>
          %parallel_loop3A_170 = math.exp %parallel_loop3A_169 : vector<16xf32>
          %parallel_loop3A_171 = arith.constant 21 : i32
          %parallel_loop3A_172 = arith.index_cast %parallel_loop3A_171 : i32 to index
          %parallel_loop3A_173 = arith.constant 0 : index
          %parallel_loop3A_174 = tpu.vector_load %arg10[%parallel_loop3A_172, %parallel_loop3A_173] {strides = array<i32>} : memref<32x16xf32, #tpu.memory_space<vmem>>, vector<16xf32>,
          %parallel_loop3A_175 = arith.mulf %parallel_loop3A_174, %parallel_loop3A_147 : vector<16xf32>
          %parallel_loop3A_176 = arith.constant 1.000000e+00 : f32
          %parallel_loop3A_177 = vector.broadcast %parallel_loop3A_176 : f32 to vector<16xf32>
          %parallel_loop3A_178 = arith.addf %parallel_loop3A_168, %parallel_loop3A_177 : vector<16xf32>
          %parallel_loop3A_179 = arith.addf %parallel_loop3A_178, %parallel_loop3A_170 : vector<16xf32>
          %parallel_loop3A_180 = arith.divf %parallel_loop3A_175, %parallel_loop3A_179 : vector<16xf32>
          %parallel_loop3A_181 = arith.mulf %parallel_loop3A_168, %parallel_loop3A_180 : vector<16xf32>
          %parallel_loop3A_182 = arith.constant 0.000000e+00 : f32
          %parallel_loop3A_183 = vector.broadcast %parallel_loop3A_182 : f32 to vector<16xf32>
          %parallel_loop3A_184 = arith.subf %parallel_loop3A_183, %parallel_loop3A_181 : vector<16xf32>
          %parallel_loop3A_185 = arith.mulf %parallel_loop3A_170, %parallel_loop3A_180 : vector<16xf32>
          tpu.vector_store_idx %arg11[%parallel_loop3A_145, %parallel_loop3A_155], %parallel_loop3A_184 : memref<160x65xf32, #tpu.memory_space<vmem>>[vector<16xi32>, vector<16xi32>], vector<16xf32>,
          tpu.vector_store_idx %arg11[%parallel_loop3A_145, %parallel_loop3A_157], %parallel_loop3A_180 {add = true} : memref<160x65xf32, #tpu.memory_space<vmem>>[vector<16xi32>, vector<16xi32>], vector<16xf32>,
          %parallel_loop3A_186 = arith.constant 1 : i32
          %parallel_loop3A_187 = vector.broadcast %parallel_loop3A_186 : i32 to vector<16xi32>
          %parallel_loop3A_188 = arith.addi %parallel_loop3A_157, %parallel_loop3A_187 : vector<16xi32>
          tpu.vector_store_idx %arg11[%parallel_loop3A_145, %parallel_loop3A_188], %parallel_loop3A_185 {add = true} : memref<160x65xf32, #tpu.memory_space<vmem>>[vector<16xi32>, vector<16xi32>], vector<16xf32>,
          %parallel_loop3A_189 = arith.constant 2 : i32
          %parallel_loop3A_190 = vector.broadcast %parallel_loop3A_189 : i32 to vector<16xi32>
          %parallel_loop3A_191 = arith.addi %parallel_loop3A_157, %parallel_loop3A_190 : vector<16xi32>
          %parallel_loop3A_192 = arith.constant 22 : i32
          %parallel_loop3A_193 = arith.constant 32 : i32
          %parallel_loop3A_194 = arith.constant 1 : i32
          %parallel_loop3A_195 = scf.for %parallel_loop3A_196 = %parallel_loop3A_192 to %parallel_loop3A_193 step %parallel_loop3A_194 iter_args(%parallel_loop3A_197 = %parallel_loop3A_191) -> (vector<16xi32>)  : i32 {
            %parallel_loop3A_198 = arith.constant 1 : i32
            %parallel_loop3A_199 = vector.broadcast %parallel_loop3A_198 : i32 to vector<16xi32>
            %parallel_loop3A_200 = arith.addi %parallel_loop3A_197, %parallel_loop3A_199 : vector<16xi32>
            %parallel_loop3A_201 = arith.constant 2 : i32
            %parallel_loop3A_202 = vector.broadcast %parallel_loop3A_201 : i32 to vector<16xi32>
            %parallel_loop3A_203 = arith.addi %parallel_loop3A_197, %parallel_loop3A_202 : vector<16xi32>
            %parallel_loop3A_204 = tpu.vector_load_idx %arg6[%parallel_loop3A_145, %parallel_loop3A_197] : memref<160x65xf32, #tpu.memory_space<vmem>>[vector<16xi32>, vector<16xi32>], vector<16xf32>,
            %parallel_loop3A_205 = tpu.vector_load_idx %arg6[%parallel_loop3A_145, %parallel_loop3A_200] : memref<160x65xf32, #tpu.memory_space<vmem>>[vector<16xi32>, vector<16xi32>], vector<16xf32>,
            %parallel_loop3A_206 = tpu.vector_load_idx %arg6[%parallel_loop3A_145, %parallel_loop3A_203] : memref<160x65xf32, #tpu.memory_space<vmem>>[vector<16xi32>, vector<16xi32>], vector<16xf32>,
            %parallel_loop3A_207 = arith.addf %parallel_loop3A_204, %parallel_loop3A_205 : vector<16xf32>
            %parallel_loop3A_208 = arith.constant 0.000000e+00 : f32
            %parallel_loop3A_209 = vector.broadcast %parallel_loop3A_208 : f32 to vector<16xf32>
            %parallel_loop3A_210 = arith.subf %parallel_loop3A_209, %parallel_loop3A_207 : vector<16xf32>
            %parallel_loop3A_211 = math.exp %parallel_loop3A_210 : vector<16xf32>
            %parallel_loop3A_212 = arith.subf %parallel_loop3A_206, %parallel_loop3A_205 : vector<16xf32>
            %parallel_loop3A_213 = math.exp %parallel_loop3A_212 : vector<16xf32>
            %parallel_loop3A_214 = arith.index_cast %parallel_loop3A_196 : i32 to index
            %parallel_loop3A_215 = arith.constant 0 : index
            %parallel_loop3A_216 = tpu.vector_load %arg10[%parallel_loop3A_214, %parallel_loop3A_215] {strides = array<i32>} : memref<32x16xf32, #tpu.memory_space<vmem>>, vector<16xf32>,
            %parallel_loop3A_217 = arith.mulf %parallel_loop3A_216, %parallel_loop3A_147 : vector<16xf32>
            %parallel_loop3A_218 = arith.constant 1.000000e+00 : f32
            %parallel_loop3A_219 = vector.broadcast %parallel_loop3A_218 : f32 to vector<16xf32>
            %parallel_loop3A_220 = arith.addf %parallel_loop3A_211, %parallel_loop3A_219 : vector<16xf32>
            %parallel_loop3A_221 = arith.addf %parallel_loop3A_220, %parallel_loop3A_213 : vector<16xf32>
            %parallel_loop3A_222 = arith.divf %parallel_loop3A_217, %parallel_loop3A_221 : vector<16xf32>
            %parallel_loop3A_223 = arith.mulf %parallel_loop3A_211, %parallel_loop3A_222 : vector<16xf32>
            %parallel_loop3A_224 = arith.constant 0.000000e+00 : f32
            %parallel_loop3A_225 = vector.broadcast %parallel_loop3A_224 : f32 to vector<16xf32>
            %parallel_loop3A_226 = arith.subf %parallel_loop3A_225, %parallel_loop3A_223 : vector<16xf32>
            %parallel_loop3A_227 = arith.mulf %parallel_loop3A_213, %parallel_loop3A_222 : vector<16xf32>
            tpu.vector_store_idx %arg11[%parallel_loop3A_145, %parallel_loop3A_197], %parallel_loop3A_226 {add = true} : memref<160x65xf32, #tpu.memory_space<vmem>>[vector<16xi32>, vector<16xi32>], vector<16xf32>,
            %parallel_loop3A_228 = arith.constant 1 : i32
            %parallel_loop3A_229 = vector.broadcast %parallel_loop3A_228 : i32 to vector<16xi32>
            %parallel_loop3A_230 = arith.addi %parallel_loop3A_197, %parallel_loop3A_229 : vector<16xi32>
            tpu.vector_store_idx %arg11[%parallel_loop3A_145, %parallel_loop3A_230], %parallel_loop3A_222 {add = true} : memref<160x65xf32, #tpu.memory_space<vmem>>[vector<16xi32>, vector<16xi32>], vector<16xf32>,
            %parallel_loop3A_231 = arith.constant 2 : i32
            %parallel_loop3A_232 = vector.broadcast %parallel_loop3A_231 : i32 to vector<16xi32>
            %parallel_loop3A_233 = arith.addi %parallel_loop3A_197, %parallel_loop3A_232 : vector<16xi32>
            tpu.vector_store_idx %arg11[%parallel_loop3A_145, %parallel_loop3A_233], %parallel_loop3A_227 {add = true} : memref<160x65xf32, #tpu.memory_space<vmem>>[vector<16xi32>, vector<16xi32>], vector<16xf32>,
            %parallel_loop3A_234 = arith.constant 3 : i32
            %parallel_loop3A_235 = vector.broadcast %parallel_loop3A_234 : i32 to vector<16xi32>
            %parallel_loop3A_236 = arith.addi %parallel_loop3A_197, %parallel_loop3A_235 : vector<16xi32>
            scf.yield %parallel_loop3A_236 : vector<16xi32>
          } {sc.loop_unroll_factor = 2 : i64, sc.parallel_access}
        } {sc.loop_unroll_factor = 2 : i64, sc.parallel_access}
        %mul3A_120 = arith.constant 32 : i32
        %mul3A_121 = arith.muli %add3A_86, %mul3A_120 : i32
        %add3A_122 = arith.addi %add3A, %mul3A_121 : i32
        %mul3A_123 = arith.constant 160 : i32
        %mul3A_124 = arith.muli %add3A_122, %mul3A_123 : i32
        %dma_start3A_125 = arith.constant 0 : i32
        %dma_start3A_126 = arith.constant 0 : i32
        %dma_start3A_127 = tpu.memref_slice %arg11[%dma_start3A_125, %dma_start3A_126] : memref<160x65xf32, #tpu.memory_space<vmem>> -> memref<160x64xf32, #tpu.memory_space<vmem>>
        %dma_start3A_128 = arith.constant 0 : i32
        %dma_start3A_129 = tpu.memref_slice %arg5[%mul3A_124, %dma_start3A_128] : memref<100000x64xf32, #tpu.memory_space<hbm>> -> memref<160x64xf32, #tpu.memory_space<hbm>>
        %dma_start3A_130 = arith.constant 0 : i32
        %dma_start3A_131 = tpu.memref_slice %arg5[%mul3A_124, %dma_start3A_130] : memref<100000x64xf32, #tpu.memory_space<hbm>> -> memref<160x64xf32, #tpu.memory_space<hbm>>
        %dma_start3A_132 = arith.constant 0 : i32
        %dma_start3A_133 = arith.constant 0 : i32
        %dma_start3A_134 = tpu.memref_slice %arg11[%dma_start3A_132, %dma_start3A_133] : memref<160x65xf32, #tpu.memory_space<vmem>> -> memref<160x64xf32, #tpu.memory_space<vmem>>
        tpu.enqueue_dma source(%dma_start3A_134 : memref<160x64xf32, #tpu.memory_space<vmem>>) target(%dma_start3A_131 : memref<160x64xf32, #tpu.memory_space<hbm>>) target_semaphore(%arg15 : memref<!tpu.dma_semaphore, #tpu.memory_space<semaphore_mem>>)
        %add3A_135 = arith.constant 2 : i32
        %add3A_136 = arith.addi %add3A_86, %add3A_135 : i32
        %lt3A_137 = arith.cmpi slt, %add3A_136, %add3A_20 : i32
        %convert_element_type3A_138 = arith.extui %lt3A_137 : i1 to i32
        %cond3A_139 = arith.constant 0 : i32
        %cond3A_140 = arith.cmpi ne, %convert_element_type3A_138, %cond3A_139 : i32
        scf.if %cond3A_140 {
          %add3A_141 = arith.constant 2 : i32
          %add3A_142 = arith.addi %add3A_86, %add3A_141 : i32
          %mul3A_143 = arith.constant 32 : i32
          %mul3A_144 = arith.muli %add3A_142, %mul3A_143 : i32
          %add3A_145 = arith.addi %add3A, %mul3A_144 : i32
          %mul3A_146 = arith.constant 160 : i32
          %mul3A_147 = arith.muli %add3A_145, %mul3A_146 : i32
          %dma_start3A_148 = arith.constant 0 : i32
          %dma_start3A_149 = arith.constant 0 : i32
          %dma_start3A_150 = tpu.memref_slice %arg6[%dma_start3A_148, %dma_start3A_149] : memref<160x65xf32, #tpu.memory_space<vmem>> -> memref<160x64xf32, #tpu.memory_space<vmem>>
          %dma_start3A_151 = arith.constant 0 : i32
          %dma_start3A_152 = tpu.memref_slice %arg2[%mul3A_147, %dma_start3A_151] : memref<100000x64xf32, #tpu.memory_space<hbm>> -> memref<160x64xf32, #tpu.memory_space<hbm>>
          %dma_start3A_153 = arith.constant 0 : i32
          %dma_start3A_154 = arith.constant 0 : i32
          %dma_start3A_155 = tpu.memref_slice %arg6[%dma_start3A_153, %dma_start3A_154] : memref<160x65xf32, #tpu.memory_space<vmem>> -> memref<160x64xf32, #tpu.memory_space<vmem>>
          %dma_start3A_156 = arith.constant 0 : i32
          %dma_start3A_157 = tpu.memref_slice %arg2[%mul3A_147, %dma_start3A_156] : memref<100000x64xf32, #tpu.memory_space<hbm>> -> memref<160x64xf32, #tpu.memory_space<hbm>>
          tpu.enqueue_dma source(%dma_start3A_157 : memref<160x64xf32, #tpu.memory_space<hbm>>) target(%dma_start3A_155 : memref<160x64xf32, #tpu.memory_space<vmem>>) target_semaphore(%arg13 : memref<!tpu.dma_semaphore, #tpu.memory_space<semaphore_mem>>)
          %dma_start3A_158 = tpu.memref_slice %arg3[%mul3A_147] : memref<100000xf32, #tpu.memory_space<hbm>> -> memref<160xf32, #tpu.memory_space<hbm>>
          %dma_start3A_159 = tpu.memref_slice %arg3[%mul3A_147] : memref<100000xf32, #tpu.memory_space<hbm>> -> memref<160xf32, #tpu.memory_space<hbm>>
          tpu.enqueue_dma source(%dma_start3A_159 : memref<160xf32, #tpu.memory_space<hbm>>) target(%arg8 : memref<160xf32, #tpu.memory_space<vmem>>) target_semaphore(%arg13 : memref<!tpu.dma_semaphore, #tpu.memory_space<semaphore_mem>>)
        } else {
        }
      } else {
      }
      %mul3A_90 = arith.constant 2 : i32
      %mul3A_91 = arith.muli %while3A_82, %mul3A_90 : i32
      %add3A_92 = arith.constant 1 : i32
      %add3A_93 = arith.addi %mul3A_91, %add3A_92 : i32
      %lt3A_94 = arith.cmpi slt, %add3A_93, %add3A_20 : i32
      %convert_element_type3A_95 = arith.extui %lt3A_94 : i1 to i32
      %cond3A_96 = arith.constant 0 : i32
      %cond3A_97 = arith.cmpi ne, %convert_element_type3A_95, %cond3A_96 : i32
      scf.if %cond3A_97 {
        %dma_wait3A = arith.constant 0 : i32
        %dma_wait3A_98 = arith.constant 0 : i32
        %dma_wait3A_99 = tpu.memref_slice %arg7[%dma_wait3A, %dma_wait3A_98] : memref<160x65xf32, #tpu.memory_space<vmem>> -> memref<160x64xf32, #tpu.memory_space<vmem>>
        %dma_wait3A_100 = arith.constant 0 : i32
        %dma_wait3A_101 = arith.constant 0 : i32
        %dma_wait3A_102 = tpu.memref_slice %arg2[%dma_wait3A_100, %dma_wait3A_101] : memref<100000x64xf32, #tpu.memory_space<hbm>> -> memref<160x64xf32, #tpu.memory_space<hbm>>
        %dma_wait3A_103 = arith.constant 0 : i32
        %dma_wait3A_104 = arith.constant 0 : i32
        %dma_wait3A_105 = tpu.memref_slice %arg7[%dma_wait3A_103, %dma_wait3A_104] : memref<160x65xf32, #tpu.memory_space<vmem>> -> memref<160x64xf32, #tpu.memory_space<vmem>>
        %dma_wait3A_106 = arith.constant 0 : i32
        %dma_wait3A_107 = arith.constant 0 : i32
        %dma_wait3A_108 = tpu.memref_slice %arg2[%dma_wait3A_106, %dma_wait3A_107] : memref<100000x64xf32, #tpu.memory_space<hbm>> -> memref<160x64xf32, #tpu.memory_space<hbm>>
        tpu.wait_dma2 semaphore(%arg14 : memref<!tpu.dma_semaphore, #tpu.memory_space<semaphore_mem>>) src(%dma_wait3A_108 : memref<160x64xf32, #tpu.memory_space<hbm>>) dst(%dma_wait3A_105 : memref<160x64xf32, #tpu.memory_space<vmem>>)
        %dma_wait3A_109 = arith.constant 0 : i32
        %dma_wait3A_110 = tpu.memref_slice %arg3[%dma_wait3A_109] : memref<100000xf32, #tpu.memory_space<hbm>> -> memref<160xf32, #tpu.memory_space<hbm>>
        %dma_wait3A_111 = arith.constant 0 : i32
        %dma_wait3A_112 = tpu.memref_slice %arg3[%dma_wait3A_111] : memref<100000xf32, #tpu.memory_space<hbm>> -> memref<160xf32, #tpu.memory_space<hbm>>
        tpu.wait_dma2 semaphore(%arg14 : memref<!tpu.dma_semaphore, #tpu.memory_space<semaphore_mem>>) src(%dma_wait3A_112 : memref<160xf32, #tpu.memory_space<hbm>>) dst(%arg9 : memref<160xf32, #tpu.memory_space<vmem>>)
        %ge3A_113 = arith.constant 2 : i32
        %ge3A_114 = arith.cmpi sge, %add3A_93, %ge3A_113 : i32
        %convert_element_type3A_115 = arith.extui %ge3A_114 : i1 to i32
        %cond3A_116 = arith.constant 0 : i32
        %cond3A_117 = arith.cmpi ne, %convert_element_type3A_115, %cond3A_116 : i32
        scf.if %cond3A_117 {
          %dma_wait3A_141 = arith.constant 0 : i32
          %dma_wait3A_142 = arith.constant 0 : i32
          %dma_wait3A_143 = tpu.memref_slice %arg12[%dma_wait3A_141, %dma_wait3A_142] : memref<160x65xf32, #tpu.memory_space<vmem>> -> memref<160x64xf32, #tpu.memory_space<vmem>>
          %dma_wait3A_144 = arith.constant 0 : i32
          %dma_wait3A_145 = arith.constant 0 : i32
          %dma_wait3A_146 = tpu.memref_slice %arg5[%dma_wait3A_144, %dma_wait3A_145] : memref<100000x64xf32, #tpu.memory_space<hbm>> -> memref<160x64xf32, #tpu.memory_space<hbm>>
          %dma_wait3A_147 = arith.constant 0 : i32
          %dma_wait3A_148 = arith.constant 0 : i32
          %dma_wait3A_149 = tpu.memref_slice %arg5[%dma_wait3A_147, %dma_wait3A_148] : memref<100000x64xf32, #tpu.memory_space<hbm>> -> memref<160x64xf32, #tpu.memory_space<hbm>>
          %dma_wait3A_150 = arith.constant 0 : i32
          %dma_wait3A_151 = arith.constant 0 : i32
          %dma_wait3A_152 = tpu.memref_slice %arg12[%dma_wait3A_150, %dma_wait3A_151] : memref<160x65xf32, #tpu.memory_space<vmem>> -> memref<160x64xf32, #tpu.memory_space<vmem>>
          tpu.wait_dma2 semaphore(%arg16 : memref<!tpu.dma_semaphore, #tpu.memory_space<semaphore_mem>>) src(%dma_wait3A_152 : memref<160x64xf32, #tpu.memory_space<vmem>>) dst(%dma_wait3A_149 : memref<160x64xf32, #tpu.memory_space<hbm>>)
        } else {
        }
        %parallel_loop3A = arith.constant 0 : i32
        %parallel_loop3A_118 = arith.constant 10 : i32
        %parallel_loop3A_119 = arith.constant 1 : i32
        scf.for %parallel_loop3A_141 = %parallel_loop3A to %parallel_loop3A_118 step %parallel_loop3A_119  : i32 {
          %parallel_loop3A_142 = arith.constant 16 : i32
          %parallel_loop3A_143 = arith.muli %parallel_loop3A_141, %parallel_loop3A_142 : i32
          %parallel_loop3A_144 = vector.broadcast %parallel_loop3A_143 : i32 to vector<16xi32>
          %parallel_loop3A_145 = arith.addi %parallel_loop3A_144, %iota3A : vector<16xi32>
          %parallel_loop3A_146 = arith.index_cast %parallel_loop3A_143 : i32 to index
          %parallel_loop3A_147 = tpu.vector_load %arg9[%parallel_loop3A_146] {strides = array<i32>} : memref<160xf32, #tpu.memory_space<vmem>>, vector<16xf32>,
          %parallel_loop3A_148 = arith.constant 0 : i32
          %parallel_loop3A_149 = vector.broadcast %parallel_loop3A_148 : i32 to vector<16xi32>
          %parallel_loop3A_150 = arith.constant 0 : i32
          %parallel_loop3A_151 = arith.constant 21 : i32
          %parallel_loop3A_152 = arith.constant 1 : i32
          %parallel_loop3A_153 = scf.for %parallel_loop3A_196 = %parallel_loop3A_150 to %parallel_loop3A_151 step %parallel_loop3A_152 iter_args(%parallel_loop3A_197 = %parallel_loop3A_149) -> (vector<16xi32>)  : i32 {
            %parallel_loop3A_198 = arith.constant 1 : i32
            %parallel_loop3A_199 = vector.broadcast %parallel_loop3A_198 : i32 to vector<16xi32>
            %parallel_loop3A_200 = arith.addi %parallel_loop3A_197, %parallel_loop3A_199 : vector<16xi32>
            %parallel_loop3A_201 = arith.constant 2 : i32
            %parallel_loop3A_202 = vector.broadcast %parallel_loop3A_201 : i32 to vector<16xi32>
            %parallel_loop3A_203 = arith.addi %parallel_loop3A_197, %parallel_loop3A_202 : vector<16xi32>
            %parallel_loop3A_204 = tpu.vector_load_idx %arg7[%parallel_loop3A_145, %parallel_loop3A_197] : memref<160x65xf32, #tpu.memory_space<vmem>>[vector<16xi32>, vector<16xi32>], vector<16xf32>,
            %parallel_loop3A_205 = tpu.vector_load_idx %arg7[%parallel_loop3A_145, %parallel_loop3A_200] : memref<160x65xf32, #tpu.memory_space<vmem>>[vector<16xi32>, vector<16xi32>], vector<16xf32>,
            %parallel_loop3A_206 = tpu.vector_load_idx %arg7[%parallel_loop3A_145, %parallel_loop3A_203] : memref<160x65xf32, #tpu.memory_space<vmem>>[vector<16xi32>, vector<16xi32>], vector<16xf32>,
            %parallel_loop3A_207 = arith.addf %parallel_loop3A_204, %parallel_loop3A_205 : vector<16xf32>
            %parallel_loop3A_208 = arith.constant 0.000000e+00 : f32
            %parallel_loop3A_209 = vector.broadcast %parallel_loop3A_208 : f32 to vector<16xf32>
            %parallel_loop3A_210 = arith.subf %parallel_loop3A_209, %parallel_loop3A_207 : vector<16xf32>
            %parallel_loop3A_211 = math.exp %parallel_loop3A_210 : vector<16xf32>
            %parallel_loop3A_212 = arith.subf %parallel_loop3A_206, %parallel_loop3A_205 : vector<16xf32>
            %parallel_loop3A_213 = math.exp %parallel_loop3A_212 : vector<16xf32>
            %parallel_loop3A_214 = arith.index_cast %parallel_loop3A_196 : i32 to index
            %parallel_loop3A_215 = arith.constant 0 : index
            %parallel_loop3A_216 = tpu.vector_load %arg10[%parallel_loop3A_214, %parallel_loop3A_215] {strides = array<i32>} : memref<32x16xf32, #tpu.memory_space<vmem>>, vector<16xf32>,
            %parallel_loop3A_217 = arith.mulf %parallel_loop3A_216, %parallel_loop3A_147 : vector<16xf32>
            %parallel_loop3A_218 = arith.constant 1.000000e+00 : f32
            %parallel_loop3A_219 = vector.broadcast %parallel_loop3A_218 : f32 to vector<16xf32>
            %parallel_loop3A_220 = arith.addf %parallel_loop3A_211, %parallel_loop3A_219 : vector<16xf32>
            %parallel_loop3A_221 = arith.addf %parallel_loop3A_220, %parallel_loop3A_213 : vector<16xf32>
            %parallel_loop3A_222 = arith.divf %parallel_loop3A_217, %parallel_loop3A_221 : vector<16xf32>
            %parallel_loop3A_223 = arith.mulf %parallel_loop3A_211, %parallel_loop3A_222 : vector<16xf32>
            %parallel_loop3A_224 = arith.constant 0.000000e+00 : f32
            %parallel_loop3A_225 = vector.broadcast %parallel_loop3A_224 : f32 to vector<16xf32>
            %parallel_loop3A_226 = arith.subf %parallel_loop3A_225, %parallel_loop3A_223 : vector<16xf32>
            %parallel_loop3A_227 = arith.mulf %parallel_loop3A_213, %parallel_loop3A_222 : vector<16xf32>
            tpu.vector_store_idx %arg12[%parallel_loop3A_145, %parallel_loop3A_197], %parallel_loop3A_226 : memref<160x65xf32, #tpu.memory_space<vmem>>[vector<16xi32>, vector<16xi32>], vector<16xf32>,
            %parallel_loop3A_228 = arith.constant 1 : i32
            %parallel_loop3A_229 = vector.broadcast %parallel_loop3A_228 : i32 to vector<16xi32>
            %parallel_loop3A_230 = arith.addi %parallel_loop3A_197, %parallel_loop3A_229 : vector<16xi32>
            tpu.vector_store_idx %arg12[%parallel_loop3A_145, %parallel_loop3A_230], %parallel_loop3A_222 : memref<160x65xf32, #tpu.memory_space<vmem>>[vector<16xi32>, vector<16xi32>], vector<16xf32>,
            %parallel_loop3A_231 = arith.constant 2 : i32
            %parallel_loop3A_232 = vector.broadcast %parallel_loop3A_231 : i32 to vector<16xi32>
            %parallel_loop3A_233 = arith.addi %parallel_loop3A_197, %parallel_loop3A_232 : vector<16xi32>
            tpu.vector_store_idx %arg12[%parallel_loop3A_145, %parallel_loop3A_233], %parallel_loop3A_227 : memref<160x65xf32, #tpu.memory_space<vmem>>[vector<16xi32>, vector<16xi32>], vector<16xf32>,
            %parallel_loop3A_234 = arith.constant 3 : i32
            %parallel_loop3A_235 = vector.broadcast %parallel_loop3A_234 : i32 to vector<16xi32>
            %parallel_loop3A_236 = arith.addi %parallel_loop3A_197, %parallel_loop3A_235 : vector<16xi32>
            scf.yield %parallel_loop3A_236 : vector<16xi32>
          } {sc.loop_unroll_factor = 3 : i64, sc.parallel_access}
          %parallel_loop3A_154 = arith.constant 63 : i32
          %parallel_loop3A_155 = vector.broadcast %parallel_loop3A_154 : i32 to vector<16xi32>
          %parallel_loop3A_156 = arith.constant 0 : i32
          %parallel_loop3A_157 = vector.broadcast %parallel_loop3A_156 : i32 to vector<16xi32>
          %parallel_loop3A_158 = arith.constant 1 : i32
          %parallel_loop3A_159 = vector.broadcast %parallel_loop3A_158 : i32 to vector<16xi32>
          %parallel_loop3A_160 = arith.addi %parallel_loop3A_157, %parallel_loop3A_159 : vector<16xi32>
          %parallel_loop3A_161 = tpu.vector_load_idx %arg7[%parallel_loop3A_145, %parallel_loop3A_155] : memref<160x65xf32, #tpu.memory_space<vmem>>[vector<16xi32>, vector<16xi32>], vector<16xf32>,
          %parallel_loop3A_162 = tpu.vector_load_idx %arg7[%parallel_loop3A_145, %parallel_loop3A_157] : memref<160x65xf32, #tpu.memory_space<vmem>>[vector<16xi32>, vector<16xi32>], vector<16xf32>,
          %parallel_loop3A_163 = tpu.vector_load_idx %arg7[%parallel_loop3A_145, %parallel_loop3A_160] : memref<160x65xf32, #tpu.memory_space<vmem>>[vector<16xi32>, vector<16xi32>], vector<16xf32>,
          %parallel_loop3A_164 = arith.addf %parallel_loop3A_161, %parallel_loop3A_162 : vector<16xf32>
          %parallel_loop3A_165 = arith.constant 0.000000e+00 : f32
          %parallel_loop3A_166 = vector.broadcast %parallel_loop3A_165 : f32 to vector<16xf32>
          %parallel_loop3A_167 = arith.subf %parallel_loop3A_166, %parallel_loop3A_164 : vector<16xf32>
          %parallel_loop3A_168 = math.exp %parallel_loop3A_167 : vector<16xf32>
          %parallel_loop3A_169 = arith.subf %parallel_loop3A_163, %parallel_loop3A_162 : vector<16xf32>
          %parallel_loop3A_170 = math.exp %parallel_loop3A_169 : vector<16xf32>
          %parallel_loop3A_171 = arith.constant 21 : i32
          %parallel_loop3A_172 = arith.index_cast %parallel_loop3A_171 : i32 to index
          %parallel_loop3A_173 = arith.constant 0 : index
          %parallel_loop3A_174 = tpu.vector_load %arg10[%parallel_loop3A_172, %parallel_loop3A_173] {strides = array<i32>} : memref<32x16xf32, #tpu.memory_space<vmem>>, vector<16xf32>,
          %parallel_loop3A_175 = arith.mulf %parallel_loop3A_174, %parallel_loop3A_147 : vector<16xf32>
          %parallel_loop3A_176 = arith.constant 1.000000e+00 : f32
          %parallel_loop3A_177 = vector.broadcast %parallel_loop3A_176 : f32 to vector<16xf32>
          %parallel_loop3A_178 = arith.addf %parallel_loop3A_168, %parallel_loop3A_177 : vector<16xf32>
          %parallel_loop3A_179 = arith.addf %parallel_loop3A_178, %parallel_loop3A_170 : vector<16xf32>
          %parallel_loop3A_180 = arith.divf %parallel_loop3A_175, %parallel_loop3A_179 : vector<16xf32>
          %parallel_loop3A_181 = arith.mulf %parallel_loop3A_168, %parallel_loop3A_180 : vector<16xf32>
          %parallel_loop3A_182 = arith.constant 0.000000e+00 : f32
          %parallel_loop3A_183 = vector.broadcast %parallel_loop3A_182 : f32 to vector<16xf32>
          %parallel_loop3A_184 = arith.subf %parallel_loop3A_183, %parallel_loop3A_181 : vector<16xf32>
          %parallel_loop3A_185 = arith.mulf %parallel_loop3A_170, %parallel_loop3A_180 : vector<16xf32>
          tpu.vector_store_idx %arg12[%parallel_loop3A_145, %parallel_loop3A_155], %parallel_loop3A_184 : memref<160x65xf32, #tpu.memory_space<vmem>>[vector<16xi32>, vector<16xi32>], vector<16xf32>,
          tpu.vector_store_idx %arg12[%parallel_loop3A_145, %parallel_loop3A_157], %parallel_loop3A_180 {add = true} : memref<160x65xf32, #tpu.memory_space<vmem>>[vector<16xi32>, vector<16xi32>], vector<16xf32>,
          %parallel_loop3A_186 = arith.constant 1 : i32
          %parallel_loop3A_187 = vector.broadcast %parallel_loop3A_186 : i32 to vector<16xi32>
          %parallel_loop3A_188 = arith.addi %parallel_loop3A_157, %parallel_loop3A_187 : vector<16xi32>
          tpu.vector_store_idx %arg12[%parallel_loop3A_145, %parallel_loop3A_188], %parallel_loop3A_185 {add = true} : memref<160x65xf32, #tpu.memory_space<vmem>>[vector<16xi32>, vector<16xi32>], vector<16xf32>,
          %parallel_loop3A_189 = arith.constant 2 : i32
          %parallel_loop3A_190 = vector.broadcast %parallel_loop3A_189 : i32 to vector<16xi32>
          %parallel_loop3A_191 = arith.addi %parallel_loop3A_157, %parallel_loop3A_190 : vector<16xi32>
          %parallel_loop3A_192 = arith.constant 22 : i32
          %parallel_loop3A_193 = arith.constant 32 : i32
          %parallel_loop3A_194 = arith.constant 1 : i32
          %parallel_loop3A_195 = scf.for %parallel_loop3A_196 = %parallel_loop3A_192 to %parallel_loop3A_193 step %parallel_loop3A_194 iter_args(%parallel_loop3A_197 = %parallel_loop3A_191) -> (vector<16xi32>)  : i32 {
            %parallel_loop3A_198 = arith.constant 1 : i32
            %parallel_loop3A_199 = vector.broadcast %parallel_loop3A_198 : i32 to vector<16xi32>
            %parallel_loop3A_200 = arith.addi %parallel_loop3A_197, %parallel_loop3A_199 : vector<16xi32>
            %parallel_loop3A_201 = arith.constant 2 : i32
            %parallel_loop3A_202 = vector.broadcast %parallel_loop3A_201 : i32 to vector<16xi32>
            %parallel_loop3A_203 = arith.addi %parallel_loop3A_197, %parallel_loop3A_202 : vector<16xi32>
            %parallel_loop3A_204 = tpu.vector_load_idx %arg7[%parallel_loop3A_145, %parallel_loop3A_197] : memref<160x65xf32, #tpu.memory_space<vmem>>[vector<16xi32>, vector<16xi32>], vector<16xf32>,
            %parallel_loop3A_205 = tpu.vector_load_idx %arg7[%parallel_loop3A_145, %parallel_loop3A_200] : memref<160x65xf32, #tpu.memory_space<vmem>>[vector<16xi32>, vector<16xi32>], vector<16xf32>,
            %parallel_loop3A_206 = tpu.vector_load_idx %arg7[%parallel_loop3A_145, %parallel_loop3A_203] : memref<160x65xf32, #tpu.memory_space<vmem>>[vector<16xi32>, vector<16xi32>], vector<16xf32>,
            %parallel_loop3A_207 = arith.addf %parallel_loop3A_204, %parallel_loop3A_205 : vector<16xf32>
            %parallel_loop3A_208 = arith.constant 0.000000e+00 : f32
            %parallel_loop3A_209 = vector.broadcast %parallel_loop3A_208 : f32 to vector<16xf32>
            %parallel_loop3A_210 = arith.subf %parallel_loop3A_209, %parallel_loop3A_207 : vector<16xf32>
            %parallel_loop3A_211 = math.exp %parallel_loop3A_210 : vector<16xf32>
            %parallel_loop3A_212 = arith.subf %parallel_loop3A_206, %parallel_loop3A_205 : vector<16xf32>
            %parallel_loop3A_213 = math.exp %parallel_loop3A_212 : vector<16xf32>
            %parallel_loop3A_214 = arith.index_cast %parallel_loop3A_196 : i32 to index
            %parallel_loop3A_215 = arith.constant 0 : index
            %parallel_loop3A_216 = tpu.vector_load %arg10[%parallel_loop3A_214, %parallel_loop3A_215] {strides = array<i32>} : memref<32x16xf32, #tpu.memory_space<vmem>>, vector<16xf32>,
            %parallel_loop3A_217 = arith.mulf %parallel_loop3A_216, %parallel_loop3A_147 : vector<16xf32>
            %parallel_loop3A_218 = arith.constant 1.000000e+00 : f32
            %parallel_loop3A_219 = vector.broadcast %parallel_loop3A_218 : f32 to vector<16xf32>
            %parallel_loop3A_220 = arith.addf %parallel_loop3A_211, %parallel_loop3A_219 : vector<16xf32>
            %parallel_loop3A_221 = arith.addf %parallel_loop3A_220, %parallel_loop3A_213 : vector<16xf32>
            %parallel_loop3A_222 = arith.divf %parallel_loop3A_217, %parallel_loop3A_221 : vector<16xf32>
            %parallel_loop3A_223 = arith.mulf %parallel_loop3A_211, %parallel_loop3A_222 : vector<16xf32>
            %parallel_loop3A_224 = arith.constant 0.000000e+00 : f32
            %parallel_loop3A_225 = vector.broadcast %parallel_loop3A_224 : f32 to vector<16xf32>
            %parallel_loop3A_226 = arith.subf %parallel_loop3A_225, %parallel_loop3A_223 : vector<16xf32>
            %parallel_loop3A_227 = arith.mulf %parallel_loop3A_213, %parallel_loop3A_222 : vector<16xf32>
            tpu.vector_store_idx %arg12[%parallel_loop3A_145, %parallel_loop3A_197], %parallel_loop3A_226 {add = true} : memref<160x65xf32, #tpu.memory_space<vmem>>[vector<16xi32>, vector<16xi32>], vector<16xf32>,
            %parallel_loop3A_228 = arith.constant 1 : i32
            %parallel_loop3A_229 = vector.broadcast %parallel_loop3A_228 : i32 to vector<16xi32>
            %parallel_loop3A_230 = arith.addi %parallel_loop3A_197, %parallel_loop3A_229 : vector<16xi32>
            tpu.vector_store_idx %arg12[%parallel_loop3A_145, %parallel_loop3A_230], %parallel_loop3A_222 {add = true} : memref<160x65xf32, #tpu.memory_space<vmem>>[vector<16xi32>, vector<16xi32>], vector<16xf32>,
            %parallel_loop3A_231 = arith.constant 2 : i32
            %parallel_loop3A_232 = vector.broadcast %parallel_loop3A_231 : i32 to vector<16xi32>
            %parallel_loop3A_233 = arith.addi %parallel_loop3A_197, %parallel_loop3A_232 : vector<16xi32>
            tpu.vector_store_idx %arg12[%parallel_loop3A_145, %parallel_loop3A_233], %parallel_loop3A_227 {add = true} : memref<160x65xf32, #tpu.memory_space<vmem>>[vector<16xi32>, vector<16xi32>], vector<16xf32>,
            %parallel_loop3A_234 = arith.constant 3 : i32
            %parallel_loop3A_235 = vector.broadcast %parallel_loop3A_234 : i32 to vector<16xi32>
            %parallel_loop3A_236 = arith.addi %parallel_loop3A_197, %parallel_loop3A_235 : vector<16xi32>
            scf.yield %parallel_loop3A_236 : vector<16xi32>
          } {sc.loop_unroll_factor = 2 : i64, sc.parallel_access}
        } {sc.loop_unroll_factor = 2 : i64, sc.parallel_access}
        %mul3A_120 = arith.constant 32 : i32
        %mul3A_121 = arith.muli %add3A_93, %mul3A_120 : i32
        %add3A_122 = arith.addi %add3A, %mul3A_121 : i32
        %mul3A_123 = arith.constant 160 : i32
        %mul3A_124 = arith.muli %add3A_122, %mul3A_123 : i32
        %dma_start3A_125 = arith.constant 0 : i32
        %dma_start3A_126 = arith.constant 0 : i32
        %dma_start3A_127 = tpu.memref_slice %arg12[%dma_start3A_125, %dma_start3A_126] : memref<160x65xf32, #tpu.memory_space<vmem>> -> memref<160x64xf32, #tpu.memory_space<vmem>>
        %dma_start3A_128 = arith.constant 0 : i32
        %dma_start3A_129 = tpu.memref_slice %arg5[%mul3A_124, %dma_start3A_128] : memref<100000x64xf32, #tpu.memory_space<hbm>> -> memref<160x64xf32, #tpu.memory_space<hbm>>
        %dma_start3A_130 = arith.constant 0 : i32
        %dma_start3A_131 = tpu.memref_slice %arg5[%mul3A_124, %dma_start3A_130] : memref<100000x64xf32, #tpu.memory_space<hbm>> -> memref<160x64xf32, #tpu.memory_space<hbm>>
        %dma_start3A_132 = arith.constant 0 : i32
        %dma_start3A_133 = arith.constant 0 : i32
        %dma_start3A_134 = tpu.memref_slice %arg12[%dma_start3A_132, %dma_start3A_133] : memref<160x65xf32, #tpu.memory_space<vmem>> -> memref<160x64xf32, #tpu.memory_space<vmem>>
        tpu.enqueue_dma source(%dma_start3A_134 : memref<160x64xf32, #tpu.memory_space<vmem>>) target(%dma_start3A_131 : memref<160x64xf32, #tpu.memory_space<hbm>>) target_semaphore(%arg16 : memref<!tpu.dma_semaphore, #tpu.memory_space<semaphore_mem>>)
        %add3A_135 = arith.constant 2 : i32
        %add3A_136 = arith.addi %add3A_93, %add3A_135 : i32
        %lt3A_137 = arith.cmpi slt, %add3A_136, %add3A_20 : i32
        %convert_element_type3A_138 = arith.extui %lt3A_137 : i1 to i32
        %cond3A_139 = arith.constant 0 : i32
        %cond3A_140 = arith.cmpi ne, %convert_element_type3A_138, %cond3A_139 : i32
        scf.if %cond3A_140 {
          %add3A_141 = arith.constant 2 : i32
          %add3A_142 = arith.addi %add3A_93, %add3A_141 : i32
          %mul3A_143 = arith.constant 32 : i32
          %mul3A_144 = arith.muli %add3A_142, %mul3A_143 : i32
          %add3A_145 = arith.addi %add3A, %mul3A_144 : i32
          %mul3A_146 = arith.constant 160 : i32
          %mul3A_147 = arith.muli %add3A_145, %mul3A_146 : i32
          %dma_start3A_148 = arith.constant 0 : i32
          %dma_start3A_149 = arith.constant 0 : i32
          %dma_start3A_150 = tpu.memref_slice %arg7[%dma_start3A_148, %dma_start3A_149] : memref<160x65xf32, #tpu.memory_space<vmem>> -> memref<160x64xf32, #tpu.memory_space<vmem>>
          %dma_start3A_151 = arith.constant 0 : i32
          %dma_start3A_152 = tpu.memref_slice %arg2[%mul3A_147, %dma_start3A_151] : memref<100000x64xf32, #tpu.memory_space<hbm>> -> memref<160x64xf32, #tpu.memory_space<hbm>>
          %dma_start3A_153 = arith.constant 0 : i32
          %dma_start3A_154 = arith.constant 0 : i32
          %dma_start3A_155 = tpu.memref_slice %arg7[%dma_start3A_153, %dma_start3A_154] : memref<160x65xf32, #tpu.memory_space<vmem>> -> memref<160x64xf32, #tpu.memory_space<vmem>>
          %dma_start3A_156 = arith.constant 0 : i32
          %dma_start3A_157 = tpu.memref_slice %arg2[%mul3A_147, %dma_start3A_156] : memref<100000x64xf32, #tpu.memory_space<hbm>> -> memref<160x64xf32, #tpu.memory_space<hbm>>
          tpu.enqueue_dma source(%dma_start3A_157 : memref<160x64xf32, #tpu.memory_space<hbm>>) target(%dma_start3A_155 : memref<160x64xf32, #tpu.memory_space<vmem>>) target_semaphore(%arg14 : memref<!tpu.dma_semaphore, #tpu.memory_space<semaphore_mem>>)
          %dma_start3A_158 = tpu.memref_slice %arg3[%mul3A_147] : memref<100000xf32, #tpu.memory_space<hbm>> -> memref<160xf32, #tpu.memory_space<hbm>>
          %dma_start3A_159 = tpu.memref_slice %arg3[%mul3A_147] : memref<100000xf32, #tpu.memory_space<hbm>> -> memref<160xf32, #tpu.memory_space<hbm>>
          tpu.enqueue_dma source(%dma_start3A_159 : memref<160xf32, #tpu.memory_space<hbm>>) target(%arg9 : memref<160xf32, #tpu.memory_space<vmem>>) target_semaphore(%arg14 : memref<!tpu.dma_semaphore, #tpu.memory_space<semaphore_mem>>)
        } else {
        }
      } else {
      }
    }
    %while3A_72 = arith.constant 1 : i32
    scf.for %while3A_82 = %while3A_70 to %while3A_66 step %while3A_72  : i32 {
      %mul3A_83 = arith.constant 2 : i32
      %mul3A_84 = arith.muli %while3A_82, %mul3A_83 : i32
      %add3A_85 = arith.constant 0 : i32
      %add3A_86 = arith.addi %mul3A_84, %add3A_85 : i32
      %lt3A = arith.cmpi slt, %add3A_86, %add3A_20 : i32
      %convert_element_type3A_87 = arith.extui %lt3A : i1 to i32
      %cond3A_88 = arith.constant 0 : i32
      %cond3A_89 = arith.cmpi ne, %convert_element_type3A_87, %cond3A_88 : i32
      scf.if %cond3A_89 {
        %dma_wait3A = arith.constant 0 : i32
        %dma_wait3A_98 = arith.constant 0 : i32
        %dma_wait3A_99 = tpu.memref_slice %arg6[%dma_wait3A, %dma_wait3A_98] : memref<160x65xf32, #tpu.memory_space<vmem>> -> memref<160x64xf32, #tpu.memory_space<vmem>>
        %dma_wait3A_100 = arith.constant 0 : i32
        %dma_wait3A_101 = arith.constant 0 : i32
        %dma_wait3A_102 = tpu.memref_slice %arg2[%dma_wait3A_100, %dma_wait3A_101] : memref<100000x64xf32, #tpu.memory_space<hbm>> -> memref<160x64xf32, #tpu.memory_space<hbm>>
        %dma_wait3A_103 = arith.constant 0 : i32
        %dma_wait3A_104 = arith.constant 0 : i32
        %dma_wait3A_105 = tpu.memref_slice %arg6[%dma_wait3A_103, %dma_wait3A_104] : memref<160x65xf32, #tpu.memory_space<vmem>> -> memref<160x64xf32, #tpu.memory_space<vmem>>
        %dma_wait3A_106 = arith.constant 0 : i32
        %dma_wait3A_107 = arith.constant 0 : i32
        %dma_wait3A_108 = tpu.memref_slice %arg2[%dma_wait3A_106, %dma_wait3A_107] : memref<100000x64xf32, #tpu.memory_space<hbm>> -> memref<160x64xf32, #tpu.memory_space<hbm>>
        tpu.wait_dma2 semaphore(%arg13 : memref<!tpu.dma_semaphore, #tpu.memory_space<semaphore_mem>>) src(%dma_wait3A_108 : memref<160x64xf32, #tpu.memory_space<hbm>>) dst(%dma_wait3A_105 : memref<160x64xf32, #tpu.memory_space<vmem>>)
        %dma_wait3A_109 = arith.constant 0 : i32
        %dma_wait3A_110 = tpu.memref_slice %arg3[%dma_wait3A_109] : memref<100000xf32, #tpu.memory_space<hbm>> -> memref<160xf32, #tpu.memory_space<hbm>>
        %dma_wait3A_111 = arith.constant 0 : i32
        %dma_wait3A_112 = tpu.memref_slice %arg3[%dma_wait3A_111] : memref<100000xf32, #tpu.memory_space<hbm>> -> memref<160xf32, #tpu.memory_space<hbm>>
        tpu.wait_dma2 semaphore(%arg13 : memref<!tpu.dma_semaphore, #tpu.memory_space<semaphore_mem>>) src(%dma_wait3A_112 : memref<160xf32, #tpu.memory_space<hbm>>) dst(%arg8 : memref<160xf32, #tpu.memory_space<vmem>>)
        %ge3A_113 = arith.constant 2 : i32
        %ge3A_114 = arith.cmpi sge, %add3A_86, %ge3A_113 : i32
        %convert_element_type3A_115 = arith.extui %ge3A_114 : i1 to i32
        %cond3A_116 = arith.constant 0 : i32
        %cond3A_117 = arith.cmpi ne, %convert_element_type3A_115, %cond3A_116 : i32
        scf.if %cond3A_117 {
          %dma_wait3A_141 = arith.constant 0 : i32
          %dma_wait3A_142 = arith.constant 0 : i32
          %dma_wait3A_143 = tpu.memref_slice %arg11[%dma_wait3A_141, %dma_wait3A_142] : memref<160x65xf32, #tpu.memory_space<vmem>> -> memref<160x64xf32, #tpu.memory_space<vmem>>
          %dma_wait3A_144 = arith.constant 0 : i32
          %dma_wait3A_145 = arith.constant 0 : i32
          %dma_wait3A_146 = tpu.memref_slice %arg5[%dma_wait3A_144, %dma_wait3A_145] : memref<100000x64xf32, #tpu.memory_space<hbm>> -> memref<160x64xf32, #tpu.memory_space<hbm>>
          %dma_wait3A_147 = arith.constant 0 : i32
          %dma_wait3A_148 = arith.constant 0 : i32
          %dma_wait3A_149 = tpu.memref_slice %arg5[%dma_wait3A_147, %dma_wait3A_148] : memref<100000x64xf32, #tpu.memory_space<hbm>> -> memref<160x64xf32, #tpu.memory_space<hbm>>
          %dma_wait3A_150 = arith.constant 0 : i32
          %dma_wait3A_151 = arith.constant 0 : i32
          %dma_wait3A_152 = tpu.memref_slice %arg11[%dma_wait3A_150, %dma_wait3A_151] : memref<160x65xf32, #tpu.memory_space<vmem>> -> memref<160x64xf32, #tpu.memory_space<vmem>>
          tpu.wait_dma2 semaphore(%arg15 : memref<!tpu.dma_semaphore, #tpu.memory_space<semaphore_mem>>) src(%dma_wait3A_152 : memref<160x64xf32, #tpu.memory_space<vmem>>) dst(%dma_wait3A_149 : memref<160x64xf32, #tpu.memory_space<hbm>>)
        } else {
        }
        %parallel_loop3A = arith.constant 0 : i32
        %parallel_loop3A_118 = arith.constant 10 : i32
        %parallel_loop3A_119 = arith.constant 1 : i32
        scf.for %parallel_loop3A_141 = %parallel_loop3A to %parallel_loop3A_118 step %parallel_loop3A_119  : i32 {
          %parallel_loop3A_142 = arith.constant 16 : i32
          %parallel_loop3A_143 = arith.muli %parallel_loop3A_141, %parallel_loop3A_142 : i32
          %parallel_loop3A_144 = vector.broadcast %parallel_loop3A_143 : i32 to vector<16xi32>
          %parallel_loop3A_145 = arith.addi %parallel_loop3A_144, %iota3A : vector<16xi32>
          %parallel_loop3A_146 = arith.index_cast %parallel_loop3A_143 : i32 to index
          %parallel_loop3A_147 = tpu.vector_load %arg8[%parallel_loop3A_146] {strides = array<i32>} : memref<160xf32, #tpu.memory_space<vmem>>, vector<16xf32>,
          %parallel_loop3A_148 = arith.constant 0 : i32
          %parallel_loop3A_149 = vector.broadcast %parallel_loop3A_148 : i32 to vector<16xi32>
          %parallel_loop3A_150 = arith.constant 0 : i32
          %parallel_loop3A_151 = arith.constant 21 : i32
          %parallel_loop3A_152 = arith.constant 1 : i32
          %parallel_loop3A_153 = scf.for %parallel_loop3A_196 = %parallel_loop3A_150 to %parallel_loop3A_151 step %parallel_loop3A_152 iter_args(%parallel_loop3A_197 = %parallel_loop3A_149) -> (vector<16xi32>)  : i32 {
            %parallel_loop3A_198 = arith.constant 1 : i32
            %parallel_loop3A_199 = vector.broadcast %parallel_loop3A_198 : i32 to vector<16xi32>
            %parallel_loop3A_200 = arith.addi %parallel_loop3A_197, %parallel_loop3A_199 : vector<16xi32>
            %parallel_loop3A_201 = arith.constant 2 : i32
            %parallel_loop3A_202 = vector.broadcast %parallel_loop3A_201 : i32 to vector<16xi32>
            %parallel_loop3A_203 = arith.addi %parallel_loop3A_197, %parallel_loop3A_202 : vector<16xi32>
            %parallel_loop3A_204 = tpu.vector_load_idx %arg6[%parallel_loop3A_145, %parallel_loop3A_197] : memref<160x65xf32, #tpu.memory_space<vmem>>[vector<16xi32>, vector<16xi32>], vector<16xf32>,
            %parallel_loop3A_205 = tpu.vector_load_idx %arg6[%parallel_loop3A_145, %parallel_loop3A_200] : memref<160x65xf32, #tpu.memory_space<vmem>>[vector<16xi32>, vector<16xi32>], vector<16xf32>,
            %parallel_loop3A_206 = tpu.vector_load_idx %arg6[%parallel_loop3A_145, %parallel_loop3A_203] : memref<160x65xf32, #tpu.memory_space<vmem>>[vector<16xi32>, vector<16xi32>], vector<16xf32>,
            %parallel_loop3A_207 = arith.addf %parallel_loop3A_204, %parallel_loop3A_205 : vector<16xf32>
            %parallel_loop3A_208 = arith.constant 0.000000e+00 : f32
            %parallel_loop3A_209 = vector.broadcast %parallel_loop3A_208 : f32 to vector<16xf32>
            %parallel_loop3A_210 = arith.subf %parallel_loop3A_209, %parallel_loop3A_207 : vector<16xf32>
            %parallel_loop3A_211 = math.exp %parallel_loop3A_210 : vector<16xf32>
            %parallel_loop3A_212 = arith.subf %parallel_loop3A_206, %parallel_loop3A_205 : vector<16xf32>
            %parallel_loop3A_213 = math.exp %parallel_loop3A_212 : vector<16xf32>
            %parallel_loop3A_214 = arith.index_cast %parallel_loop3A_196 : i32 to index
            %parallel_loop3A_215 = arith.constant 0 : index
            %parallel_loop3A_216 = tpu.vector_load %arg10[%parallel_loop3A_214, %parallel_loop3A_215] {strides = array<i32>} : memref<32x16xf32, #tpu.memory_space<vmem>>, vector<16xf32>,
            %parallel_loop3A_217 = arith.mulf %parallel_loop3A_216, %parallel_loop3A_147 : vector<16xf32>
            %parallel_loop3A_218 = arith.constant 1.000000e+00 : f32
            %parallel_loop3A_219 = vector.broadcast %parallel_loop3A_218 : f32 to vector<16xf32>
            %parallel_loop3A_220 = arith.addf %parallel_loop3A_211, %parallel_loop3A_219 : vector<16xf32>
            %parallel_loop3A_221 = arith.addf %parallel_loop3A_220, %parallel_loop3A_213 : vector<16xf32>
            %parallel_loop3A_222 = arith.divf %parallel_loop3A_217, %parallel_loop3A_221 : vector<16xf32>
            %parallel_loop3A_223 = arith.mulf %parallel_loop3A_211, %parallel_loop3A_222 : vector<16xf32>
            %parallel_loop3A_224 = arith.constant 0.000000e+00 : f32
            %parallel_loop3A_225 = vector.broadcast %parallel_loop3A_224 : f32 to vector<16xf32>
            %parallel_loop3A_226 = arith.subf %parallel_loop3A_225, %parallel_loop3A_223 : vector<16xf32>
            %parallel_loop3A_227 = arith.mulf %parallel_loop3A_213, %parallel_loop3A_222 : vector<16xf32>
            tpu.vector_store_idx %arg11[%parallel_loop3A_145, %parallel_loop3A_197], %parallel_loop3A_226 : memref<160x65xf32, #tpu.memory_space<vmem>>[vector<16xi32>, vector<16xi32>], vector<16xf32>,
            %parallel_loop3A_228 = arith.constant 1 : i32
            %parallel_loop3A_229 = vector.broadcast %parallel_loop3A_228 : i32 to vector<16xi32>
            %parallel_loop3A_230 = arith.addi %parallel_loop3A_197, %parallel_loop3A_229 : vector<16xi32>
            tpu.vector_store_idx %arg11[%parallel_loop3A_145, %parallel_loop3A_230], %parallel_loop3A_222 : memref<160x65xf32, #tpu.memory_space<vmem>>[vector<16xi32>, vector<16xi32>], vector<16xf32>,
            %parallel_loop3A_231 = arith.constant 2 : i32
            %parallel_loop3A_232 = vector.broadcast %parallel_loop3A_231 : i32 to vector<16xi32>
            %parallel_loop3A_233 = arith.addi %parallel_loop3A_197, %parallel_loop3A_232 : vector<16xi32>
            tpu.vector_store_idx %arg11[%parallel_loop3A_145, %parallel_loop3A_233], %parallel_loop3A_227 : memref<160x65xf32, #tpu.memory_space<vmem>>[vector<16xi32>, vector<16xi32>], vector<16xf32>,
            %parallel_loop3A_234 = arith.constant 3 : i32
            %parallel_loop3A_235 = vector.broadcast %parallel_loop3A_234 : i32 to vector<16xi32>
            %parallel_loop3A_236 = arith.addi %parallel_loop3A_197, %parallel_loop3A_235 : vector<16xi32>
            scf.yield %parallel_loop3A_236 : vector<16xi32>
          } {sc.loop_unroll_factor = 3 : i64, sc.parallel_access}
          %parallel_loop3A_154 = arith.constant 63 : i32
          %parallel_loop3A_155 = vector.broadcast %parallel_loop3A_154 : i32 to vector<16xi32>
          %parallel_loop3A_156 = arith.constant 0 : i32
          %parallel_loop3A_157 = vector.broadcast %parallel_loop3A_156 : i32 to vector<16xi32>
          %parallel_loop3A_158 = arith.constant 1 : i32
          %parallel_loop3A_159 = vector.broadcast %parallel_loop3A_158 : i32 to vector<16xi32>
          %parallel_loop3A_160 = arith.addi %parallel_loop3A_157, %parallel_loop3A_159 : vector<16xi32>
          %parallel_loop3A_161 = tpu.vector_load_idx %arg6[%parallel_loop3A_145, %parallel_loop3A_155] : memref<160x65xf32, #tpu.memory_space<vmem>>[vector<16xi32>, vector<16xi32>], vector<16xf32>,
          %parallel_loop3A_162 = tpu.vector_load_idx %arg6[%parallel_loop3A_145, %parallel_loop3A_157] : memref<160x65xf32, #tpu.memory_space<vmem>>[vector<16xi32>, vector<16xi32>], vector<16xf32>,
          %parallel_loop3A_163 = tpu.vector_load_idx %arg6[%parallel_loop3A_145, %parallel_loop3A_160] : memref<160x65xf32, #tpu.memory_space<vmem>>[vector<16xi32>, vector<16xi32>], vector<16xf32>,
          %parallel_loop3A_164 = arith.addf %parallel_loop3A_161, %parallel_loop3A_162 : vector<16xf32>
          %parallel_loop3A_165 = arith.constant 0.000000e+00 : f32
          %parallel_loop3A_166 = vector.broadcast %parallel_loop3A_165 : f32 to vector<16xf32>
          %parallel_loop3A_167 = arith.subf %parallel_loop3A_166, %parallel_loop3A_164 : vector<16xf32>
          %parallel_loop3A_168 = math.exp %parallel_loop3A_167 : vector<16xf32>
          %parallel_loop3A_169 = arith.subf %parallel_loop3A_163, %parallel_loop3A_162 : vector<16xf32>
          %parallel_loop3A_170 = math.exp %parallel_loop3A_169 : vector<16xf32>
          %parallel_loop3A_171 = arith.constant 21 : i32
          %parallel_loop3A_172 = arith.index_cast %parallel_loop3A_171 : i32 to index
          %parallel_loop3A_173 = arith.constant 0 : index
          %parallel_loop3A_174 = tpu.vector_load %arg10[%parallel_loop3A_172, %parallel_loop3A_173] {strides = array<i32>} : memref<32x16xf32, #tpu.memory_space<vmem>>, vector<16xf32>,
          %parallel_loop3A_175 = arith.mulf %parallel_loop3A_174, %parallel_loop3A_147 : vector<16xf32>
          %parallel_loop3A_176 = arith.constant 1.000000e+00 : f32
          %parallel_loop3A_177 = vector.broadcast %parallel_loop3A_176 : f32 to vector<16xf32>
          %parallel_loop3A_178 = arith.addf %parallel_loop3A_168, %parallel_loop3A_177 : vector<16xf32>
          %parallel_loop3A_179 = arith.addf %parallel_loop3A_178, %parallel_loop3A_170 : vector<16xf32>
          %parallel_loop3A_180 = arith.divf %parallel_loop3A_175, %parallel_loop3A_179 : vector<16xf32>
          %parallel_loop3A_181 = arith.mulf %parallel_loop3A_168, %parallel_loop3A_180 : vector<16xf32>
          %parallel_loop3A_182 = arith.constant 0.000000e+00 : f32
          %parallel_loop3A_183 = vector.broadcast %parallel_loop3A_182 : f32 to vector<16xf32>
          %parallel_loop3A_184 = arith.subf %parallel_loop3A_183, %parallel_loop3A_181 : vector<16xf32>
          %parallel_loop3A_185 = arith.mulf %parallel_loop3A_170, %parallel_loop3A_180 : vector<16xf32>
          tpu.vector_store_idx %arg11[%parallel_loop3A_145, %parallel_loop3A_155], %parallel_loop3A_184 : memref<160x65xf32, #tpu.memory_space<vmem>>[vector<16xi32>, vector<16xi32>], vector<16xf32>,
          tpu.vector_store_idx %arg11[%parallel_loop3A_145, %parallel_loop3A_157], %parallel_loop3A_180 {add = true} : memref<160x65xf32, #tpu.memory_space<vmem>>[vector<16xi32>, vector<16xi32>], vector<16xf32>,
          %parallel_loop3A_186 = arith.constant 1 : i32
          %parallel_loop3A_187 = vector.broadcast %parallel_loop3A_186 : i32 to vector<16xi32>
          %parallel_loop3A_188 = arith.addi %parallel_loop3A_157, %parallel_loop3A_187 : vector<16xi32>
          tpu.vector_store_idx %arg11[%parallel_loop3A_145, %parallel_loop3A_188], %parallel_loop3A_185 {add = true} : memref<160x65xf32, #tpu.memory_space<vmem>>[vector<16xi32>, vector<16xi32>], vector<16xf32>,
          %parallel_loop3A_189 = arith.constant 2 : i32
          %parallel_loop3A_190 = vector.broadcast %parallel_loop3A_189 : i32 to vector<16xi32>
          %parallel_loop3A_191 = arith.addi %parallel_loop3A_157, %parallel_loop3A_190 : vector<16xi32>
          %parallel_loop3A_192 = arith.constant 22 : i32
          %parallel_loop3A_193 = arith.constant 32 : i32
          %parallel_loop3A_194 = arith.constant 1 : i32
          %parallel_loop3A_195 = scf.for %parallel_loop3A_196 = %parallel_loop3A_192 to %parallel_loop3A_193 step %parallel_loop3A_194 iter_args(%parallel_loop3A_197 = %parallel_loop3A_191) -> (vector<16xi32>)  : i32 {
            %parallel_loop3A_198 = arith.constant 1 : i32
            %parallel_loop3A_199 = vector.broadcast %parallel_loop3A_198 : i32 to vector<16xi32>
            %parallel_loop3A_200 = arith.addi %parallel_loop3A_197, %parallel_loop3A_199 : vector<16xi32>
            %parallel_loop3A_201 = arith.constant 2 : i32
            %parallel_loop3A_202 = vector.broadcast %parallel_loop3A_201 : i32 to vector<16xi32>
            %parallel_loop3A_203 = arith.addi %parallel_loop3A_197, %parallel_loop3A_202 : vector<16xi32>
            %parallel_loop3A_204 = tpu.vector_load_idx %arg6[%parallel_loop3A_145, %parallel_loop3A_197] : memref<160x65xf32, #tpu.memory_space<vmem>>[vector<16xi32>, vector<16xi32>], vector<16xf32>,
            %parallel_loop3A_205 = tpu.vector_load_idx %arg6[%parallel_loop3A_145, %parallel_loop3A_200] : memref<160x65xf32, #tpu.memory_space<vmem>>[vector<16xi32>, vector<16xi32>], vector<16xf32>,
            %parallel_loop3A_206 = tpu.vector_load_idx %arg6[%parallel_loop3A_145, %parallel_loop3A_203] : memref<160x65xf32, #tpu.memory_space<vmem>>[vector<16xi32>, vector<16xi32>], vector<16xf32>,
            %parallel_loop3A_207 = arith.addf %parallel_loop3A_204, %parallel_loop3A_205 : vector<16xf32>
            %parallel_loop3A_208 = arith.constant 0.000000e+00 : f32
            %parallel_loop3A_209 = vector.broadcast %parallel_loop3A_208 : f32 to vector<16xf32>
            %parallel_loop3A_210 = arith.subf %parallel_loop3A_209, %parallel_loop3A_207 : vector<16xf32>
            %parallel_loop3A_211 = math.exp %parallel_loop3A_210 : vector<16xf32>
            %parallel_loop3A_212 = arith.subf %parallel_loop3A_206, %parallel_loop3A_205 : vector<16xf32>
            %parallel_loop3A_213 = math.exp %parallel_loop3A_212 : vector<16xf32>
            %parallel_loop3A_214 = arith.index_cast %parallel_loop3A_196 : i32 to index
            %parallel_loop3A_215 = arith.constant 0 : index
            %parallel_loop3A_216 = tpu.vector_load %arg10[%parallel_loop3A_214, %parallel_loop3A_215] {strides = array<i32>} : memref<32x16xf32, #tpu.memory_space<vmem>>, vector<16xf32>,
            %parallel_loop3A_217 = arith.mulf %parallel_loop3A_216, %parallel_loop3A_147 : vector<16xf32>
            %parallel_loop3A_218 = arith.constant 1.000000e+00 : f32
            %parallel_loop3A_219 = vector.broadcast %parallel_loop3A_218 : f32 to vector<16xf32>
            %parallel_loop3A_220 = arith.addf %parallel_loop3A_211, %parallel_loop3A_219 : vector<16xf32>
            %parallel_loop3A_221 = arith.addf %parallel_loop3A_220, %parallel_loop3A_213 : vector<16xf32>
            %parallel_loop3A_222 = arith.divf %parallel_loop3A_217, %parallel_loop3A_221 : vector<16xf32>
            %parallel_loop3A_223 = arith.mulf %parallel_loop3A_211, %parallel_loop3A_222 : vector<16xf32>
            %parallel_loop3A_224 = arith.constant 0.000000e+00 : f32
            %parallel_loop3A_225 = vector.broadcast %parallel_loop3A_224 : f32 to vector<16xf32>
            %parallel_loop3A_226 = arith.subf %parallel_loop3A_225, %parallel_loop3A_223 : vector<16xf32>
            %parallel_loop3A_227 = arith.mulf %parallel_loop3A_213, %parallel_loop3A_222 : vector<16xf32>
            tpu.vector_store_idx %arg11[%parallel_loop3A_145, %parallel_loop3A_197], %parallel_loop3A_226 {add = true} : memref<160x65xf32, #tpu.memory_space<vmem>>[vector<16xi32>, vector<16xi32>], vector<16xf32>,
            %parallel_loop3A_228 = arith.constant 1 : i32
            %parallel_loop3A_229 = vector.broadcast %parallel_loop3A_228 : i32 to vector<16xi32>
            %parallel_loop3A_230 = arith.addi %parallel_loop3A_197, %parallel_loop3A_229 : vector<16xi32>
            tpu.vector_store_idx %arg11[%parallel_loop3A_145, %parallel_loop3A_230], %parallel_loop3A_222 {add = true} : memref<160x65xf32, #tpu.memory_space<vmem>>[vector<16xi32>, vector<16xi32>], vector<16xf32>,
            %parallel_loop3A_231 = arith.constant 2 : i32
            %parallel_loop3A_232 = vector.broadcast %parallel_loop3A_231 : i32 to vector<16xi32>
            %parallel_loop3A_233 = arith.addi %parallel_loop3A_197, %parallel_loop3A_232 : vector<16xi32>
            tpu.vector_store_idx %arg11[%parallel_loop3A_145, %parallel_loop3A_233], %parallel_loop3A_227 {add = true} : memref<160x65xf32, #tpu.memory_space<vmem>>[vector<16xi32>, vector<16xi32>], vector<16xf32>,
            %parallel_loop3A_234 = arith.constant 3 : i32
            %parallel_loop3A_235 = vector.broadcast %parallel_loop3A_234 : i32 to vector<16xi32>
            %parallel_loop3A_236 = arith.addi %parallel_loop3A_197, %parallel_loop3A_235 : vector<16xi32>
            scf.yield %parallel_loop3A_236 : vector<16xi32>
          } {sc.loop_unroll_factor = 2 : i64, sc.parallel_access}
        } {sc.loop_unroll_factor = 2 : i64, sc.parallel_access}
        %mul3A_120 = arith.constant 32 : i32
        %mul3A_121 = arith.muli %add3A_86, %mul3A_120 : i32
        %add3A_122 = arith.addi %add3A, %mul3A_121 : i32
        %mul3A_123 = arith.constant 160 : i32
        %mul3A_124 = arith.muli %add3A_122, %mul3A_123 : i32
        %dma_start3A_125 = arith.constant 0 : i32
        %dma_start3A_126 = arith.constant 0 : i32
        %dma_start3A_127 = tpu.memref_slice %arg11[%dma_start3A_125, %dma_start3A_126] : memref<160x65xf32, #tpu.memory_space<vmem>> -> memref<160x64xf32, #tpu.memory_space<vmem>>
        %dma_start3A_128 = arith.constant 0 : i32
        %dma_start3A_129 = tpu.memref_slice %arg5[%mul3A_124, %dma_start3A_128] : memref<100000x64xf32, #tpu.memory_space<hbm>> -> memref<160x64xf32, #tpu.memory_space<hbm>>
        %dma_start3A_130 = arith.constant 0 : i32
        %dma_start3A_131 = tpu.memref_slice %arg5[%mul3A_124, %dma_start3A_130] : memref<100000x64xf32, #tpu.memory_space<hbm>> -> memref<160x64xf32, #tpu.memory_space<hbm>>
        %dma_start3A_132 = arith.constant 0 : i32
        %dma_start3A_133 = arith.constant 0 : i32
        %dma_start3A_134 = tpu.memref_slice %arg11[%dma_start3A_132, %dma_start3A_133] : memref<160x65xf32, #tpu.memory_space<vmem>> -> memref<160x64xf32, #tpu.memory_space<vmem>>
        tpu.enqueue_dma source(%dma_start3A_134 : memref<160x64xf32, #tpu.memory_space<vmem>>) target(%dma_start3A_131 : memref<160x64xf32, #tpu.memory_space<hbm>>) target_semaphore(%arg15 : memref<!tpu.dma_semaphore, #tpu.memory_space<semaphore_mem>>)
        %add3A_135 = arith.constant 2 : i32
        %add3A_136 = arith.addi %add3A_86, %add3A_135 : i32
        %lt3A_137 = arith.cmpi slt, %add3A_136, %add3A_20 : i32
        %convert_element_type3A_138 = arith.extui %lt3A_137 : i1 to i32
        %cond3A_139 = arith.constant 0 : i32
        %cond3A_140 = arith.cmpi ne, %convert_element_type3A_138, %cond3A_139 : i32
        scf.if %cond3A_140 {
          %add3A_141 = arith.constant 2 : i32
          %add3A_142 = arith.addi %add3A_86, %add3A_141 : i32
          %mul3A_143 = arith.constant 32 : i32
          %mul3A_144 = arith.muli %add3A_142, %mul3A_143 : i32
          %add3A_145 = arith.addi %add3A, %mul3A_144 : i32
          %mul3A_146 = arith.constant 160 : i32
          %mul3A_147 = arith.muli %add3A_145, %mul3A_146 : i32
          %dma_start3A_148 = arith.constant 0 : i32
          %dma_start3A_149 = arith.constant 0 : i32
          %dma_start3A_150 = tpu.memref_slice %arg6[%dma_start3A_148, %dma_start3A_149] : memref<160x65xf32, #tpu.memory_space<vmem>> -> memref<160x64xf32, #tpu.memory_space<vmem>>
          %dma_start3A_151 = arith.constant 0 : i32
          %dma_start3A_152 = tpu.memref_slice %arg2[%mul3A_147, %dma_start3A_151] : memref<100000x64xf32, #tpu.memory_space<hbm>> -> memref<160x64xf32, #tpu.memory_space<hbm>>
          %dma_start3A_153 = arith.constant 0 : i32
          %dma_start3A_154 = arith.constant 0 : i32
          %dma_start3A_155 = tpu.memref_slice %arg6[%dma_start3A_153, %dma_start3A_154] : memref<160x65xf32, #tpu.memory_space<vmem>> -> memref<160x64xf32, #tpu.memory_space<vmem>>
          %dma_start3A_156 = arith.constant 0 : i32
          %dma_start3A_157 = tpu.memref_slice %arg2[%mul3A_147, %dma_start3A_156] : memref<100000x64xf32, #tpu.memory_space<hbm>> -> memref<160x64xf32, #tpu.memory_space<hbm>>
          tpu.enqueue_dma source(%dma_start3A_157 : memref<160x64xf32, #tpu.memory_space<hbm>>) target(%dma_start3A_155 : memref<160x64xf32, #tpu.memory_space<vmem>>) target_semaphore(%arg13 : memref<!tpu.dma_semaphore, #tpu.memory_space<semaphore_mem>>)
          %dma_start3A_158 = tpu.memref_slice %arg3[%mul3A_147] : memref<100000xf32, #tpu.memory_space<hbm>> -> memref<160xf32, #tpu.memory_space<hbm>>
          %dma_start3A_159 = tpu.memref_slice %arg3[%mul3A_147] : memref<100000xf32, #tpu.memory_space<hbm>> -> memref<160xf32, #tpu.memory_space<hbm>>
          tpu.enqueue_dma source(%dma_start3A_159 : memref<160xf32, #tpu.memory_space<hbm>>) target(%arg8 : memref<160xf32, #tpu.memory_space<vmem>>) target_semaphore(%arg13 : memref<!tpu.dma_semaphore, #tpu.memory_space<semaphore_mem>>)
        } else {
        }
      } else {
      }
      %mul3A_90 = arith.constant 2 : i32
      %mul3A_91 = arith.muli %while3A_82, %mul3A_90 : i32
      %add3A_92 = arith.constant 1 : i32
      %add3A_93 = arith.addi %mul3A_91, %add3A_92 : i32
      %lt3A_94 = arith.cmpi slt, %add3A_93, %add3A_20 : i32
      %convert_element_type3A_95 = arith.extui %lt3A_94 : i1 to i32
      %cond3A_96 = arith.constant 0 : i32
      %cond3A_97 = arith.cmpi ne, %convert_element_type3A_95, %cond3A_96 : i32
      scf.if %cond3A_97 {
        %dma_wait3A = arith.constant 0 : i32
        %dma_wait3A_98 = arith.constant 0 : i32
        %dma_wait3A_99 = tpu.memref_slice %arg7[%dma_wait3A, %dma_wait3A_98] : memref<160x65xf32, #tpu.memory_space<vmem>> -> memref<160x64xf32, #tpu.memory_space<vmem>>
        %dma_wait3A_100 = arith.constant 0 : i32
        %dma_wait3A_101 = arith.constant 0 : i32
        %dma_wait3A_102 = tpu.memref_slice %arg2[%dma_wait3A_100, %dma_wait3A_101] : memref<100000x64xf32, #tpu.memory_space<hbm>> -> memref<160x64xf32, #tpu.memory_space<hbm>>
        %dma_wait3A_103 = arith.constant 0 : i32
        %dma_wait3A_104 = arith.constant 0 : i32
        %dma_wait3A_105 = tpu.memref_slice %arg7[%dma_wait3A_103, %dma_wait3A_104] : memref<160x65xf32, #tpu.memory_space<vmem>> -> memref<160x64xf32, #tpu.memory_space<vmem>>
        %dma_wait3A_106 = arith.constant 0 : i32
        %dma_wait3A_107 = arith.constant 0 : i32
        %dma_wait3A_108 = tpu.memref_slice %arg2[%dma_wait3A_106, %dma_wait3A_107] : memref<100000x64xf32, #tpu.memory_space<hbm>> -> memref<160x64xf32, #tpu.memory_space<hbm>>
        tpu.wait_dma2 semaphore(%arg14 : memref<!tpu.dma_semaphore, #tpu.memory_space<semaphore_mem>>) src(%dma_wait3A_108 : memref<160x64xf32, #tpu.memory_space<hbm>>) dst(%dma_wait3A_105 : memref<160x64xf32, #tpu.memory_space<vmem>>)
        %dma_wait3A_109 = arith.constant 0 : i32
        %dma_wait3A_110 = tpu.memref_slice %arg3[%dma_wait3A_109] : memref<100000xf32, #tpu.memory_space<hbm>> -> memref<160xf32, #tpu.memory_space<hbm>>
        %dma_wait3A_111 = arith.constant 0 : i32
        %dma_wait3A_112 = tpu.memref_slice %arg3[%dma_wait3A_111] : memref<100000xf32, #tpu.memory_space<hbm>> -> memref<160xf32, #tpu.memory_space<hbm>>
        tpu.wait_dma2 semaphore(%arg14 : memref<!tpu.dma_semaphore, #tpu.memory_space<semaphore_mem>>) src(%dma_wait3A_112 : memref<160xf32, #tpu.memory_space<hbm>>) dst(%arg9 : memref<160xf32, #tpu.memory_space<vmem>>)
        %ge3A_113 = arith.constant 2 : i32
        %ge3A_114 = arith.cmpi sge, %add3A_93, %ge3A_113 : i32
        %convert_element_type3A_115 = arith.extui %ge3A_114 : i1 to i32
        %cond3A_116 = arith.constant 0 : i32
        %cond3A_117 = arith.cmpi ne, %convert_element_type3A_115, %cond3A_116 : i32
        scf.if %cond3A_117 {
          %dma_wait3A_141 = arith.constant 0 : i32
          %dma_wait3A_142 = arith.constant 0 : i32
          %dma_wait3A_143 = tpu.memref_slice %arg12[%dma_wait3A_141, %dma_wait3A_142] : memref<160x65xf32, #tpu.memory_space<vmem>> -> memref<160x64xf32, #tpu.memory_space<vmem>>
          %dma_wait3A_144 = arith.constant 0 : i32
          %dma_wait3A_145 = arith.constant 0 : i32
          %dma_wait3A_146 = tpu.memref_slice %arg5[%dma_wait3A_144, %dma_wait3A_145] : memref<100000x64xf32, #tpu.memory_space<hbm>> -> memref<160x64xf32, #tpu.memory_space<hbm>>
          %dma_wait3A_147 = arith.constant 0 : i32
          %dma_wait3A_148 = arith.constant 0 : i32
          %dma_wait3A_149 = tpu.memref_slice %arg5[%dma_wait3A_147, %dma_wait3A_148] : memref<100000x64xf32, #tpu.memory_space<hbm>> -> memref<160x64xf32, #tpu.memory_space<hbm>>
          %dma_wait3A_150 = arith.constant 0 : i32
          %dma_wait3A_151 = arith.constant 0 : i32
          %dma_wait3A_152 = tpu.memref_slice %arg12[%dma_wait3A_150, %dma_wait3A_151] : memref<160x65xf32, #tpu.memory_space<vmem>> -> memref<160x64xf32, #tpu.memory_space<vmem>>
          tpu.wait_dma2 semaphore(%arg16 : memref<!tpu.dma_semaphore, #tpu.memory_space<semaphore_mem>>) src(%dma_wait3A_152 : memref<160x64xf32, #tpu.memory_space<vmem>>) dst(%dma_wait3A_149 : memref<160x64xf32, #tpu.memory_space<hbm>>)
        } else {
        }
        %parallel_loop3A = arith.constant 0 : i32
        %parallel_loop3A_118 = arith.constant 10 : i32
        %parallel_loop3A_119 = arith.constant 1 : i32
        scf.for %parallel_loop3A_141 = %parallel_loop3A to %parallel_loop3A_118 step %parallel_loop3A_119  : i32 {
          %parallel_loop3A_142 = arith.constant 16 : i32
          %parallel_loop3A_143 = arith.muli %parallel_loop3A_141, %parallel_loop3A_142 : i32
          %parallel_loop3A_144 = vector.broadcast %parallel_loop3A_143 : i32 to vector<16xi32>
          %parallel_loop3A_145 = arith.addi %parallel_loop3A_144, %iota3A : vector<16xi32>
          %parallel_loop3A_146 = arith.index_cast %parallel_loop3A_143 : i32 to index
          %parallel_loop3A_147 = tpu.vector_load %arg9[%parallel_loop3A_146] {strides = array<i32>} : memref<160xf32, #tpu.memory_space<vmem>>, vector<16xf32>,
          %parallel_loop3A_148 = arith.constant 0 : i32
          %parallel_loop3A_149 = vector.broadcast %parallel_loop3A_148 : i32 to vector<16xi32>
          %parallel_loop3A_150 = arith.constant 0 : i32
          %parallel_loop3A_151 = arith.constant 21 : i32
          %parallel_loop3A_152 = arith.constant 1 : i32
          %parallel_loop3A_153 = scf.for %parallel_loop3A_196 = %parallel_loop3A_150 to %parallel_loop3A_151 step %parallel_loop3A_152 iter_args(%parallel_loop3A_197 = %parallel_loop3A_149) -> (vector<16xi32>)  : i32 {
            %parallel_loop3A_198 = arith.constant 1 : i32
            %parallel_loop3A_199 = vector.broadcast %parallel_loop3A_198 : i32 to vector<16xi32>
            %parallel_loop3A_200 = arith.addi %parallel_loop3A_197, %parallel_loop3A_199 : vector<16xi32>
            %parallel_loop3A_201 = arith.constant 2 : i32
            %parallel_loop3A_202 = vector.broadcast %parallel_loop3A_201 : i32 to vector<16xi32>
            %parallel_loop3A_203 = arith.addi %parallel_loop3A_197, %parallel_loop3A_202 : vector<16xi32>
            %parallel_loop3A_204 = tpu.vector_load_idx %arg7[%parallel_loop3A_145, %parallel_loop3A_197] : memref<160x65xf32, #tpu.memory_space<vmem>>[vector<16xi32>, vector<16xi32>], vector<16xf32>,
            %parallel_loop3A_205 = tpu.vector_load_idx %arg7[%parallel_loop3A_145, %parallel_loop3A_200] : memref<160x65xf32, #tpu.memory_space<vmem>>[vector<16xi32>, vector<16xi32>], vector<16xf32>,
            %parallel_loop3A_206 = tpu.vector_load_idx %arg7[%parallel_loop3A_145, %parallel_loop3A_203] : memref<160x65xf32, #tpu.memory_space<vmem>>[vector<16xi32>, vector<16xi32>], vector<16xf32>,
            %parallel_loop3A_207 = arith.addf %parallel_loop3A_204, %parallel_loop3A_205 : vector<16xf32>
            %parallel_loop3A_208 = arith.constant 0.000000e+00 : f32
            %parallel_loop3A_209 = vector.broadcast %parallel_loop3A_208 : f32 to vector<16xf32>
            %parallel_loop3A_210 = arith.subf %parallel_loop3A_209, %parallel_loop3A_207 : vector<16xf32>
            %parallel_loop3A_211 = math.exp %parallel_loop3A_210 : vector<16xf32>
            %parallel_loop3A_212 = arith.subf %parallel_loop3A_206, %parallel_loop3A_205 : vector<16xf32>
            %parallel_loop3A_213 = math.exp %parallel_loop3A_212 : vector<16xf32>
            %parallel_loop3A_214 = arith.index_cast %parallel_loop3A_196 : i32 to index
            %parallel_loop3A_215 = arith.constant 0 : index
            %parallel_loop3A_216 = tpu.vector_load %arg10[%parallel_loop3A_214, %parallel_loop3A_215] {strides = array<i32>} : memref<32x16xf32, #tpu.memory_space<vmem>>, vector<16xf32>,
            %parallel_loop3A_217 = arith.mulf %parallel_loop3A_216, %parallel_loop3A_147 : vector<16xf32>
            %parallel_loop3A_218 = arith.constant 1.000000e+00 : f32
            %parallel_loop3A_219 = vector.broadcast %parallel_loop3A_218 : f32 to vector<16xf32>
            %parallel_loop3A_220 = arith.addf %parallel_loop3A_211, %parallel_loop3A_219 : vector<16xf32>
            %parallel_loop3A_221 = arith.addf %parallel_loop3A_220, %parallel_loop3A_213 : vector<16xf32>
            %parallel_loop3A_222 = arith.divf %parallel_loop3A_217, %parallel_loop3A_221 : vector<16xf32>
            %parallel_loop3A_223 = arith.mulf %parallel_loop3A_211, %parallel_loop3A_222 : vector<16xf32>
            %parallel_loop3A_224 = arith.constant 0.000000e+00 : f32
            %parallel_loop3A_225 = vector.broadcast %parallel_loop3A_224 : f32 to vector<16xf32>
            %parallel_loop3A_226 = arith.subf %parallel_loop3A_225, %parallel_loop3A_223 : vector<16xf32>
            %parallel_loop3A_227 = arith.mulf %parallel_loop3A_213, %parallel_loop3A_222 : vector<16xf32>
            tpu.vector_store_idx %arg12[%parallel_loop3A_145, %parallel_loop3A_197], %parallel_loop3A_226 : memref<160x65xf32, #tpu.memory_space<vmem>>[vector<16xi32>, vector<16xi32>], vector<16xf32>,
            %parallel_loop3A_228 = arith.constant 1 : i32
            %parallel_loop3A_229 = vector.broadcast %parallel_loop3A_228 : i32 to vector<16xi32>
            %parallel_loop3A_230 = arith.addi %parallel_loop3A_197, %parallel_loop3A_229 : vector<16xi32>
            tpu.vector_store_idx %arg12[%parallel_loop3A_145, %parallel_loop3A_230], %parallel_loop3A_222 : memref<160x65xf32, #tpu.memory_space<vmem>>[vector<16xi32>, vector<16xi32>], vector<16xf32>,
            %parallel_loop3A_231 = arith.constant 2 : i32
            %parallel_loop3A_232 = vector.broadcast %parallel_loop3A_231 : i32 to vector<16xi32>
            %parallel_loop3A_233 = arith.addi %parallel_loop3A_197, %parallel_loop3A_232 : vector<16xi32>
            tpu.vector_store_idx %arg12[%parallel_loop3A_145, %parallel_loop3A_233], %parallel_loop3A_227 : memref<160x65xf32, #tpu.memory_space<vmem>>[vector<16xi32>, vector<16xi32>], vector<16xf32>,
            %parallel_loop3A_234 = arith.constant 3 : i32
            %parallel_loop3A_235 = vector.broadcast %parallel_loop3A_234 : i32 to vector<16xi32>
            %parallel_loop3A_236 = arith.addi %parallel_loop3A_197, %parallel_loop3A_235 : vector<16xi32>
            scf.yield %parallel_loop3A_236 : vector<16xi32>
          } {sc.loop_unroll_factor = 3 : i64, sc.parallel_access}
          %parallel_loop3A_154 = arith.constant 63 : i32
          %parallel_loop3A_155 = vector.broadcast %parallel_loop3A_154 : i32 to vector<16xi32>
          %parallel_loop3A_156 = arith.constant 0 : i32
          %parallel_loop3A_157 = vector.broadcast %parallel_loop3A_156 : i32 to vector<16xi32>
          %parallel_loop3A_158 = arith.constant 1 : i32
          %parallel_loop3A_159 = vector.broadcast %parallel_loop3A_158 : i32 to vector<16xi32>
          %parallel_loop3A_160 = arith.addi %parallel_loop3A_157, %parallel_loop3A_159 : vector<16xi32>
          %parallel_loop3A_161 = tpu.vector_load_idx %arg7[%parallel_loop3A_145, %parallel_loop3A_155] : memref<160x65xf32, #tpu.memory_space<vmem>>[vector<16xi32>, vector<16xi32>], vector<16xf32>,
          %parallel_loop3A_162 = tpu.vector_load_idx %arg7[%parallel_loop3A_145, %parallel_loop3A_157] : memref<160x65xf32, #tpu.memory_space<vmem>>[vector<16xi32>, vector<16xi32>], vector<16xf32>,
          %parallel_loop3A_163 = tpu.vector_load_idx %arg7[%parallel_loop3A_145, %parallel_loop3A_160] : memref<160x65xf32, #tpu.memory_space<vmem>>[vector<16xi32>, vector<16xi32>], vector<16xf32>,
          %parallel_loop3A_164 = arith.addf %parallel_loop3A_161, %parallel_loop3A_162 : vector<16xf32>
          %parallel_loop3A_165 = arith.constant 0.000000e+00 : f32
          %parallel_loop3A_166 = vector.broadcast %parallel_loop3A_165 : f32 to vector<16xf32>
          %parallel_loop3A_167 = arith.subf %parallel_loop3A_166, %parallel_loop3A_164 : vector<16xf32>
          %parallel_loop3A_168 = math.exp %parallel_loop3A_167 : vector<16xf32>
          %parallel_loop3A_169 = arith.subf %parallel_loop3A_163, %parallel_loop3A_162 : vector<16xf32>
          %parallel_loop3A_170 = math.exp %parallel_loop3A_169 : vector<16xf32>
          %parallel_loop3A_171 = arith.constant 21 : i32
          %parallel_loop3A_172 = arith.index_cast %parallel_loop3A_171 : i32 to index
          %parallel_loop3A_173 = arith.constant 0 : index
          %parallel_loop3A_174 = tpu.vector_load %arg10[%parallel_loop3A_172, %parallel_loop3A_173] {strides = array<i32>} : memref<32x16xf32, #tpu.memory_space<vmem>>, vector<16xf32>,
          %parallel_loop3A_175 = arith.mulf %parallel_loop3A_174, %parallel_loop3A_147 : vector<16xf32>
          %parallel_loop3A_176 = arith.constant 1.000000e+00 : f32
          %parallel_loop3A_177 = vector.broadcast %parallel_loop3A_176 : f32 to vector<16xf32>
          %parallel_loop3A_178 = arith.addf %parallel_loop3A_168, %parallel_loop3A_177 : vector<16xf32>
          %parallel_loop3A_179 = arith.addf %parallel_loop3A_178, %parallel_loop3A_170 : vector<16xf32>
          %parallel_loop3A_180 = arith.divf %parallel_loop3A_175, %parallel_loop3A_179 : vector<16xf32>
          %parallel_loop3A_181 = arith.mulf %parallel_loop3A_168, %parallel_loop3A_180 : vector<16xf32>
          %parallel_loop3A_182 = arith.constant 0.000000e+00 : f32
          %parallel_loop3A_183 = vector.broadcast %parallel_loop3A_182 : f32 to vector<16xf32>
          %parallel_loop3A_184 = arith.subf %parallel_loop3A_183, %parallel_loop3A_181 : vector<16xf32>
          %parallel_loop3A_185 = arith.mulf %parallel_loop3A_170, %parallel_loop3A_180 : vector<16xf32>
          tpu.vector_store_idx %arg12[%parallel_loop3A_145, %parallel_loop3A_155], %parallel_loop3A_184 : memref<160x65xf32, #tpu.memory_space<vmem>>[vector<16xi32>, vector<16xi32>], vector<16xf32>,
          tpu.vector_store_idx %arg12[%parallel_loop3A_145, %parallel_loop3A_157], %parallel_loop3A_180 {add = true} : memref<160x65xf32, #tpu.memory_space<vmem>>[vector<16xi32>, vector<16xi32>], vector<16xf32>,
          %parallel_loop3A_186 = arith.constant 1 : i32
          %parallel_loop3A_187 = vector.broadcast %parallel_loop3A_186 : i32 to vector<16xi32>
          %parallel_loop3A_188 = arith.addi %parallel_loop3A_157, %parallel_loop3A_187 : vector<16xi32>
          tpu.vector_store_idx %arg12[%parallel_loop3A_145, %parallel_loop3A_188], %parallel_loop3A_185 {add = true} : memref<160x65xf32, #tpu.memory_space<vmem>>[vector<16xi32>, vector<16xi32>], vector<16xf32>,
          %parallel_loop3A_189 = arith.constant 2 : i32
          %parallel_loop3A_190 = vector.broadcast %parallel_loop3A_189 : i32 to vector<16xi32>
          %parallel_loop3A_191 = arith.addi %parallel_loop3A_157, %parallel_loop3A_190 : vector<16xi32>
          %parallel_loop3A_192 = arith.constant 22 : i32
          %parallel_loop3A_193 = arith.constant 32 : i32
          %parallel_loop3A_194 = arith.constant 1 : i32
          %parallel_loop3A_195 = scf.for %parallel_loop3A_196 = %parallel_loop3A_192 to %parallel_loop3A_193 step %parallel_loop3A_194 iter_args(%parallel_loop3A_197 = %parallel_loop3A_191) -> (vector<16xi32>)  : i32 {
            %parallel_loop3A_198 = arith.constant 1 : i32
            %parallel_loop3A_199 = vector.broadcast %parallel_loop3A_198 : i32 to vector<16xi32>
            %parallel_loop3A_200 = arith.addi %parallel_loop3A_197, %parallel_loop3A_199 : vector<16xi32>
            %parallel_loop3A_201 = arith.constant 2 : i32
            %parallel_loop3A_202 = vector.broadcast %parallel_loop3A_201 : i32 to vector<16xi32>
            %parallel_loop3A_203 = arith.addi %parallel_loop3A_197, %parallel_loop3A_202 : vector<16xi32>
            %parallel_loop3A_204 = tpu.vector_load_idx %arg7[%parallel_loop3A_145, %parallel_loop3A_197] : memref<160x65xf32, #tpu.memory_space<vmem>>[vector<16xi32>, vector<16xi32>], vector<16xf32>,
            %parallel_loop3A_205 = tpu.vector_load_idx %arg7[%parallel_loop3A_145, %parallel_loop3A_200] : memref<160x65xf32, #tpu.memory_space<vmem>>[vector<16xi32>, vector<16xi32>], vector<16xf32>,
            %parallel_loop3A_206 = tpu.vector_load_idx %arg7[%parallel_loop3A_145, %parallel_loop3A_203] : memref<160x65xf32, #tpu.memory_space<vmem>>[vector<16xi32>, vector<16xi32>], vector<16xf32>,
            %parallel_loop3A_207 = arith.addf %parallel_loop3A_204, %parallel_loop3A_205 : vector<16xf32>
            %parallel_loop3A_208 = arith.constant 0.000000e+00 : f32
            %parallel_loop3A_209 = vector.broadcast %parallel_loop3A_208 : f32 to vector<16xf32>
            %parallel_loop3A_210 = arith.subf %parallel_loop3A_209, %parallel_loop3A_207 : vector<16xf32>
            %parallel_loop3A_211 = math.exp %parallel_loop3A_210 : vector<16xf32>
            %parallel_loop3A_212 = arith.subf %parallel_loop3A_206, %parallel_loop3A_205 : vector<16xf32>
            %parallel_loop3A_213 = math.exp %parallel_loop3A_212 : vector<16xf32>
            %parallel_loop3A_214 = arith.index_cast %parallel_loop3A_196 : i32 to index
            %parallel_loop3A_215 = arith.constant 0 : index
            %parallel_loop3A_216 = tpu.vector_load %arg10[%parallel_loop3A_214, %parallel_loop3A_215] {strides = array<i32>} : memref<32x16xf32, #tpu.memory_space<vmem>>, vector<16xf32>,
            %parallel_loop3A_217 = arith.mulf %parallel_loop3A_216, %parallel_loop3A_147 : vector<16xf32>
            %parallel_loop3A_218 = arith.constant 1.000000e+00 : f32
            %parallel_loop3A_219 = vector.broadcast %parallel_loop3A_218 : f32 to vector<16xf32>
            %parallel_loop3A_220 = arith.addf %parallel_loop3A_211, %parallel_loop3A_219 : vector<16xf32>
            %parallel_loop3A_221 = arith.addf %parallel_loop3A_220, %parallel_loop3A_213 : vector<16xf32>
            %parallel_loop3A_222 = arith.divf %parallel_loop3A_217, %parallel_loop3A_221 : vector<16xf32>
            %parallel_loop3A_223 = arith.mulf %parallel_loop3A_211, %parallel_loop3A_222 : vector<16xf32>
            %parallel_loop3A_224 = arith.constant 0.000000e+00 : f32
            %parallel_loop3A_225 = vector.broadcast %parallel_loop3A_224 : f32 to vector<16xf32>
            %parallel_loop3A_226 = arith.subf %parallel_loop3A_225, %parallel_loop3A_223 : vector<16xf32>
            %parallel_loop3A_227 = arith.mulf %parallel_loop3A_213, %parallel_loop3A_222 : vector<16xf32>
            tpu.vector_store_idx %arg12[%parallel_loop3A_145, %parallel_loop3A_197], %parallel_loop3A_226 {add = true} : memref<160x65xf32, #tpu.memory_space<vmem>>[vector<16xi32>, vector<16xi32>], vector<16xf32>,
            %parallel_loop3A_228 = arith.constant 1 : i32
            %parallel_loop3A_229 = vector.broadcast %parallel_loop3A_228 : i32 to vector<16xi32>
            %parallel_loop3A_230 = arith.addi %parallel_loop3A_197, %parallel_loop3A_229 : vector<16xi32>
            tpu.vector_store_idx %arg12[%parallel_loop3A_145, %parallel_loop3A_230], %parallel_loop3A_222 {add = true} : memref<160x65xf32, #tpu.memory_space<vmem>>[vector<16xi32>, vector<16xi32>], vector<16xf32>,
            %parallel_loop3A_231 = arith.constant 2 : i32
            %parallel_loop3A_232 = vector.broadcast %parallel_loop3A_231 : i32 to vector<16xi32>
            %parallel_loop3A_233 = arith.addi %parallel_loop3A_197, %parallel_loop3A_232 : vector<16xi32>
            tpu.vector_store_idx %arg12[%parallel_loop3A_145, %parallel_loop3A_233], %parallel_loop3A_227 {add = true} : memref<160x65xf32, #tpu.memory_space<vmem>>[vector<16xi32>, vector<16xi32>], vector<16xf32>,
            %parallel_loop3A_234 = arith.constant 3 : i32
            %parallel_loop3A_235 = vector.broadcast %parallel_loop3A_234 : i32 to vector<16xi32>
            %parallel_loop3A_236 = arith.addi %parallel_loop3A_197, %parallel_loop3A_235 : vector<16xi32>
            scf.yield %parallel_loop3A_236 : vector<16xi32>
          } {sc.loop_unroll_factor = 2 : i64, sc.parallel_access}
        } {sc.loop_unroll_factor = 2 : i64, sc.parallel_access}
        %mul3A_120 = arith.constant 32 : i32
        %mul3A_121 = arith.muli %add3A_93, %mul3A_120 : i32
        %add3A_122 = arith.addi %add3A, %mul3A_121 : i32
        %mul3A_123 = arith.constant 160 : i32
        %mul3A_124 = arith.muli %add3A_122, %mul3A_123 : i32
        %dma_start3A_125 = arith.constant 0 : i32
        %dma_start3A_126 = arith.constant 0 : i32
        %dma_start3A_127 = tpu.memref_slice %arg12[%dma_start3A_125, %dma_start3A_126] : memref<160x65xf32, #tpu.memory_space<vmem>> -> memref<160x64xf32, #tpu.memory_space<vmem>>
        %dma_start3A_128 = arith.constant 0 : i32
        %dma_start3A_129 = tpu.memref_slice %arg5[%mul3A_124, %dma_start3A_128] : memref<100000x64xf32, #tpu.memory_space<hbm>> -> memref<160x64xf32, #tpu.memory_space<hbm>>
        %dma_start3A_130 = arith.constant 0 : i32
        %dma_start3A_131 = tpu.memref_slice %arg5[%mul3A_124, %dma_start3A_130] : memref<100000x64xf32, #tpu.memory_space<hbm>> -> memref<160x64xf32, #tpu.memory_space<hbm>>
        %dma_start3A_132 = arith.constant 0 : i32
        %dma_start3A_133 = arith.constant 0 : i32
        %dma_start3A_134 = tpu.memref_slice %arg12[%dma_start3A_132, %dma_start3A_133] : memref<160x65xf32, #tpu.memory_space<vmem>> -> memref<160x64xf32, #tpu.memory_space<vmem>>
        tpu.enqueue_dma source(%dma_start3A_134 : memref<160x64xf32, #tpu.memory_space<vmem>>) target(%dma_start3A_131 : memref<160x64xf32, #tpu.memory_space<hbm>>) target_semaphore(%arg16 : memref<!tpu.dma_semaphore, #tpu.memory_space<semaphore_mem>>)
        %add3A_135 = arith.constant 2 : i32
        %add3A_136 = arith.addi %add3A_93, %add3A_135 : i32
        %lt3A_137 = arith.cmpi slt, %add3A_136, %add3A_20 : i32
        %convert_element_type3A_138 = arith.extui %lt3A_137 : i1 to i32
        %cond3A_139 = arith.constant 0 : i32
        %cond3A_140 = arith.cmpi ne, %convert_element_type3A_138, %cond3A_139 : i32
        scf.if %cond3A_140 {
          %add3A_141 = arith.constant 2 : i32
          %add3A_142 = arith.addi %add3A_93, %add3A_141 : i32
          %mul3A_143 = arith.constant 32 : i32
          %mul3A_144 = arith.muli %add3A_142, %mul3A_143 : i32
          %add3A_145 = arith.addi %add3A, %mul3A_144 : i32
          %mul3A_146 = arith.constant 160 : i32
          %mul3A_147 = arith.muli %add3A_145, %mul3A_146 : i32
          %dma_start3A_148 = arith.constant 0 : i32
          %dma_start3A_149 = arith.constant 0 : i32
          %dma_start3A_150 = tpu.memref_slice %arg7[%dma_start3A_148, %dma_start3A_149] : memref<160x65xf32, #tpu.memory_space<vmem>> -> memref<160x64xf32, #tpu.memory_space<vmem>>
          %dma_start3A_151 = arith.constant 0 : i32
          %dma_start3A_152 = tpu.memref_slice %arg2[%mul3A_147, %dma_start3A_151] : memref<100000x64xf32, #tpu.memory_space<hbm>> -> memref<160x64xf32, #tpu.memory_space<hbm>>
          %dma_start3A_153 = arith.constant 0 : i32
          %dma_start3A_154 = arith.constant 0 : i32
          %dma_start3A_155 = tpu.memref_slice %arg7[%dma_start3A_153, %dma_start3A_154] : memref<160x65xf32, #tpu.memory_space<vmem>> -> memref<160x64xf32, #tpu.memory_space<vmem>>
          %dma_start3A_156 = arith.constant 0 : i32
          %dma_start3A_157 = tpu.memref_slice %arg2[%mul3A_147, %dma_start3A_156] : memref<100000x64xf32, #tpu.memory_space<hbm>> -> memref<160x64xf32, #tpu.memory_space<hbm>>
          tpu.enqueue_dma source(%dma_start3A_157 : memref<160x64xf32, #tpu.memory_space<hbm>>) target(%dma_start3A_155 : memref<160x64xf32, #tpu.memory_space<vmem>>) target_semaphore(%arg14 : memref<!tpu.dma_semaphore, #tpu.memory_space<semaphore_mem>>)
          %dma_start3A_158 = tpu.memref_slice %arg3[%mul3A_147] : memref<100000xf32, #tpu.memory_space<hbm>> -> memref<160xf32, #tpu.memory_space<hbm>>
          %dma_start3A_159 = tpu.memref_slice %arg3[%mul3A_147] : memref<100000xf32, #tpu.memory_space<hbm>> -> memref<160xf32, #tpu.memory_space<hbm>>
          tpu.enqueue_dma source(%dma_start3A_159 : memref<160xf32, #tpu.memory_space<hbm>>) target(%arg9 : memref<160xf32, #tpu.memory_space<vmem>>) target_semaphore(%arg14 : memref<!tpu.dma_semaphore, #tpu.memory_space<semaphore_mem>>)
        } else {
        }
      } else {
      }
    }
    %ge3A = arith.constant 1 : i32
    %ge3A_73 = arith.cmpi sge, %add3A_20, %ge3A : i32
    %convert_element_type3A_74 = arith.extui %ge3A_73 : i1 to i32
    %cond3A_75 = arith.constant 0 : i32
    %cond3A_76 = arith.cmpi ne, %convert_element_type3A_74, %cond3A_75 : i32
    scf.if %cond3A_76 {
      %dma_wait3A = arith.constant 0 : i32
      %dma_wait3A_82 = arith.constant 0 : i32
      %dma_wait3A_83 = tpu.memref_slice %arg11[%dma_wait3A, %dma_wait3A_82] : memref<160x65xf32, #tpu.memory_space<vmem>> -> memref<160x64xf32, #tpu.memory_space<vmem>>
      %dma_wait3A_84 = arith.constant 0 : i32
      %dma_wait3A_85 = arith.constant 0 : i32
      %dma_wait3A_86 = tpu.memref_slice %arg5[%dma_wait3A_84, %dma_wait3A_85] : memref<100000x64xf32, #tpu.memory_space<hbm>> -> memref<160x64xf32, #tpu.memory_space<hbm>>
      %dma_wait3A_87 = arith.constant 0 : i32
      %dma_wait3A_88 = arith.constant 0 : i32
      %dma_wait3A_89 = tpu.memref_slice %arg5[%dma_wait3A_87, %dma_wait3A_88] : memref<100000x64xf32, #tpu.memory_space<hbm>> -> memref<160x64xf32, #tpu.memory_space<hbm>>
      %dma_wait3A_90 = arith.constant 0 : i32
      %dma_wait3A_91 = arith.constant 0 : i32
      %dma_wait3A_92 = tpu.memref_slice %arg11[%dma_wait3A_90, %dma_wait3A_91] : memref<160x65xf32, #tpu.memory_space<vmem>> -> memref<160x64xf32, #tpu.memory_space<vmem>>
      tpu.wait_dma2 semaphore(%arg15 : memref<!tpu.dma_semaphore, #tpu.memory_space<semaphore_mem>>) src(%dma_wait3A_92 : memref<160x64xf32, #tpu.memory_space<vmem>>) dst(%dma_wait3A_89 : memref<160x64xf32, #tpu.memory_space<hbm>>)
    } else {
    }
    %ge3A_77 = arith.constant 2 : i32
    %ge3A_78 = arith.cmpi sge, %add3A_20, %ge3A_77 : i32
    %convert_element_type3A_79 = arith.extui %ge3A_78 : i1 to i32
    %cond3A_80 = arith.constant 0 : i32
    %cond3A_81 = arith.cmpi ne, %convert_element_type3A_79, %cond3A_80 : i32
    scf.if %cond3A_81 {
      %dma_wait3A = arith.constant 0 : i32
      %dma_wait3A_82 = arith.constant 0 : i32
      %dma_wait3A_83 = tpu.memref_slice %arg12[%dma_wait3A, %dma_wait3A_82] : memref<160x65xf32, #tpu.memory_space<vmem>> -> memref<160x64xf32, #tpu.memory_space<vmem>>
      %dma_wait3A_84 = arith.constant 0 : i32
      %dma_wait3A_85 = arith.constant 0 : i32
      %dma_wait3A_86 = tpu.memref_slice %arg5[%dma_wait3A_84, %dma_wait3A_85] : memref<100000x64xf32, #tpu.memory_space<hbm>> -> memref<160x64xf32, #tpu.memory_space<hbm>>
      %dma_wait3A_87 = arith.constant 0 : i32
      %dma_wait3A_88 = arith.constant 0 : i32
      %dma_wait3A_89 = tpu.memref_slice %arg5[%dma_wait3A_87, %dma_wait3A_88] : memref<100000x64xf32, #tpu.memory_space<hbm>> -> memref<160x64xf32, #tpu.memory_space<hbm>>
      %dma_wait3A_90 = arith.constant 0 : i32
      %dma_wait3A_91 = arith.constant 0 : i32
      %dma_wait3A_92 = tpu.memref_slice %arg12[%dma_wait3A_90, %dma_wait3A_91] : memref<160x65xf32, #tpu.memory_space<vmem>> -> memref<160x64xf32, #tpu.memory_space<vmem>>
      tpu.wait_dma2 semaphore(%arg16 : memref<!tpu.dma_semaphore, #tpu.memory_space<semaphore_mem>>) src(%dma_wait3A_92 : memref<160x64xf32, #tpu.memory_space<vmem>>) dst(%dma_wait3A_89 : memref<160x64xf32, #tpu.memory_space<hbm>>)
    } else {
    }
    return
  }
}

</mosaic_0001>

<sc_bundles>
// kernel: kernel.3.cloned.1.call-start
scs
__scs_entry_jumppad:
0x0: {  	(pc) =	sbr.rel $0x88, $3  }
0x1: {  	(tag) =	ssettag $0x0;
	lr =	simm.s32 $0x1  }
0x2: {  	[smem:$0x3F9E] =	sst lr;
	_ =	strace $0xD0000000  }
0x3: {  	_ = 	snop  }
0x4: {  	_ = 	snop  }
0x5: {  	_ = 	snop  }
0x6: {  	_ = 	snop  }
0x7: {  	_ = 	snop  }
__scs_overlays_trampoline_lowered:
0x8: {  	[smem:$0x3FAD] =	sst s0  }
0x9: {  	[smem:$0x3FAE] =	sst s1  }
0xa: {  	[smem:$0x3FAF] =	sst s2  }
0xb: {  	[smem:$0x3FB0] =	sst s3  }
0xc: {  	[smem:$0x3FB1] =	sst s4  }
0xd: {  	[smem:$0x3FB2] =	sst s5  }
0xe: {  	[smem:$0x3FB3] =	sst s6  }
0xf: {  	[smem:$0x3FB4] =	sst s7  }
0x10: {  	[smem:$0x3FB5] =	sst s8  }
0x11: {  	[smem:$0x3FB6] =	sst s9;
	s0 =	simm.s32 @!p0 $0x0  }
0x12: {  	s1 =	sld [smem:$0x3F9C];
	s0 =	simm.s32 @p0 $0x1  }
0x13: {  	[smem:$0x3FB7] =	sst s0;
	s0 =	simm.s32 @!p1 $0x0  }
0x14: {  	s2 =	sld [smem:$0x3F9B];
	s0 =	simm.s32 @p1 $0x1  }
0x15: {  	[smem:$0x3FB8] =	sst s0;
	s0 =	simm.s32 @!p2 $0x0  }
0x16: {  	s3 =	sld [smem:$0x3FDB];
	s0 =	simm.s32 @p2 $0x1  }
0x17: {  	s4 =	simm.s32 $0x1BF5;
	[smem:$0x3FBA] =	sst s0  }
0x18: {  	s0 =	sld [smem:$0x3F9D];
	_ =	swait.ge [sflag:s4], $0x0  }
0x19: {  	s7 =	sld [smem:$0x3F9E]  }
0x1a: {  	s8 =	sadd.s32 $0xFFFFE003, lr  }
0x1b: {  	s9 =	sadd.s32 $0xFFFFFEF7, lr;
	s5 =	simm.s32 $0xFFFFFFFF;
	p2 =	slt.u32 s8, $0xFFFFF086  }
0x1c: {  	p1 =	slt.u32 s9, $0xF7A;
	s5 =	simm.s32 @!p2 $0x0  }
0x1d: {  	s5 =	simm.s32 @p1 $0x1;
	p0 =	seq.s32 s7, s2  }
0x1e: {  	s7 =	smul.u32 @!p0 $0xF7A, s2;
	p2 =	seq.s32 @!p0 s5, $0x0  }
0x1f: {  	s9 =	smul.u32 $0xF7A, s1;
	s8 =	simm.s32 @!p0 $0x1BF5;
	p2 =	por !p2, p0  }
0x20: {  	[sflag:s8] =	ssyncset.s32 @!p0 $0xFFFFF086;
	s6 =	sadd.s32 @!p0 s3, s7;
	s7 =	simm.s32 @!p0 $0x108  }
0x21: {  	s3 =	sadd.s32 s3, s9;
	s6 =	sadd.s32 @!p0 $0x88, s6;
	s7 =	simm.s32 @p2 $0x1082  }
0x22: {  	[simem:s7], [sflag:s8] =	dma.local @!p0 [hbm:s6], $0xF7A  }
0x23: {  	s9 =	sor.u32 $0xD0000000, s2;
	s6 =	simm.s32 $0x108;
	_ =	swait.ge @!p0 [sflag:s8], $0x0  }
0x24: {  	s3 =	sadd.s32 $0x88, s3;
	s6 =	simm.s32 @!p1 $0x1082;
	[sflag:s4] =	ssyncset.s32 $0xFFFFF086  }
0x25: {  	[simem:s6], [sflag:s4] =	dma.local [hbm:s3], $0xF7A  }
0x26: {  	[smem:$0x3F9E] =	sst s1;
	(tag) =	ssettag s2;
	_ =	strace s9  }
0x27: {  	s1 =	sld [smem:$0x3FAE]  }
0x28: {  	s2 =	sld [smem:$0x3FAF]  }
0x29: {  	s4 =	sld [smem:$0x3FB1]  }
0x2a: {  	p0 =	seq.s32 s5, $0x0;
	s5 =	sld [smem:$0x3FB2]  }
0x2b: {  	s6 =	sld [smem:$0x3FB3]  }
0x2c: {  	s7 =	sld [smem:$0x3FB4]  }
0x2d: {  	s3 =	simm.s32 $0x108;
	s8 =	sld [smem:$0x3FB5]  }
0x2e: {  	s3 =	simm.s32 @!p0 $0x1082;
	s9 =	sld [smem:$0x3FB6]  }
0x2f: {  	lr =	sadd.s32 s0, s3;
	s0 =	sld [smem:$0x3FAD]  }
0x30: {  	s3 =	sld [smem:$0x3FB0]  }
0x31: {  	[smem:$0x3FB9] =	sst s10  }
0x32: {  	s10 =	sld [smem:$0x3FB7];
	_ =	sdelay $0x3  }
0x33: {  	p0 =	seq.s32 s10, $0x1;
	s10 =	sld [smem:$0x3FB9];
	_ =	sdelay $0x3  }
0x34: {  	[smem:$0x3FB9] =	sst s10  }
0x35: {  	s10 =	sld [smem:$0x3FB8];
	_ =	sdelay $0x3  }
0x36: {  	p1 =	seq.s32 s10, $0x1;
	s10 =	sld [smem:$0x3FB9];
	_ =	sdelay $0x3  }
0x37: {  	[smem:$0x3FB9] =	sst s10  }
0x38: {  	s10 =	sld [smem:$0x3FBA]  }
0x39: {  	_ = 	snop;
	(pc) =	sbr.ind lr, $3  }
0x3a: {  	_ = 	snop  }
0x3b: {  	_ = 	snop  }
0x3c: {  	p2 =	seq.s32 s10, $0x1;
	s10 =	sld [smem:$0x3FB9]  }
0x3d: {  	_ =	shalt  }
0x3e: {  	_ =	shalt  }
0x3f: {  	_ =	shalt  }
0x40: {  	_ =	shalt  }
0x41: {  	_ =	shalt  }
0x42: {  	_ =	shalt  }
0x43: {  	_ =	shalt  }
0x44: {  	_ =	shalt  }
0x45: {  	_ =	shalt  }
0x46: {  	_ =	shalt  }
0x47: {  	_ =	shalt  }
0x48: {  	_ =	shalt  }
0x49: {  	_ =	shalt  }
0x4a: {  	_ =	shalt  }
0x4b: {  	_ =	shalt  }
0x4c: {  	_ =	shalt  }
0x4d: {  	_ =	shalt  }
0x4e: {  	_ =	shalt  }
0x4f: {  	_ =	shalt  }
0x50: {  	_ =	shalt  }
0x51: {  	_ =	shalt  }
0x52: {  	_ =	shalt  }
0x53: {  	_ =	shalt  }
0x54: {  	_ =	shalt  }
0x55: {  	_ =	shalt  }
0x56: {  	_ =	shalt  }
0x57: {  	_ =	shalt  }
0x58: {  	_ =	shalt  }
0x59: {  	_ =	shalt  }
0x5a: {  	_ =	shalt  }
0x5b: {  	_ =	shalt  }
0x5c: {  	_ =	shalt  }
0x5d: {  	_ =	shalt  }
0x5e: {  	_ =	shalt  }
0x5f: {  	_ =	shalt  }
0x60: {  	_ =	shalt  }
0x61: {  	_ =	shalt  }
0x62: {  	_ =	shalt  }
0x63: {  	_ =	shalt  }
0x64: {  	_ =	shalt  }
0x65: {  	_ =	shalt  }
0x66: {  	_ =	shalt  }
0x67: {  	_ =	shalt  }
0x68: {  	_ =	shalt  }
0x69: {  	_ =	shalt  }
0x6a: {  	_ =	shalt  }
0x6b: {  	_ =	shalt  }
0x6c: {  	_ =	shalt  }
0x6d: {  	_ =	shalt  }
0x6e: {  	_ =	shalt  }
0x6f: {  	_ =	shalt  }
0x70: {  	_ =	shalt  }
0x71: {  	_ =	shalt  }
0x72: {  	_ =	shalt  }
0x73: {  	_ =	shalt  }
0x74: {  	_ =	shalt  }
0x75: {  	_ =	shalt  }
0x76: {  	_ =	shalt  }
0x77: {  	_ =	shalt  }
0x78: {  	_ =	shalt  }
0x79: {  	_ =	shalt  }
0x7a: {  	_ =	shalt  }
0x7b: {  	_ =	shalt  }
0x7c: {  	_ =	shalt  }
0x7d: {  	_ =	shalt  }
0x7e: {  	_ =	shalt  }
0x7f: {  	_ =	shalt  }
0x80: {  	_ =	shalt  }
0x81: {  	_ =	shalt  }
0x82: {  	_ =	shalt  }
0x83: {  	_ =	shalt  }
0x84: {  	_ =	shalt  }
0x85: {  	_ =	shalt  }
0x86: {  	_ =	shalt  }
0x87: {  	_ =	shalt  }
.Lfunc_end0:
.L_simem_size_0:
called_computation_lowered:
.L_overlay_start_0:
0x88: {  	s2 =	sld [smem:$0x3FD9]  }
0x89: {  	s3 =	sld [smem:$0x3FFE];
	_ =	sdelay $0x1  }
0x8a: {  	s1 =	srdreg.scid  }
0x8b: {  	s0 =	sand.u32 $0x1, s1  }
0x8c: {  	s17 =	sshll.u32 s0, $0xA;
	s2 =	sadd.s32 s3, s2  }
0x8d: {  	s2 =	sadd.s32 s2, s17  }
0x8e: {  	[smem:$0x3FC5] =	sst s2  }
0x8f: {  	_ = 	snop  }
0x90: {  	s2 =	sld [smem:$0x3FD0];
	(tm) =	ssettm $0x1  }
0x91: {  	s18 =	sld [smem:$0x3FFB];
	_ =	sdelay $0x3  }
0x92: {  	_ =	strace s18  }
0x93: {  	s3 =	sld [smem:$0x3FFC];
	_ =	sdelay $0x3  }
0x94: {  	_ =	strace s3  }
0x95: {  	s3 =	sld [smem:$0x3FFD];
	_ =	sdelay $0x3  }
0x96: {  	_ =	strace s3  }
0x97: {  	_ =	strace $0x8FFFFFFF  }
0x98: {  	s19 =	sld [smem:$0x3FDB];
	_ =	sdelay $0x1  }
0x99: {  	s4 =	simm.s32 $_scs_section_size  }
0x9a: {  	s5 =	simm.s32 $_size__tile_overlayer_lowered;
	s6 =	simm.s32 $_tile_overlayer_lowered  }
0x9b: {  	s22 =	simm.s32 $0x1BFF;
	s21 =	sshll.u32 s6, $0x1;
	s3 =	sadd.s32 s4, s19  }
0x9c: {  	s7 =	simm.s32 $0x0;
	s20 =	sshll.u32 s5, $0x1;
	s5 =	sadd.s32 s21, s3  }
0x9d: {  	[timem:s7], [sflag:s22] =	dma.local [hbm:s5], s20  }
0x9e: {  	_ =	swait.ge [sflag:s22], s20  }
0x9f: {  	s4 =	ssub.s32 $0x0, s20;
	[sflag:s22] =	ssyncset.done $0x0  }
0xa0: {  	[sflag:s22] =	ssyncadd.s32 s4;
	_ =	sdelay $0x1  }
0xa1: {  	s23 =	simm.s32 $0x1B8B  }
0xa2: {  	_ =	swait.ge [sflag:s23], $0x1  }
0xa3: {  	[sflag:s23] =	ssyncset.done $0x0  }
0xa4: {  	s25 =	simm.s32 $0x1B8E;
	s24 =	sld [smem:$0x3FFE];
	[sflag:s23] =	ssyncadd.s32 $0xFFFFFFFF  }
0xa5: {  	s26 =	simm.s32 $execute0_lowered;
	[smem:$0x3FD2] =	sst s25  }
0xa6: {  	s5 =	sshll.u32 s26, $0x1;
	_ =	strace $0x80000046;
	[dreg:$0x1] =	wrdreg $0xFFFFFFFF  }
0xa7: {  	s28 =	simm.s32 $_size_execute0_lowered;
	s3 =	sadd.s32 s3, s5;
	[dreg:$0x0] =	wrdreg $0x0  }
0xa8: {  	s5 =	sshll.u32 s28, $0x1;
	[dreg:$0x2] =	wrdreg s3  }
0xa9: {  	[dreg:$0x3] =	wrdreg s5  }
0xaa: {  	[dreg:$0x4] =	wrdreg $0xC0  }
0xab: {  	_ =	task [dreg:s7], $0x5FFFF  }
0xac: {  	[dreg:$0x1] =	wrdreg $0xFFFFFFFF  }
0xad: {  	[dreg:$0x0] =	wrdreg $0x60  }
0xae: {  	[dreg:$0x2] =	wrdreg s2  }
0xaf: {  	[dreg:$0x3] =	wrdreg s24  }
0xb0: {  	[dreg:$0x4] =	wrdreg $0x9  }
0xb1: {  	_ =	task.clear_ibuf [dreg:s7], $0x5FFFF;
	_ =	strace $0x90000046  }
0xb2: {  	s29 =	simm.s32 $0x9;
	_ =	strace $0x80000048  }
0xb3: {  	_ =	swait.ge [sflag:s29], $0x1  }
0xb4: {  	[sflag:s29] =	ssyncadd.s32 $0xFFFFFFFF  }
0xb5: {  	_ =	strace $0x90000048  }
0xb6: {  	_ =	sfence  }
0xb7: {  	s30 =	sld [smem:$0x0];
	_ =	sdelay $0x2  }
0xb8: {  	s31 =	sshll.u32 s1, $0xD;
	s1 =	sshrl.u32 s1, $0x2  }
0xb9: {  	s3 =	sand.u32 $0x4000, s31;
	s1 =	sadd.s32 s1, s30  }
0xba: {  	s0 =	sor.u32 s3, s0;
	s1 =	sshll.u32 s1, $0x11  }
0xbb: {  	s0 =	sor.u32 s1, s0  }
0xbc: {  	s0 =	sadd.s32 $0x8F2B, s0  }
0xbd: {  	[sflag:s0] =	ssyncadd.remote.s32 $0x1  }
0xbe: {  	_ =	sfence.sel $0xFFFF  }
0xbf: {  	[dreg:$0x0] =	wrdreg $0xFFFFFFFF;
	(pc) =	sbr.abs _section_cstart, $3  }
0xc0: {  	[dreg:$0x1] =	wrdreg $0xFFFFFFFF  }
0xc1: {  	_ =	task.clear_ibuf [dreg:s7], $0x2FFFF;
	_ =	strace $0x9FFFFFFF  }
0xc2: {  	(tm) =	ssettm $0x7FFFFFFF  }
0xc3: {  	_ =	shalt  }
tec
execute0_lowered:
.L_overlay_start_1:
0x0: {  	(tag) =	ssettag $0x1  }
0x1: {  	s1 =	rddreg [dreg:$0x0]  }
0x2: {  	s0 =	rddreg [dreg:$0x1]  }
0x3: {  	s3 =	simm.s32 $0x0;
	s2 =	srdreg.scid;
	s4 =	stileid.u32  }
0x4: {  	s16 =	simm.s32 $0x5;
	s17 =	simm.s32 $0x5A00;
	s18 =	simm.s32 $0x5AA0  }
0x5: {  	s19 =	simm.s32 $0x1;
	s20 =	simm.s32 $0x5D40;
	s21 =	simm.s32 $0x2  }
0x6: {  	s22 =	simm.s32 $0x2D00;
	[smem:$0x7FF] =	sst s3;
	s2 =	sand.u32 $0x1, s2  }
0x7: {  	s5 =	sshll.u32 s4, $0x1;
	s4 =	sadd.s32 $0x600, s0;
	s23 =	sadd.s32 $0x400, s0  }
0x8: {  	s7 =	sadd.s32 $0x3800, s0;
	_ =	strace $0x80000047;
	s5 =	sor.u32 s2, s5  }
0x9: {  	s6 =	ssub.s32 $0x2, s2;
	[dreg:$0x3] =	wrdreg s23;
	s8 =	smul.u32 $0xA0, s5  }
0xa: {  	s23 =	simm.s32 $0x8A40;
	s24 =	sshrl.u32 s6, $0x1;
	s26 =	smul.u32 $0x500, s5  }
0xb: {  	v0 =	vlaneseq.u32;
	s28 =	ssub.s32 $0x270, s5;
	s10 =	smul.u32 $0x14, s5;
	s13 =	sor.u32 $0x20, s5  }
.Ltmp0:
0xc: {  	v61 =	vmul.u32 $0x48, v0;
	s25 =	ssub.s32 s6, s24;
	s24 =	simm.s32 $0x3;
	(pc) =	sbr.rel .LBB2_1-.Ltmp0, $4  }
0xd: {  	s12 =	sadd.s32 $0x1400, s8;
	s8 =	sshrl.u32 s28, $0x5;
	s9 =	sadd.s32 s1, s26  }
0xe: {  	v0 =	vadd.s32 $0x8, v61;
	[tilespmem:$0x1FFE0] =	vst v61;
	s30 =	sadd.s32 s4, s10;
	s14 =	smax.u32 s25, $0x1;
	s25 =	simm.s32 $0x4  }
0xf: {  	v62 =	vadd.s32 $0x3F, v61;
	[tilespmem:$0x1FFD0] =	vst v0;
	s26 =	simm.s32 $0x0;
	s29 =	sshll.u32 s12, $0x3;
	s31 =	sshrl.u32 s12, $0x3  }
0x10: {  	[tilespmem:$0x1FFF0] =	vst v62;
	[dreg:$0x4] =	wrdreg s30;
	s11 =	sadd.s32 s1, s29;
	s12 =	sadd.s32 s4, s31  }
.LBB2_40:
0x11: {  	s26 =	sadd.s32 $0x1, s26  }
0x12: {  	_ =	swait.ge [sflag:s24], $0x2800;
	p0 =	sne.s32 s26, s14  }
.Ltmp1:
0x13: {  	[sflag:s24] =	ssyncset.done $0x0;
	(pc) =	sbr.rel @!p0 .LBB2_41-.Ltmp1, $4  }
0x14: {  	[sflag:s24] =	ssyncadd.s32 $0xFFFFD800  }
0x15: {  	_ =	swait.ge [sflag:s25], $0x2800  }
0x16: {  	[sflag:s25] =	ssyncset.done $0x0  }
0x17: {  	[sflag:s25] =	ssyncadd.s32 $0xFFFFD800  }
.LBB2_1:
0x18: {  	s0 =	rddreg [dreg:$0x3];
	s2 =	simm.s32 $0x5B40  }
0x19: {  	[tilespmem:s2], [sflag:$0x5] =	stream.linear.gather [hbm4b:s0+s3], $0x200, $0x38;
	[tilespmem:$0xB740] =	vst v63  }
0x1a: {  	_ =	swait.ge [sflag:s16], $0x200  }
0x1b: {  	s10 =	sadd.s32 $0x0, s9;
	s6 =	simm.s32 $0x0;
	[sflag:s16] =	ssyncset.done $0x0  }
0x1c: {  	s0 =	simm.s32 $0x8;
	s2 =	simm.s32 $0x48;
	[sflag:s16] =	ssyncadd.s32 $0xFFFFFE00  }
.LBB2_2:
0x1d: {  	[tilespmem:s6], [sflag:$0x1] =	stream.linear.gather [hbm4b:s10+s3], $0x40, $0x38;
	[tilespmem:$0xB740] =	vst v63  }
0x1e: {  	s10 =	smov.u32 s0;
	s6 =	smov.u32 s2;
	p0 =	sne.s32 s0, $0x4F8  }
.Ltmp2:
0x1f: {  	s0 =	sadd.s32 $0x8, s0;
	(pc) =	sbr.rel @p0 .LBB2_2-.Ltmp2, $2  }
0x20: {  	_ =	sdelay $0x2  }
0x21: {  	s2 =	sadd.s32 $0x48, s2;
	s10 =	sadd.s32 s10, s9  }
0x22: {  	[tilespmem:s6], [sflag:$0x1] =	stream.linear.gather [hbm4b:s10+s3], $0x40, $0x38;
	[tilespmem:$0xB740] =	vst v63  }
0x23: {  	s0 =	simm.s32 $0x0;
	s2 =	rddreg [dreg:$0x4];
	s10 =	sadd.s32 $0x0, s11  }
0x24: {  	[tilespmem:s17], [sflag:$0x1] =	stream.linear.gather [hbm4b:s2+s0], $0xA0, $0x38;
	[tilespmem:$0xB740] =	vst v63  }
0x25: {  	s6 =	simm.s32 $0x2D48;
	s0 =	simm.s32 $0x2D00;
	s2 =	simm.s32 $0x8  }
.LBB2_4:
0x26: {  	[tilespmem:s0], [sflag:$0x2] =	stream.linear.gather [hbm4b:s10+s3], $0x40, $0x38;
	[tilespmem:$0xB740] =	vst v63  }
0x27: {  	s10 =	smov.u32 s2;
	s0 =	smov.u32 s6;
	p0 =	sne.s32 s2, $0x4F8  }
.Ltmp3:
0x28: {  	s2 =	sadd.s32 $0x8, s2;
	(pc) =	sbr.rel @p0 .LBB2_4-.Ltmp3, $2  }
0x29: {  	_ =	sdelay $0x2  }
0x2a: {  	s6 =	sadd.s32 $0x48, s6;
	s10 =	sadd.s32 s10, s11  }
.Ltmp4:
0x2b: {  	(pc) =	sbr.rel .LBB2_6-.Ltmp4, $4  }
0x2c: {  	_ = 	snop  }
0x2d: {  	[tilespmem:s0], [sflag:$0x2] =	stream.linear.gather [hbm4b:s10+s3], $0x40, $0x38;
	[tilespmem:$0xB740] =	vst v63  }
0x2e: {  	s28 =	simm.s32 $0x0  }
0x2f: {  	[tilespmem:s18], [sflag:$0x2] =	stream.linear.gather [hbm4b:s12+s28], $0xA0, $0x38;
	[tilespmem:$0xB740] =	vst v63  }
.LBB2_39:
0x30: {  	s28 =	sadd.s32 $0x1, s28  }
0x31: {  	p0 =	sne.s32 s28, $0xA  }
.Ltmp5:
0x32: {  	_ = 	snop;
	(pc) =	sbr.rel @!p0 .LBB2_40-.Ltmp5, $1  }
0x33: {  	_ =	sdelay $0x3  }
.LBB2_6:
0x34: {  	_ =	swait.ge [sflag:s19], $0x2800  }
0x35: {  	[sflag:s19] =	ssyncset.done $0x0  }
0x36: {  	[sflag:s19] =	ssyncadd.s32 $0xFFFFD800  }
0x37: {  	_ =	swait.ge [sflag:s19], $0xA0  }
0x38: {  	p0 =	seq.s32 s28, $0x0;
	[sflag:s19] =	ssyncset.done $0x0  }
0x39: {  	s0 =	simm.s32 @!p0 $0x3;
	[sflag:s19] =	ssyncadd.s32 $0xFFFFFF60  }
0x3a: {  	_ =	swait.ge @!p0 [sflag:s0], $0x2800  }
0x3b: {  	[sflag:s0] =	ssyncset.done @!p0 $0x0  }
0x3c: {  	s29 =	sshll.u32 s28, $0x1;
	s30 =	simm.s32 $0x0;
	[sflag:s0] =	ssyncadd.s32 @!p0 $0xFFFFD800  }
.LBB2_7:
0x3d: {  	s31 =	sshll.u32 s30, $0x4  }
0x3e: {  	v3 =	vmov s31  }
0x3f: {  	v3 =	vmul.u32 $0x48, v3;
	_ =	sdelay $0x1  }
0x40: {  	v4 =	vimm.s32 $0x0;
	v5 =	vbroadcast v3, $0x0  }
0x41: {  	v6 =	vand.u32 $0xFFFFFFF8, v4  }
0x42: {  	v7 =	vand.u32 $0x7, v4;
	v8 =	vadd.s32 $0x5, v4;
	v3 =	vadd.s32 v61, v5  }
0x43: {  	v10 =	vadd.s32 $0x2, v4;
	v13 =	vadd.s32 $0x1, v4;
	v9 =	vadd.s32 v3, v6  }
0x44: {  	v11 =	vand.u32 $0xFFFFFFF8, v10;
	v32 =	vor.u32 v7, v9;
	v9 =	vadd.s32 $0x3, v4  }
0x45: {  	v10 =	vand.u32 $0x7, v10;
	v11 =	vadd.s32 v3, v11;
	v12 =	vand.u32 $0xFFFFFFF8, v9  }
0x46: {  	v36 =	vor.u32 v10, v11;
	v9 =	vand.u32 $0x7, v9;
	v12 =	vadd.s32 v3, v12  }
0x47: {  	v14 =	vadd.s32 $0x4, v4;
	v31 =	vor.u32 v9, v12;
	v9 =	vand.u32 $0xFFFFFFF8, v13  }
0x48: {  	v12 =	vand.u32 $0xFFFFFFF8, v14;
	v13 =	vand.u32 $0x7, v13;
	v9 =	vadd.s32 v3, v9  }
0x49: {  	v12 =	vadd.s32 v3, v12;
	v37 =	vor.u32 v13, v9;
	v9 =	vand.u32 $0x7, v14  }
0x4a: {  	v0 =	vld [tilespmem:$0x1FFD0];
	v13 =	vand.u32 $0xFFFFFFF8, v8;
	v35 =	vor.u32 v9, v12  }
0x4b: {  	v8 =	vand.u32 $0x7, v8;
	v10 =	vld.idx.msk [tilespmem:v36+s3+$0x0], $0xffff;
	v9 =	vadd.s32 v3, v13  }
0x4c: {  	v33 =	vor.u32 v8, v9;
	v8 =	vld.idx.msk [tilespmem:v32+s3+$0x0], $0xffff  }
0x4d: {  	v11 =	vld.idx.msk [tilespmem:v31+s3+$0x0], $0xffff  }
0x4e: {  	v16 =	vadd.s32 $0x6, v4;
	v9 =	vld.idx.msk [tilespmem:v37+s3+$0x0], $0xffff  }
0x4f: {  	v19 =	vadd.s32 $0x9, v4;
	v17 =	vand.u32 $0x7, v16;
	v14 =	vadd.s32 v0, v5;
	v12 =	vld.idx.msk [tilespmem:v35+s3+$0x0], $0xffff  }
0x50: {  	v16 =	vand.u32 $0xFFFFFFF8, v16;
	v21 =	vadd.s32 $0x2, v19;
	v6 =	vadd.s32 v14, v6  }
0x51: {  	v13 =	vadd.s32 $0x7, v4;
	v4 =	vadd.s32 $0x3, v19;
	v6 =	vor.u32 v7, v6;
	v15 =	vld.idx.msk [tilespmem:v33+s3+$0x0], $0xffff  }
0x52: {  	v7 =	vand.u32 $0xFFFFFFF8, v13;
	v13 =	vand.u32 $0x7, v13;
	v23 =	vand.u32 $0x7, v4  }
0x53: {  	v7 =	vadd.s32 v3, v7;
	v8 =	vadd.f32 v9, v8;
	v9 =	vsub.f32 v10, v9  }
0x54: {  	v10 =	vor.u32 v13, v7;
	v13 =	vadd.s32 $0x1, v19;
	v7 =	vadd.f32 v12, v11  }
0x55: {  	v11 =	vadd.s32 v3, v16;
	v16 =	vand.u32 $0x7, v19;
	v8 =	vsub.f32 $0.0e+00, v8  }
0x56: {  	v12 =	vsub.f32 v15, v12;
	v9 =	vmul.f32 $1.442695020e+00, v9;
	v18 =	vor.u32 v17, v11  }
0x57: {  	v11 =	vand.u32 $0xFFFFFFF8, v19;
	v7 =	vsub.f32 $0.0e+00, v7;
	v8 =	vmul.f32 $1.442695020e+00, v8  }
0x58: {  	v15 =	vadd.s32 $0x5, v19;
	(erf) = vpow2.f32 v9;
	v9 =	vand.u32 $0xFFFFFFF8, v4  }
0x59: {  	v17 =	vmul.f32 $1.442695020e+00, v7;
	v7 =	vadd.s32 $0x4, v19;
	(erf) = vpow2.f32 v8  }
0x5a: {  	s0 =	simm.s32 $0x5B60;
	v9 =	vadd.s32 v3, v9;
	v8 =	vadd.s32 v3, v11;
	v22 =	vand.u32 $0xFFFFFFF8, v7  }
0x5b: {  	v28 =	vld [tilespmem:s0+$0x0];
	v24 =	vand.u32 $0x7, v7;
	v7 =	vor.u32 v23, v9;
	v22 =	vadd.s32 v3, v22  }
0x5c: {  	v27 =	vand.u32 $0xFFFFFFF8, v15;
	v23 =	vld.idx.msk [tilespmem:v10+s3+$0x0], $0xffff;
	v9 =	vor.u32 v16, v8;
	v8 =	vor.u32 v24, v22  }
0x5d: {  	v12 =	vmul.f32 $1.442695020e+00, v12;
	v26 =	vld.idx.msk [tilespmem:v18+s3+$0x0], $0xffff;
	(erf) = vpow2.f32 v17;
	v22 =	vand.u32 $0xFFFFFFF8, v13  }
0x5e: {  	v4 =	vld [tilespmem:s31+$0x5A00];
	v24 =	vadd.s32 v14, v11;
	v11 =	vand.u32 $0x7, v13;
	v13 =	vadd.s32 v3, v22  }
0x5f: {  	v17 =	vld.idx.msk [tilespmem:v6+s3+$0x0], $0xffff;
	v13 =	vor.u32 v11, v13;
	v11 =	vand.u32 $0x7, v15;
	v15 =	vadd.s32 v3, v27  }
0x60: {  	v20 =	vadd.s32 $0x6, v19;
	v22 =	vand.u32 $0xFFFFFFF8, v21;
	v29 =	vld.idx.msk [tilespmem:v7+s3+$0x0], $0xffff;
	v11 =	vor.u32 v11, v15  }
0x61: {  	v34 =	vadd.s32 $0x7, v19;
	(erf) = vpow2.f32 v12;
	v15 =	vadd.s32 v3, v22;
	v25 =	vpop (erf);
	v22 =	vld.idx.msk [tilespmem:v8+s3+$0x0], $0xffff  }
0x62: {  	v39 =	vld [tilespmem:s0+$0xFFFFFFF0];
	v21 =	vand.u32 $0x7, v21;
	v12 =	vor.u32 v16, v24;
	v26 =	vadd.f32 v23, v26;
	v27 =	vpop (erf)  }
0x63: {  	v16 =	vand.u32 $0xFFFFFFF8, v34;
	v15 =	vor.u32 v21, v15;
	v21 =	vld.idx.msk [tilespmem:v9+s3+$0x0], $0xffff;
	v30 =	vadd.f32 $1.000000000e+00, v27  }
0x64: {  	v24 =	vand.u32 $0x7, v20;
	v20 =	vand.u32 $0xFFFFFFF8, v20;
	v26 =	vsub.f32 $0.0e+00, v26;
	v38 =	vld.idx.msk [tilespmem:v13+s3+$0x0], $0xffff  }
0x65: {  	v41 =	vmul.f32 v28, v4;
	v23 =	vsub.f32 v17, v23;
	v56 =	vld.idx.msk [tilespmem:v11+s3+$0x0], $0xffff;
	v30 =	vadd.f32 v30, v25  }
0x66: {  	v17 =	vadd.s32 v3, v20;
	v20 =	vmul.f32 $1.442695020e+00, v26;
	v26 =	vld [tilespmem:s0+$0xFFFFFFE0];
	v29 =	vadd.f32 v22, v29  }
0x67: {  	v16 =	vadd.s32 v3, v16;
	v17 =	vor.u32 v24, v17;
	(erf) = vrcp.f32 v30  }
0x68: {  	v23 =	vmul.f32 $1.442695020e+00, v23;
	v30 =	vand.u32 $0x7, v34;
	v28 =	vsub.f32 $0.0e+00, v29  }
0x69: {  	v42 =	vpop (erf);
	v34 =	vmul.f32 v39, v4;
	v16 =	vor.u32 v30, v16;
	(erf) = vpow2.f32 v20  }
0x6a: {  	v24 =	vld.idx.msk [tilespmem:v15+s3+$0x0], $0xffff;
	v20 =	vadd.f32 v38, v21;
	v21 =	vadd.f32 $1.000000000e+00, v42;
	(erf) = vpow2.f32 v23  }
0x6b: {  	v43 =	vpop (erf);
	v23 =	vsub.f32 v56, v22;
	v22 =	vadd.s32 $0x9, v19;
	v19 =	vmul.f32 v26, v4  }
0x6c: {  	v28 =	vmul.f32 $1.442695020e+00, v28;
	v20 =	vsub.f32 $0.0e+00, v20;
	v21 =	vadd.f32 v21, v43  }
0x6d: {  	v29 =	vadd.s32 $0x5, v22;
	v57 =	vadd.s32 $0x6, v22;
	v58 =	vadd.s32 $0x2, v22  }
0x6e: {  	v30 =	vmul.f32 $1.442695020e+00, v23;
	v23 =	vand.u32 $0x7, v22;
	v40 =	vand.u32 $0xFFFFFFF8, v58  }
0x6f: {  	v39 =	vand.u32 $0x7, v58;
	v26 =	vmul.f32 $1.442695020e+00, v20;
	v20 =	vsub.f32 v24, v38  }
0x70: {  	v51 =	vand.u32 $0xFFFFFFF8, v29;
	(erf) = vrcp.f32 v21;
	v21 =	vand.u32 $0xFFFFFFF8, v22;
	v24 =	vpop (erf)  }
0x71: {  	v44 =	vmul.f32 v24, v19;
	v19 =	vadd.s32 v3, v21;
	v24 =	vmul.f32 $1.442695020e+00, v20  }
0x72: {  	v54 =	vand.u32 $0x7, v57;
	v45 =	vpop (erf);
	v20 =	vor.u32 v23, v19;
	v19 =	vadd.s32 v14, v21  }
0x73: {  	v21 =	vadd.s32 $0x3, v22;
	v46 =	vadd.f32 $1.000000000e+00, v45;
	(erf) = vpow2.f32 v24  }
0x74: {  	v19 =	vor.u32 v23, v19;
	v23 =	vadd.s32 $0x1, v22;
	(erf) = vpow2.f32 v26  }
0x75: {  	v47 =	vpop (erf);
	v24 =	vadd.s32 $0x4, v22;
	v48 =	vand.u32 $0xFFFFFFF8, v21;
	v21 =	vand.u32 $0x7, v21  }
0x76: {  	v26 =	vadd.s32 $0x7, v22;
	v49 =	vand.u32 $0xFFFFFFF8, v24;
	v46 =	vadd.f32 v46, v47  }
0x77: {  	v50 =	vand.u32 $0x7, v23;
	v48 =	vadd.s32 v3, v48;
	v24 =	vand.u32 $0x7, v24  }
0x78: {  	v52 =	vld.idx.msk [tilespmem:v17+s3+$0x0], $0xffff;
	v23 =	vand.u32 $0xFFFFFFF8, v23;
	v49 =	vadd.s32 v3, v49;
	v21 =	vor.u32 v21, v48  }
0x79: {  	v59 =	vand.u32 $0xFFFFFFF8, v26;
	v23 =	vadd.s32 v3, v23;
	(erf) = vrcp.f32 v46;
	v46 =	vld.idx.msk [tilespmem:v16+s3+$0x0], $0xffff  }
0x7a: {  	s0 =	simm.s32 $0x5B90;
	v24 =	vor.u32 v24, v49;
	(erf) = vpow2.f32 v28;
	v28 =	vadd.s32 v3, v59  }
0x7b: {  	v55 =	vld [tilespmem:s0+$0x0];
	v40 =	vadd.s32 v3, v40;
	v60 =	vadd.s32 v3, v51;
	v63 =	vmul.f32 v44, v27;
	v53 =	vpop (erf)  }
0x7c: {  	v48 =	vand.u32 $0x7, v29;
	v26 =	vand.u32 $0x7, v26;
	v29 =	vor.u32 v50, v23;
	v49 =	vld.idx.msk [tilespmem:v12+s3+$0x0], $0xffff;
	v23 =	vpop (erf)  }
0x7d: {  	v27 =	vor.u32 v48, v60;
	v53 =	vmul.f32 v53, v34;
	v26 =	vor.u32 v26, v28;
	v28 =	vpop (erf)  }
0x7e: {  	v38 =	vand.u32 $0xFFFFFFF8, v57;
	v56 =	vld.idx.msk [tilespmem:v21+s3+$0x0], $0xffff;
	v59 =	vadd.f32 v46, v52;
	v58 =	vadd.f32 $1.000000000e+00, v28  }
0x7f: {  	v51 =	vsub.f32 $0.0e+00, v63;
	v42 =	vmul.f32 v53, v42;
	v50 =	vld.idx.msk [tilespmem:v24+s3+$0x0], $0xffff;
	(erf) = vpow2.f32 v30  }
0x80: {  	v60 =	vld.idx.msk [tilespmem:v20+s3+$0x0], $0xffff;
	v30 =	vor.u32 v39, v40;
	v57 =	vsub.f32 $0.0e+00, v59;
	v48 =	vadd.f32 v58, v23  }
0x81: {  	v38 =	vadd.s32 v3, v38;
	v34 =	vmul.f32 v55, v4;
	v46 =	vsub.f32 v49, v46;
	v40 =	vld.idx.msk [tilespmem:v29+s3+$0x0], $0xffff  }
0x82: {  	[tilespmem:v32+s20+$0x0] =	vst.idx.msk $0xffff, v51;
	v55 =	vld.idx.msk [tilespmem:v27+s3+$0x0], $0xffff;
	v63 =	vpop (erf);
	v51 =	vmul.f32 $1.442695020e+00, v57;
	v57 =	vsub.f32 $0.0e+00, v42;
	(erf) = vrcp.f32 v48  }
0x83: {  	v58 =	vmul.f32 v44, v25;
	v25 =	vor.u32 v54, v38;
	v54 =	vld [tilespmem:s0+$0xFFFFFFF0];
	v39 =	vmul.f32 v63, v41  }
0x84: {  	[tilespmem:v37+s20+$0x0] =	vst.idx.msk $0xffff, v44;
	v37 =	vld [tilespmem:s0+$0xFFFFFFE0];
	v46 =	vmul.f32 $1.442695020e+00, v46;
	v59 =	vadd.f32 v50, v56;
	v63 =	vmul.f32 v53, v43  }
0x85: {  	v32 =	vpop (erf);
	[tilespmem:v31+s20+$0x0] =	vst.idx.msk $0xffff, v57;
	v45 =	vmul.f32 v39, v45;
	v43 =	vld.idx.msk [tilespmem:v30+s3+$0x0], $0xffff;
	(erf) = vpow2.f32 v51  }
0x86: {  	v44 =	vadd.f32 $1.000000000e+00, v32;
	[tilespmem:v36+s20+$0x0] =	vst.idx.msk $0xffff, v58;
	v36 =	vmul.f32 v39, v47;
	v60 =	vadd.f32 v40, v60  }
0x87: {  	v38 =	vld.idx.msk [tilespmem:v26+s3+$0x0], $0xffff;
	[tilespmem:v35+s20+$0x0] =	vst.idx.msk $0xffff, v53;
	v42 =	vsub.f32 $0.0e+00, v59;
	(erf) = vpow2.f32 v46;
	v41 =	vsub.f32 $0.0e+00, v45  }
0x88: {  	s2 =	simm.s32 $0x6;
	[tilespmem:v33+s20+$0x0] =	vst.idx.msk $0xffff, v63;
	v46 =	vsub.f32 $0.0e+00, v60;
	v45 =	vsub.f32 v55, v50;
	v35 =	vmul.f32 v54, v4;
	v31 =	vpop (erf)  }
.LBB2_8:
0x89: {  	s2 =	sadd.s32 $0x3, s2;
	v22 =	vadd.s32 $0x9, v22;
	v37 =	vmul.f32 v37, v4;
	v44 =	vadd.f32 v44, v31;
	s0 =	sadd.s32 $0x30, s0;
	[tilespmem:v18+s20+$0x0] =	vst.idx.msk $0xffff, v41  }
0x8a: {  	v40 =	vsub.f32 v43, v40;
	v33 =	vmovc v24;
	p1 =	slt.u32 s2, $0x12;
	v18 =	vmul.f32 $1.442695020e+00, v46;
	v41 =	vmul.f32 $1.442695020e+00, v45;
	[tilespmem:v10+s20+$0x0] =	vst.idx.msk $0xffff, v39  }
0x8b: {  	v10 =	vand.u32 $0x7, v22;
	v39 =	vadd.s32 $0x5, v22;
	v24 =	vpop (erf);
	(erf) = vrcp.f32 v44;
	[tilespmem:v6+s20+$0x0] =	vst.idx.msk $0xffff, v36  }
0x8c: {  	v42 =	vmul.f32 $1.442695020e+00, v42;
	v0 =	vand.u32 $0xFFFFFFF8, v22;
	v6 =	vmovc v12;
	v12 =	vmovc v19;
	v37 =	vmul.f32 v24, v37  }
0x8d: {  	v43 =	vadd.s32 $0x6, v22;
	v19 =	vadd.s32 v3, v0;
	v24 =	vmul.f32 $1.442695020e+00, v40;
	v44 =	vmovc v13;
	v13 =	vmovc v29  }
0x8e: {  	v45 =	vor.u32 v10, v19;
	v19 =	vadd.s32 v14, v0;
	v29 =	vadd.s32 $0x2, v22;
	v36 =	vpop (erf)  }
0x8f: {  	v19 =	vor.u32 v10, v19;
	v10 =	vmovc v16;
	v16 =	vmovc v26;
	v40 =	vand.u32 $0xFFFFFFF8, v29;
	v46 =	vand.u32 $0x7, v29  }
0x90: {  	v47 =	vadd.s32 $0x7, v22;
	v26 =	vadd.s32 $0x1, v22;
	(erf) = vpow2.f32 v24;
	v48 =	vpop (erf)  }
0x91: {  	v50 =	vmovc v11;
	v11 =	vmovc v27;
	v29 =	vadd.s32 $0x4, v22;
	v49 =	vadd.f32 $1.000000000e+00, v36;
	v24 =	vadd.s32 $0x3, v22  }
0x92: {  	v52 =	vmovc v15;
	v15 =	vmovc v30;
	v51 =	vand.u32 $0xFFFFFFF8, v29;
	v27 =	vand.u32 $0xFFFFFFF8, v24;
	(erf) = vpow2.f32 v18  }
0x93: {  	v30 =	vadd.s32 v3, v51;
	v24 =	vand.u32 $0x7, v24;
	v0 =	vadd.f32 v49, v48;
	v18 =	vmovc v17;
	v17 =	vmovc v25  }
0x94: {  	v29 =	vand.u32 $0x7, v29;
	v51 =	vand.u32 $0x7, v26;
	v27 =	vadd.s32 v3, v27;
	v53 =	vpop (erf)  }
0x95: {  	v55 =	vmovc v38;
	v54 =	vor.u32 v24, v27;
	v24 =	vor.u32 v29, v30;
	v49 =	vmovc v34;
	(erf) = vrcp.f32 v0  }
0x96: {  	v26 =	vand.u32 $0xFFFFFFF8, v26;
	v27 =	vand.u32 $0x7, v39;
	v30 =	vand.u32 $0xFFFFFFF8, v47  }
0x97: {  	v38 =	vand.u32 $0xFFFFFFF8, v39;
	v34 =	vadd.s32 v3, v40;
	v39 =	vand.u32 $0x7, v43;
	v40 =	vld.idx.msk [tilespmem:v25+s3+$0x0], $0xffff  }
0x98: {  	v43 =	vand.u32 $0xFFFFFFF8, v43;
	v25 =	vadd.s32 v3, v26;
	v56 =	vld [tilespmem:s0+$0x0];
	(erf) = vpow2.f32 v42  }
0x99: {  	v26 =	vadd.s32 v3, v30;
	v29 =	vor.u32 v51, v25;
	v25 =	vand.u32 $0x7, v47;
	v42 =	vld.idx.msk [tilespmem:v12+s3+$0x0], $0xffff;
	v47 =	vpop (erf)  }
0x9a: {  	v30 =	vadd.s32 v3, v38;
	v38 =	vmul.f32 v37, v28;
	v26 =	vor.u32 v25, v26;
	v51 =	vld.idx.msk [tilespmem:v54+s3+$0x0], $0xffff  }
0x9b: {  	v27 =	vor.u32 v27, v30;
	v25 =	vadd.s32 v3, v43;
	v57 =	vld.idx.msk [tilespmem:v24+s3+$0x0], $0xffff;
	v28 =	vpop (erf);
	(erf) = vpow2.f32 v41  }
0x9c: {  	v30 =	vor.u32 v46, v34;
	v25 =	vor.u32 v39, v25;
	v34 =	vadd.f32 $1.000000000e+00, v28;
	v58 =	vld [tilespmem:s0+$0xFFFFFFF0]  }
0x9d: {  	v35 =	vmul.f32 v53, v35;
	v43 =	vsub.f32 $0.0e+00, v38;
	v39 =	vadd.f32 v55, v40;
	v41 =	vld.idx.msk [tilespmem:v45+s3+$0x0], $0xffff  }
0x9e: {  	v40 =	vld.idx.msk [tilespmem:v29+s3+$0x0], $0xffff;
	v46 =	vadd.f32 v34, v47;
	v34 =	vmul.f32 v56, v4;
	v53 =	vpop (erf)  }
0x9f: {  	v59 =	vmul.f32 v37, v23;
	v60 =	vmul.f32 v35, v32;
	v23 =	vmovc v47;
	v56 =	vsub.f32 $0.0e+00, v39;
	v38 =	vld.idx.msk [tilespmem:v26+s3+$0x0], $0xffff  }
0xa0: {  	v39 =	vmul.f32 v53, v49;
	v47 =	vld.idx.msk [tilespmem:v27+s3+$0x0], $0xffff;
	(erf) = vrcp.f32 v46;
	[tilespmem:v9+s20+$0x0] =	vst.idx.msk $0xffff, v43;
	v9 =	vmov v20  }
0xa1: {  	v42 =	vsub.f32 v42, v55;
	v0 =	vmul.f32 $1.442695020e+00, v56;
	v46 =	vsub.f32 $0.0e+00, v60;
	v43 =	vld.idx.msk [tilespmem:v30+s3+$0x0], $0xffff;
	v32 =	vpop (erf);
	[tilespmem:v44+s20+$0x0] =	vst.idx.msk $0xffff, v37  }
.Ltmp6:
0xa2: {  	v49 =	vmul.f32 v39, v36;
	v36 =	vmul.f32 v39, v48;
	v37 =	vld [tilespmem:s0+$0xFFFFFFE0];
	v44 =	vadd.f32 $1.000000000e+00, v32;
	[tilespmem:v52+s20+$0x0] =	vst.idx.msk $0xffff, v59;
	(pc) =	sbr.rel @p1 .LBB2_8-.Ltmp6, $4  }
0xa3: {  	v20 =	vmovc v45;
	v48 =	vadd.f32 v57, v51;
	v51 =	vmul.f32 $1.442695020e+00, v42;
	(erf) = vpow2.f32 v0;
	[tilespmem:v7+s20+$0x0] =	vst.idx.msk $0xffff, v46  }
0xa4: {  	v52 =	vmul.f32 v35, v31;
	v45 =	vadd.f32 v40, v41;
	v7 =	vmov v21;
	v31 =	vpop (erf);
	[tilespmem:v8+s20+$0x0] =	vst.idx.msk $0xffff, v35  }
0xa5: {  	v42 =	vsub.f32 $0.0e+00, v48;
	v41 =	vsub.f32 $0.0e+00, v49;
	v21 =	vmovc v54;
	v8 =	vmovc v33;
	(erf) = vpow2.f32 v51  }
0xa6: {  	v35 =	vmul.f32 v58, v4;
	v46 =	vsub.f32 $0.0e+00, v45;
	v45 =	vsub.f32 v47, v57;
	[tilespmem:v50+s20+$0x0] =	vst.idx.msk $0xffff, v52  }
0xa7: {  	v14 =	vsub.f32 v43, v40  }
0xa8: {  	v22 =	vadd.f32 v44, v31  }
0xa9: {  	v14 =	vmul.f32 $1.442695020e+00, v14  }
0xaa: {  	v33 =	vmul.f32 $1.442695020e+00, v46;
	(erf) = vrcp.f32 v22  }
0xab: {  	(erf) = vpow2.f32 v14  }
0xac: {  	(erf) = vpow2.f32 v33;
	_ =	sdelay $0x3  }
0xad: {  	v22 =	vld.idx.msk [tilespmem:v25+s3+$0x0], $0xffff;
	v14 =	vpop (erf)  }
0xae: {  	v33 =	vpop (erf)  }
0xaf: {  	v40 =	vpop (erf)  }
0xb0: {  	v60 =	vadd.f32 $1.000000000e+00, v33;
	v44 =	vpop (erf)  }
0xb1: {  	v63 =	vld.idx.msk [tilespmem:v19+s3+$0x0], $0xffff;
	v47 =	vpop (erf)  }
0xb2: {  	v22 =	vadd.f32 v38, v22;
	v43 =	vadd.f32 v60, v40;
	v48 =	vpop (erf)  }
0xb3: {  	v42 =	vmul.f32 $1.442695020e+00, v42;
	v49 =	vadd.f32 $1.000000000e+00, v48  }
0xb4: {  	v45 =	vmul.f32 $1.442695020e+00, v45;
	v22 =	vsub.f32 $0.0e+00, v22;
	(erf) = vrcp.f32 v43  }
0xb5: {  	(erf) = vpow2.f32 v42;
	v51 =	vadd.f32 v49, v47  }
0xb6: {  	v52 =	vsub.f32 v63, v38;
	v22 =	vmul.f32 $1.442695020e+00, v22;
	(erf) = vpow2.f32 v45  }
0xb7: {  	(erf) = vrcp.f32 v51  }
0xb8: {  	v38 =	vmul.f32 $1.442695020e+00, v52;
	(erf) = vpow2.f32 v22;
	_ =	sdelay $0x1  }
0xb9: {  	(erf) = vpow2.f32 v38;
	_ =	sdelay $0x2  }
0xba: {  	v22 =	vpop (erf)  }
0xbb: {  	v37 =	vmul.f32 v37, v4;
	v53 =	vpop (erf)  }
0xbc: {  	v54 =	vadd.f32 $1.000000000e+00, v53;
	v55 =	vpop (erf)  }
0xbd: {  	v14 =	vmul.f32 v14, v37;
	v56 =	vpop (erf)  }
0xbe: {  	v57 =	vadd.f32 v54, v55;
	v58 =	vpop (erf)  }
0xbf: {  	s0 =	sadd.s32 $0x30, s0;
	[tilespmem:v18+s20+$0x0] =	vst.idx.msk $0xffff, v41;
	v28 =	vmul.f32 v14, v28;
	v18 =	vmul.f32 v44, v35;
	v59 =	vadd.f32 $1.000000000e+00, v58  }
0xc0: {  	v60 =	vld [tilespmem:s0+$0xFFFFFFE0];
	(erf) = vrcp.f32 v57;
	v63 =	vpop (erf)  }
0xc1: {  	[tilespmem:v10+s20+$0x0] =	vst.idx.msk $0xffff, v39;
	v10 =	vsub.f32 $0.0e+00, v28;
	v28 =	vmul.f32 v18, v32;
	v46 =	vadd.f32 v59, v63  }
0xc2: {  	[tilespmem:v6+s20+$0x0] =	vst.idx.msk $0xffff, v36  }
0xc3: {  	v6 =	vld [tilespmem:s0+$0xFFFFFFF0];
	[tilespmem:v9+s20+$0x0] =	vst.idx.msk $0xffff, v10;
	v10 =	vsub.f32 $0.0e+00, v28;
	(erf) = vrcp.f32 v46  }
0xc4: {  	v23 =	vmul.f32 v14, v23;
	[tilespmem:v13+s20+$0x0] =	vst.idx.msk $0xffff, v14;
	v9 =	vmul.f32 v22, v34  }
0xc5: {  	v13 =	vmul.f32 v60, v4;
	[tilespmem:v7+s20+$0x0] =	vst.idx.msk $0xffff, v10;
	v7 =	vmul.f32 v18, v31  }
0xc6: {  	v14 =	vld [tilespmem:s0+$0x0];
	[tilespmem:v15+s20+$0x0] =	vst.idx.msk $0xffff, v23;
	v15 =	vmul.f32 v9, v33  }
0xc7: {  	v10 =	vmul.f32 v56, v13  }
0xc8: {  	v6 =	vmul.f32 v6, v4;
	[tilespmem:v8+s20+$0x0] =	vst.idx.msk $0xffff, v18;
	v8 =	vsub.f32 $0.0e+00, v15  }
0xc9: {  	[tilespmem:v11+s20+$0x0] =	vst.idx.msk $0xffff, v7;
	v11 =	vmul.f32 v10, v48;
	v7 =	vpop (erf)  }
0xca: {  	[tilespmem:v17+s20+$0x0] =	vst.idx.msk $0xffff, v8;
	v13 =	vmul.f32 v9, v40;
	v6 =	vmul.f32 v7, v6  }
0xcb: {  	[tilespmem:v16+s20+$0x0] =	vst.idx.msk $0xffff, v9;
	v8 =	vsub.f32 $0.0e+00, v11;
	v7 =	vmul.f32 v14, v4  }
0xcc: {  	[tilespmem:v12+s20+$0x0] =	vst.idx.msk $0xffff, v13;
	v11 =	vmul.f32 v6, v53;
	v9 =	vpop (erf)  }
0xcd: {  	v12 =	vmul.f32 v10, v47;
	[tilespmem:v20+s20+$0x0] =	vst.idx.msk $0xffff, v8;
	v7 =	vmul.f32 v9, v7  }
0xce: {  	[tilespmem:v29+s20+$0x0] =	vst.idx.msk $0xffff, v10;
	v8 =	vsub.f32 $0.0e+00, v11  }
0xcf: {  	[tilespmem:v30+s20+$0x0] =	vst.idx.msk $0xffff, v12;
	v9 =	vmul.f32 v7, v58  }
0xd0: {  	[tilespmem:v21+s20+$0x0] =	vst.idx.msk $0xffff, v8;
	v8 =	vmul.f32 v6, v55  }
0xd1: {  	v5 =	vadd.s32 v62, v5;
	[tilespmem:v24+s20+$0x0] =	vst.idx.msk $0xffff, v6;
	v6 =	vsub.f32 $0.0e+00, v9  }
0xd2: {  	[tilespmem:v27+s20+$0x0] =	vst.idx.msk $0xffff, v8  }
0xd3: {  	v8 =	vmul.f32 v7, v63;
	[tilespmem:v25+s20+$0x0] =	vst.idx.msk $0xffff, v6  }
0xd4: {  	[tilespmem:v26+s20+$0x0] =	vst.idx.msk $0xffff, v7  }
0xd5: {  	[tilespmem:v19+s20+$0x0] =	vst.idx.msk $0xffff, v8  }
0xd6: {  	v7 =	vor.u32 $0x1, v3;
	v6 =	vld.idx.msk [tilespmem:v5+s3+$0x0], $0xffff  }
0xd7: {  	v8 =	vld.idx.msk [tilespmem:v3+s3+$0x0], $0xffff;
	_ =	sdelay $0x3  }
0xd8: {  	v9 =	vld.idx.msk [tilespmem:v7+s3+$0x0], $0xffff  }
0xd9: {  	v6 =	vadd.f32 v8, v6;
	_ =	sdelay $0x1  }
0xda: {  	v6 =	vsub.f32 $0.0e+00, v6;
	_ =	sdelay $0x1  }
0xdb: {  	v8 =	vsub.f32 v9, v8;
	v6 =	vmul.f32 $1.442695020e+00, v6;
	_ =	sdelay $0x1  }
0xdc: {  	(erf) = vpow2.f32 v6;
	v6 =	vmul.f32 $1.442695020e+00, v8;
	_ =	sdelay $0x1  }
0xdd: {  	(erf) = vpow2.f32 v6;
	_ =	sdelay $0x6  }
0xde: {  	v6 =	vpop (erf)  }
0xdf: {  	v8 =	vadd.f32 $1.000000000e+00, v6  }
0xe0: {  	v9 =	vpop (erf)  }
0xe1: {  	v8 =	vadd.f32 v8, v9;
	_ =	sdelay $0x1  }
0xe2: {  	(erf) = vrcp.f32 v8;
	_ =	sdelay $0x2  }
0xe3: {  	v8 =	vld [tilespmem:$0x5C90];
	_ =	sdelay $0x4  }
0xe4: {  	v8 =	vmul.f32 v8, v4  }
0xe5: {  	v10 =	vpop (erf)  }
0xe6: {  	v8 =	vmul.f32 v10, v8;
	_ =	sdelay $0x1  }
0xe7: {  	v6 =	vmul.f32 v8, v6  }
0xe8: {  	v10 =	vimm.s32 $0x2  }
0xe9: {  	v11 =	vand.u32 $0xFFFFFFF8, v10;
	v6 =	vsub.f32 $0.0e+00, v6  }
0xea: {  	v12 =	vand.u32 $0x6, v10;
	v11 =	vadd.s32 v3, v11  }
0xeb: {  	v9 =	vmul.f32 v8, v9;
	v27 =	vor.u32 v12, v11;
	[tilespmem:v5+s20+$0x0] =	vst.idx.msk $0xffff, v6  }
0xec: {  	v25 =	vor.u32 $0x1, v27;
	v5 =	vadd.s32 $0x4, v10;
	[tilespmem:v3+s20+$0x0] =	vst.idx.add.f32.msk $0xffff, v8  }
0xed: {  	v6 =	vadd.s32 $0x3, v10;
	[tilespmem:v7+s20+$0x0] =	vst.idx.add.f32.msk $0xffff, v9;
	v7 =	vand.u32 $0xFFFFFFF8, v5  }
0xee: {  	v9 =	vand.u32 $0xFFFFFFF8, v6;
	v5 =	vand.u32 $0x6, v5;
	v7 =	vadd.s32 v3, v7  }
0xef: {  	s2 =	simm.s32 $0x5CB0;
	v6 =	vand.u32 $0x7, v6;
	v9 =	vadd.s32 v3, v9;
	v15 =	vor.u32 v5, v7  }
0xf0: {  	v8 =	vld [tilespmem:s2+$0x0];
	v7 =	vadd.s32 $0x5, v10;
	v21 =	vor.u32 v6, v9  }
0xf1: {  	v11 =	vld.idx.msk [tilespmem:v25+s3+$0x0], $0xffff;
	v6 =	vand.u32 $0xFFFFFFF8, v7  }
0xf2: {  	v5 =	vld.idx.msk [tilespmem:v27+s3+$0x0], $0xffff;
	v9 =	vadd.s32 $0x2, v10;
	v7 =	vand.u32 $0x7, v7;
	v6 =	vadd.s32 v3, v6  }
0xf3: {  	v12 =	vand.u32 $0xFFFFFFF8, v9;
	v19 =	vor.u32 v7, v6  }
0xf4: {  	v10 =	vadd.s32 $0x6, v10;
	v6 =	vand.u32 $0x6, v9;
	v7 =	vadd.s32 v3, v12;
	v9 =	vld.idx.msk [tilespmem:v15+s3+$0x0], $0xffff  }
0xf5: {  	v13 =	vand.u32 $0xFFFFFFF8, v10;
	v16 =	vadd.s32 $0x5, v10;
	v23 =	vor.u32 v6, v7;
	v7 =	vld.idx.msk [tilespmem:v21+s3+$0x0], $0xffff  }
0xf6: {  	s15 =	simm.s32 $0x5CD0;
	v22 =	vadd.s32 $0x4, v10;
	v13 =	vadd.s32 v3, v13;
	v28 =	vmul.f32 v8, v4  }
0xf7: {  	v12 =	vld [tilespmem:s15+$0x0];
	v6 =	vadd.s32 $0x2, v10;
	v8 =	vand.u32 $0x6, v10;
	v5 =	vadd.f32 v11, v5  }
0xf8: {  	v14 =	vand.u32 $0x6, v6;
	v6 =	vand.u32 $0xFFFFFFF8, v6;
	v18 =	vor.u32 v8, v13;
	v20 =	vld.idx.msk [tilespmem:v19+s3+$0x0], $0xffff  }
0xf9: {  	v8 =	vadd.s32 $0x3, v10;
	v17 =	vadd.s32 v3, v6;
	v6 =	vor.u32 $0x1, v18  }
0xfa: {  	v39 =	vld [tilespmem:s2+$0xFFFFFFF0];
	v13 =	vand.u32 $0xFFFFFFF8, v16;
	v24 =	vand.u32 $0xFFFFFFF8, v8;
	v7 =	vadd.f32 v9, v7  }
0xfb: {  	v26 =	vadd.s32 v3, v13;
	v8 =	vand.u32 $0x7, v8;
	v24 =	vadd.s32 v3, v24  }
0xfc: {  	v5 =	vsub.f32 $0.0e+00, v5;
	v13 =	vmul.f32 v12, v4;
	v12 =	vld.idx.msk [tilespmem:v23+s3+$0x0], $0xffff;
	v7 =	vsub.f32 $0.0e+00, v7  }
0xfd: {  	v8 =	vor.u32 v8, v24;
	v24 =	vand.u32 $0xFFFFFFF8, v22;
	v29 =	vld.idx.msk [tilespmem:v18+s3+$0x0], $0xffff;
	v20 =	vsub.f32 v20, v9  }
0xfe: {  	v9 =	vand.u32 $0x6, v22;
	v22 =	vadd.s32 v3, v24;
	v24 =	vld.idx.msk [tilespmem:v6+s3+$0x0], $0xffff;
	v7 =	vmul.f32 $1.442695020e+00, v7  }
0xff: {  	v55 =	vmul.f32 v39, v4;
	v16 =	vand.u32 $0x7, v16;
	v20 =	vmul.f32 $1.442695020e+00, v20  }
0x100: {  	v5 =	vmul.f32 $1.442695020e+00, v5;
	v9 =	vor.u32 v9, v22;
	(erf) = vpow2.f32 v7  }
0x101: {  	v12 =	vsub.f32 v12, v11;
	v11 =	vor.u32 v14, v17;
	(erf) = vpow2.f32 v20  }
0x102: {  	v7 =	vor.u32 v16, v26;
	v20 =	vadd.s32 $0x6, v10;
	(erf) = vpow2.f32 v5  }
0x103: {  	v5 =	vmul.f32 $1.442695020e+00, v12;
	v14 =	vadd.f32 v24, v29;
	v10 =	vadd.s32 $0x2, v20  }
0x104: {  	s0 =	simm.s32 $0x5CF0;
	v12 =	vand.u32 $0xFFFFFFF8, v20;
	v16 =	vand.u32 $0x6, v20;
	v22 =	vadd.s32 $0x5, v20  }
0x105: {  	v17 =	vld [tilespmem:s0+$0x0];
	v31 =	vadd.s32 $0x4, v20;
	v47 =	vadd.s32 $0x3, v20;
	(erf) = vpow2.f32 v5  }
0x106: {  	v26 =	vld.idx.msk [tilespmem:v9+s3+$0x0], $0xffff;
	v29 =	vand.u32 $0x6, v10;
	v10 =	vand.u32 $0xFFFFFFF8, v10;
	v5 =	vadd.s32 v3, v12  }
0x107: {  	v48 =	vand.u32 $0xFFFFFFF8, v47;
	v32 =	vand.u32 $0x7, v47;
	v12 =	vor.u32 v16, v5;
	v5 =	vld.idx.msk [tilespmem:v8+s3+$0x0], $0xffff  }
0x108: {  	v41 =	vld.idx.msk [tilespmem:v11+s3+$0x0], $0xffff;
	v30 =	vadd.s32 v3, v10;
	v50 =	vsub.f32 $0.0e+00, v14;
	v10 =	vor.u32 $0x1, v12  }
0x109: {  	v16 =	vand.u32 $0xFFFFFFF8, v22;
	v22 =	vand.u32 $0x7, v22;
	v29 =	vor.u32 v29, v30  }
0x10a: {  	v36 =	vld.idx.msk [tilespmem:v7+s3+$0x0], $0xffff;
	v49 =	vadd.s32 v3, v16;
	v16 =	vmul.f32 v17, v4;
	v17 =	vadd.s32 v3, v48;
	v35 =	vpop (erf)  }
0x10b: {  	v14 =	vor.u32 v32, v17;
	v17 =	vand.u32 $0xFFFFFFF8, v31;
	v31 =	vand.u32 $0x6, v31;
	v44 =	vpop (erf)  }
0x10c: {  	v17 =	vadd.s32 v3, v17;
	v51 =	vld.idx.msk [tilespmem:v12+s3+$0x0], $0xffff;
	v52 =	vadd.f32 v26, v5;
	v53 =	vadd.f32 $1.000000000e+00, v35;
	v40 =	vpop (erf)  }
0x10d: {  	v24 =	vsub.f32 v41, v24;
	v17 =	vor.u32 v31, v17;
	v5 =	vld.idx.msk [tilespmem:v10+s3+$0x0], $0xffff;
	v31 =	vadd.f32 $1.000000000e+00, v40  }
0x10e: {  	v33 =	vmul.f32 $1.442695020e+00, v50;
	v37 =	vsub.f32 $0.0e+00, v52;
	v38 =	vadd.f32 v53, v44;
	v42 =	vpop (erf)  }
0x10f: {  	v26 =	vsub.f32 v36, v26;
	v24 =	vmul.f32 $1.442695020e+00, v24;
	v31 =	vadd.f32 v31, v42  }
0x110: {  	v22 =	vor.u32 v22, v49;
	v54 =	vmul.f32 $1.442695020e+00, v37;
	(erf) = vrcp.f32 v38  }
0x111: {  	(erf) = vrcp.f32 v31;
	v31 =	vadd.s32 $0x6, v20;
	v20 =	vmul.f32 $1.442695020e+00, v26  }
0x112: {  	v30 =	vadd.f32 v5, v51;
	(erf) = vpow2.f32 v54;
	v26 =	vadd.s32 $0x2, v31  }
0x113: {  	v37 =	vadd.s32 $0x5, v31;
	v57 =	vadd.s32 $0x4, v31;
	(erf) = vpow2.f32 v20  }
0x114: {  	s2 =	simm.s32 $0x5D10;
	v58 =	vand.u32 $0xFFFFFFF8, v31;
	v59 =	vadd.s32 $0x3, v31;
	(erf) = vpow2.f32 v33  }
0x115: {  	v56 =	vld [tilespmem:s2+$0x0];
	v20 =	vand.u32 $0x6, v31;
	v47 =	vand.u32 $0x6, v26;
	v26 =	vand.u32 $0xFFFFFFF8, v26  }
0x116: {  	v46 =	vld.idx.msk [tilespmem:v17+s3+$0x0], $0xffff;
	v60 =	vand.u32 $0xFFFFFFF8, v59;
	v36 =	vand.u32 $0x7, v59;
	(erf) = vpow2.f32 v24  }
0x117: {  	v48 =	vadd.s32 v3, v26;
	v26 =	vand.u32 $0xFFFFFFF8, v37;
	v33 =	vadd.s32 v3, v58;
	v24 =	vld.idx.msk [tilespmem:v14+s3+$0x0], $0xffff  }
0x118: {  	v30 =	vsub.f32 $0.0e+00, v30;
	v62 =	vadd.s32 v3, v26;
	v26 =	vor.u32 v20, v33  }
0x119: {  	v54 =	vand.u32 $0xFFFFFFF8, v57;
	v53 =	vadd.s32 v3, v60;
	v33 =	vor.u32 $0x1, v26;
	v63 =	vpop (erf)  }
0x11a: {  	v37 =	vand.u32 $0x7, v37;
	v20 =	vmul.f32 v56, v4;
	v34 =	vor.u32 v36, v53;
	v52 =	vpop (erf)  }
0x11b: {  	v56 =	vadd.s32 v3, v54;
	v39 =	vmul.f32 $1.442695020e+00, v30;
	v50 =	vmul.f32 v52, v55;
	v36 =	vpop (erf)  }
0x11c: {  	v51 =	vld.idx.msk [tilespmem:v22+s3+$0x0], $0xffff;
	v30 =	vmul.f32 v63, v28;
	v55 =	vand.u32 $0x6, v57;
	v57 =	vadd.f32 v46, v24;
	v38 =	vpop (erf)  }
0x11d: {  	v43 =	vld.idx.msk [tilespmem:v26+s3+$0x0], $0xffff;
	v32 =	vor.u32 v55, v56;
	v52 =	vadd.f32 $1.000000000e+00, v36;
	v24 =	vpop (erf);
	v53 =	vmul.f32 v50, v40  }
0x11e: {  	v28 =	vor.u32 v37, v62;
	v54 =	vsub.f32 $0.0e+00, v57;
	v40 =	vld.idx.msk [tilespmem:v33+s3+$0x0], $0xffff;
	v55 =	vadd.f32 $1.000000000e+00, v24  }
0x11f: {  	v45 =	vmul.f32 v50, v42;
	v42 =	vld [tilespmem:s15+$0xFFFFFFF0];
	v58 =	vadd.f32 v52, v38;
	v37 =	vpop (erf);
	v59 =	vsub.f32 $0.0e+00, v53  }
0x120: {  	v41 =	vld.idx.msk [tilespmem:v29+s3+$0x0], $0xffff;
	v31 =	vadd.s32 $0x6, v31;
	v63 =	vmul.f32 v30, v35;
	v62 =	vadd.f32 v55, v37  }
0x121: {  	v51 =	vsub.f32 v51, v46;
	v60 =	vmul.f32 $1.442695020e+00, v54;
	(erf) = vrcp.f32 v58;
	[tilespmem:v27+s20+$0x0] =	vst.idx.add.f32.msk $0xffff, v59  }
0x122: {  	v46 =	vmul.f32 v30, v44;
	v35 =	vor.u32 v47, v48;
	v27 =	vld.idx.msk [tilespmem:v32+s3+$0x0], $0xffff;
	(erf) = vrcp.f32 v62  }
0x123: {  	s6 =	simm.s32 $0x1C;
	v44 =	vmul.f32 $1.442695020e+00, v51;
	s15 =	simm.s32 $0x5D30;
	v58 =	vsub.f32 $0.0e+00, v63;
	[tilespmem:v25+s20+$0x0] =	vst.idx.add.f32.msk $0xffff, v50;
	(erf) = vpow2.f32 v60  }
.LBB2_10:
0x124: {  	v25 =	vadd.f32 v40, v43;
	v42 =	vmul.f32 v42, v4;
	v47 =	vmov v10  }
0x125: {  	s6 =	sadd.s32 $0x2, s6;
	[tilespmem:v21+s20+$0x0] =	vst.idx.add.f32.msk $0xffff, v58;
	v10 =	vmovc v33;
	v21 =	vmovc v8;
	v8 =	vmov v14;
	v14 =	vmov v34;
	v48 =	vmov v38  }
0x126: {  	v33 =	vadd.s32 $0x2, v31;
	v34 =	vsub.f32 v41, v5;
	v5 =	vmovc v40;
	p1 =	slt.u32 s6, $0x1E;
	(erf) = vpow2.f32 v44;
	[tilespmem:v23+s20+$0x0] =	vst.idx.add.f32.msk $0xffff, v45  }
0x127: {  	v38 =	vand.u32 $0x6, v31;
	v44 =	vand.u32 $0x6, v33;
	v23 =	vmovc v11;
	v11 =	vmovc v29;
	v40 =	vld [tilespmem:s15+$0x0];
	(erf) = vpow2.f32 v39  }
0x128: {  	v29 =	vand.u32 $0xFFFFFFF8, v33;
	v45 =	vadd.s32 $0x5, v31;
	v33 =	vmul.f32 $1.442695020e+00, v34;
	[tilespmem:v15+s20+$0x0] =	vst.idx.add.f32.msk $0xffff, v30;
	v15 =	vmovc v9;
	v9 =	vmovc v17  }
0x129: {  	v49 =	vadd.s32 v3, v29;
	v29 =	vand.u32 $0xFFFFFFF8, v45;
	v30 =	vadd.s32 $0x4, v31;
	v17 =	vmovc v32;
	[tilespmem:v19+s20+$0x0] =	vst.idx.add.f32.msk $0xffff, v46  }
0x12a: {  	v34 =	vadd.s32 $0x3, v31;
	v32 =	vand.u32 $0xFFFFFFF8, v31;
	v19 =	vmovc v7;
	v7 =	vmovc v22;
	v43 =	vld.idx.msk [tilespmem:v14+s3+$0x0], $0xffff;
	(erf) = vpow2.f32 v33  }
0x12b: {  	v22 =	vadd.s32 v3, v32;
	v32 =	vand.u32 $0xFFFFFFF8, v34;
	v46 =	vadd.s32 v3, v29;
	v50 =	vpop (erf)  }
0x12c: {  	v0 =	vand.u32 $0x7, v34;
	v51 =	vor.u32 v38, v22;
	v52 =	vmul.f32 v40, v4;
	v29 =	vpop (erf)  }
0x12d: {  	v25 =	vsub.f32 $0.0e+00, v25;
	v32 =	vadd.s32 v3, v32;
	v33 =	vor.u32 $0x1, v51;
	v53 =	vpop (erf)  }
0x12e: {  	v34 =	vor.u32 v0, v32;
	v32 =	vand.u32 $0xFFFFFFF8, v30;
	v22 =	vmovc v28;
	v54 =	vmul.f32 v29, v42;
	v29 =	vmovc v35  }
0x12f: {  	v39 =	vmul.f32 $1.442695020e+00, v25;
	v30 =	vand.u32 $0x6, v30;
	v32 =	vadd.s32 v3, v32;
	v25 =	vld.idx.msk [tilespmem:v28+s3+$0x0], $0xffff;
	v38 =	vpop (erf)  }
0x130: {  	v32 =	vor.u32 v30, v32;
	v28 =	vadd.f32 v27, v43;
	v41 =	vld.idx.msk [tilespmem:v35+s3+$0x0], $0xffff;
	v35 =	vadd.f32 $1.000000000e+00, v53;
	v55 =	vpop (erf)  }
0x131: {  	v42 =	vand.u32 $0x7, v45;
	v30 =	vmul.f32 v50, v13;
	v13 =	vmovc v16;
	v0 =	vmul.f32 v54, v24;
	v43 =	vld.idx.msk [tilespmem:v51+s3+$0x0], $0xffff  }
0x132: {  	v16 =	vmovc v20;
	v20 =	vmovc v52;
	v45 =	vmul.f32 v54, v37;
	v50 =	vsub.f32 $0.0e+00, v28;
	v56 =	vadd.f32 $1.000000000e+00, v55;
	v40 =	vld.idx.msk [tilespmem:v33+s3+$0x0], $0xffff  }
.Ltmp7:
0x133: {  	v28 =	vor.u32 v42, v46;
	v46 =	vsub.f32 $0.0e+00, v0;
	v35 =	vadd.f32 v35, v38;
	v42 =	vld [tilespmem:s0+$0xFFFFFFF0];
	v37 =	vpop (erf);
	s0 =	smov.u32 s2;
	s2 =	smov.u32 s15;
	(pc) =	sbr.rel @p1 .LBB2_10-.Ltmp7, $4  }
0x134: {  	v24 =	vmovc v55;
	v50 =	vmul.f32 $1.442695020e+00, v50;
	v52 =	vadd.f32 v56, v37;
	v56 =	vmul.f32 v30, v36;
	v36 =	vmovc v53  }
0x135: {  	v25 =	vsub.f32 v25, v27;
	(erf) = vrcp.f32 v35;
	[tilespmem:v18+s20+$0x0] =	vst.idx.add.f32.msk $0xffff, v46;
	v46 =	vmul.f32 v30, v48  }
0x136: {  	v35 =	vor.u32 v44, v49;
	v18 =	vmovc v12;
	v12 =	vmovc v26;
	v27 =	vld.idx.msk [tilespmem:v32+s3+$0x0], $0xffff;
	(erf) = vrcp.f32 v52;
	v58 =	vsub.f32 $0.0e+00, v56  }
0x137: {  	v31 =	vadd.s32 $0x6, v31;
	s15 =	sadd.s32 $0x20, s15;
	v26 =	vmovc v51;
	v44 =	vmul.f32 $1.442695020e+00, v25;
	(erf) = vpow2.f32 v50;
	[tilespmem:v6+s20+$0x0] =	vst.idx.add.f32.msk $0xffff, v54;
	v6 =	vmovc v47  }
0x138: {  	v3 =	vsub.f32 v41, v5  }
0x139: {  	(erf) = vpow2.f32 v44  }
0x13a: {  	(erf) = vpow2.f32 v39;
	v3 =	vmul.f32 $1.442695020e+00, v3;
	_ =	sdelay $0x1  }
0x13b: {  	(erf) = vpow2.f32 v3;
	_ =	sdelay $0x1  }
0x13c: {  	v3 =	vld.idx.msk [tilespmem:v34+s3+$0x0], $0xffff  }
0x13d: {  	v25 =	vpop (erf)  }
0x13e: {  	v5 =	vpop (erf)  }
0x13f: {  	v31 =	vld.idx.msk [tilespmem:v28+s3+$0x0], $0xffff;
	v48 =	vpop (erf)  }
0x140: {  	v47 =	vpop (erf)  }
0x141: {  	v3 =	vadd.f32 v27, v3;
	v55 =	vadd.f32 $1.000000000e+00, v48;
	v49 =	vpop (erf)  }
0x142: {  	v56 =	vadd.f32 v40, v43;
	v57 =	vld.idx.msk [tilespmem:v35+s3+$0x0], $0xffff;
	v59 =	vadd.f32 $1.000000000e+00, v49  }
0x143: {  	v3 =	vsub.f32 $0.0e+00, v3;
	v39 =	vadd.f32 v55, v47;
	v50 =	vpop (erf)  }
0x144: {  	v27 =	vsub.f32 v31, v27;
	v44 =	vadd.f32 v59, v50  }
0x145: {  	v31 =	vsub.f32 $0.0e+00, v56;
	v3 =	vmul.f32 $1.442695020e+00, v3;
	(erf) = vrcp.f32 v39  }
0x146: {  	v27 =	vmul.f32 $1.442695020e+00, v27;
	(erf) = vrcp.f32 v44  }
0x147: {  	v31 =	vmul.f32 $1.442695020e+00, v31;
	(erf) = vpow2.f32 v3;
	v3 =	vsub.f32 v57, v40  }
0x148: {  	(erf) = vpow2.f32 v27  }
0x149: {  	(erf) = vpow2.f32 v31;
	v3 =	vmul.f32 $1.442695020e+00, v3;
	_ =	sdelay $0x1  }
0x14a: {  	(erf) = vpow2.f32 v3;
	_ =	sdelay $0x2  }
0x14b: {  	v27 =	vpop (erf)  }
0x14c: {  	s10 =	sor.u32 $0x10, s31;
	v63 =	vmul.f32 v42, v4;
	v1 =	vpop (erf)  }
0x14d: {  	v62 =	vmov s10;
	v53 =	vpop (erf)  }
0x14e: {  	v40 =	vmul.u32 $0x48, v62;
	v57 =	vmul.f32 v5, v63;
	v62 =	vimm.s32 $0x0;
	v3 =	vld [tilespmem:s0+$0xFFFFFFF0];
	v52 =	vpop (erf)  }
0x14f: {  	v63 =	vand.u32 $0xFFFFFFF8, v62;
	v0 =	vand.u32 $0x7, v62;
	v60 =	vadd.f32 $1.000000000e+00, v53;
	v56 =	vpop (erf)  }
0x150: {  	v54 =	vadd.s32 $0x3, v62;
	v42 =	vadd.s32 $0x2, v62;
	v51 =	vadd.f32 $1.000000000e+00, v56  }
0x151: {  	v43 =	vadd.s32 $0x1, v62;
	v31 =	vbroadcast v40, $0x0;
	v39 =	vadd.f32 v60, v52;
	v55 =	vpop (erf)  }
0x152: {  	v40 =	vand.u32 $0x7, v54;
	v60 =	vadd.s32 $0x4, v62;
	v59 =	vadd.f32 v51, v55  }
0x153: {  	v51 =	vmul.f32 v3, v4;
	(erf) = vrcp.f32 v39;
	v3 =	vadd.s32 v61, v31  }
0x154: {  	v44 =	vand.u32 $0x7, v60;
	v61 =	vadd.s32 v3, v63;
	(erf) = vrcp.f32 v59  }
0x155: {  	v5 =	vor.u32 v0, v61;
	v59 =	vand.u32 $0xFFFFFFF8, v54;
	v61 =	vand.u32 $0xFFFFFFF8, v43  }
0x156: {  	v43 =	vand.u32 $0x7, v43;
	v39 =	vadd.s32 v3, v59;
	v59 =	vand.u32 $0xFFFFFFF8, v60  }
0x157: {  	[tilespmem:$0x1FFA0] =	vst v5;
	v60 =	vadd.s32 $0x5, v62;
	v2 =	vor.u32 v40, v39;
	v40 =	vadd.s32 v3, v61  }
0x158: {  	v59 =	vadd.s32 v3, v59;
	v61 =	vand.u32 $0xFFFFFFF8, v42;
	v42 =	vand.u32 $0x7, v42;
	[tilespmem:$0x1FFB0] =	vst v2  }
0x159: {  	v43 =	vor.u32 v43, v40;
	v40 =	vor.u32 v44, v59;
	v59 =	vand.u32 $0xFFFFFFF8, v60;
	v54 =	vld [tilespmem:s2+$0xFFFFFFF0]  }
0x15a: {  	v44 =	vadd.s32 v3, v61;
	v60 =	vand.u32 $0x7, v60;
	v59 =	vadd.s32 v3, v59  }
0x15b: {  	v44 =	vor.u32 v42, v44;
	v42 =	vor.u32 v60, v59;
	v60 =	vmul.f32 v1, v51;
	v1 =	vld [tilespmem:$0x1FFD0]  }
0x15c: {  	v24 =	vmul.f32 v57, v24;
	[tilespmem:$0x1FFC0] =	vst v40;
	v59 =	vmul.f32 v27, v16  }
0x15d: {  	v37 =	vmul.f32 v57, v37;
	v61 =	vmul.f32 v25, v13;
	v5 =	vld.idx.msk [tilespmem:v5+s3+$0x0], $0xffff  }
0x15e: {  	v39 =	vld.idx.msk [tilespmem:v2+s3+$0x0], $0xffff;
	v2 =	vpop (erf);
	v48 =	vmul.f32 v59, v48;
	v4 =	vmul.f32 v54, v4  }
0x15f: {  	v47 =	vmul.f32 v59, v47;
	v51 =	vld.idx.msk [tilespmem:v43+s3+$0x0], $0xffff;
	v41 =	vmul.f32 v2, v20;
	v20 =	vadd.s32 $0x6, v62;
	v13 =	vpop (erf)  }
0x160: {  	v48 =	vsub.f32 $0.0e+00, v48;
	v27 =	vadd.s32 v1, v31;
	v54 =	vmul.f32 v13, v4;
	v4 =	vld.idx.msk [tilespmem:v40+s3+$0x0], $0xffff;
	[tilespmem:$0x1FF90] =	vst v31  }
0x161: {  	v13 =	vadd.s32 $0x7, v62;
	v16 =	vadd.s32 v27, v63;
	v40 =	vsub.f32 $0.0e+00, v24;
	v63 =	vld.idx.msk [tilespmem:v44+s3+$0x0], $0xffff  }
0x162: {  	v62 =	vadd.s32 $0x9, v62;
	v25 =	vand.u32 $0xFFFFFFF8, v13;
	v16 =	vor.u32 v0, v16;
	v1 =	vld.idx.msk [tilespmem:v42+s3+$0x0], $0xffff  }
0x163: {  	v0 =	vand.u32 $0x7, v13;
	v24 =	vand.u32 $0x7, v62;
	[tilespmem:v23+s20+$0x0] =	vst.idx.add.f32.msk $0xffff, v45;
	v23 =	vadd.s32 $0x1, v62  }
0x164: {  	v45 =	vadd.s32 $0x7, v62;
	v13 =	vadd.s32 v3, v25;
	v56 =	vmul.f32 v54, v56  }
0x165: {  	[tilespmem:v21+s20+$0x0] =	vst.idx.add.f32.msk $0xffff, v58;
	v5 =	vadd.f32 v51, v5;
	v25 =	vor.u32 v0, v13;
	v0 =	vand.u32 $0xFFFFFFF8, v20  }
0x166: {  	[tilespmem:v15+s20+$0x0] =	vst.idx.add.f32.msk $0xffff, v30;
	v13 =	vand.u32 $0x7, v20;
	v0 =	vadd.s32 v3, v0;
	v56 =	vsub.f32 $0.0e+00, v56  }
0x167: {  	v20 =	vadd.f32 v4, v39;
	v31 =	vor.u32 v13, v0;
	v13 =	vsub.f32 v63, v51  }
0x168: {  	[tilespmem:v19+s20+$0x0] =	vst.idx.add.f32.msk $0xffff, v46;
	v19 =	vand.u32 $0xFFFFFFF8, v45;
	v0 =	vsub.f32 $0.0e+00, v5;
	v1 =	vsub.f32 v1, v4  }
0x169: {  	v4 =	vand.u32 $0xFFFFFFF8, v62;
	v5 =	vsub.f32 $0.0e+00, v20;
	v51 =	vmul.f32 $1.442695020e+00, v13  }
0x16a: {  	[tilespmem:v14+s20+$0x0] =	vst.idx.add.f32.msk $0xffff, v48;
	v0 =	vmul.f32 $1.442695020e+00, v0;
	v20 =	vadd.s32 v3, v4;
	v4 =	vadd.s32 v27, v4  }
0x16b: {  	[tilespmem:v18+s20+$0x0] =	vst.idx.add.f32.msk $0xffff, v40;
	v20 =	vor.u32 v24, v20;
	v13 =	vor.u32 v24, v4;
	(erf) = vpow2.f32 v51  }
0x16c: {  	[tilespmem:v17+s20+$0x0] =	vst.idx.add.f32.msk $0xffff, v59;
	v4 =	vadd.s32 $0x3, v62;
	v24 =	vadd.s32 $0x4, v62;
	(erf) = vpow2.f32 v0  }
0x16d: {  	[tilespmem:v6+s20+$0x0] =	vst.idx.add.f32.msk $0xffff, v57;
	v39 =	vand.u32 $0xFFFFFFF8, v24;
	v24 =	vand.u32 $0x7, v24;
	v0 =	vand.u32 $0xFFFFFFF8, v4  }
0x16e: {  	[tilespmem:v22+s20+$0x0] =	vst.idx.add.f32.msk $0xffff, v47;
	v5 =	vmul.f32 $1.442695020e+00, v5;
	v4 =	vand.u32 $0x7, v4;
	v0 =	vadd.s32 v3, v0  }
0x16f: {  	v51 =	vadd.s32 v3, v39;
	v39 =	vld.idx.msk [tilespmem:v25+s3+$0x0], $0xffff;
	v21 =	vor.u32 v4, v0;
	v4 =	vadd.s32 $0x5, v62  }
0x170: {  	v63 =	vld.idx.msk [tilespmem:v31+s3+$0x0], $0xffff;
	v24 =	vor.u32 v24, v51;
	v51 =	vand.u32 $0x7, v4;
	v4 =	vand.u32 $0xFFFFFFF8, v4  }
0x171: {  	[tilespmem:v11+s20+$0x0] =	vst.idx.add.f32.msk $0xffff, v37;
	(erf) = vpow2.f32 v5;
	v5 =	vadd.s32 v3, v19;
	v4 =	vadd.s32 v3, v4  }
0x172: {  	[tilespmem:v26+s20+$0x0] =	vst.idx.add.f32.msk $0xffff, v56;
	v15 =	vor.u32 v51, v4;
	v4 =	vand.u32 $0x7, v23;
	v23 =	vand.u32 $0xFFFFFFF8, v23  }
0x173: {  	v58 =	vadd.s32 $0x2, v62;
	[tilespmem:v33+s20+$0x0] =	vst.idx.add.f32.msk $0xffff, v54;
	v1 =	vmul.f32 $1.442695020e+00, v1;
	v23 =	vadd.s32 v3, v23  }
0x174: {  	v30 =	vand.u32 $0x7, v58;
	v51 =	vld.idx.msk [tilespmem:v16+s3+$0x0], $0xffff;
	v23 =	vor.u32 v4, v23;
	v4 =	vand.u32 $0x7, v45;
	v45 =	vpop (erf)  }
0x175: {  	v46 =	vld.idx.msk [tilespmem:v21+s3+$0x0], $0xffff;
	v19 =	vor.u32 v4, v5;
	v5 =	vpop (erf);
	(erf) = vpow2.f32 v1;
	v1 =	vadd.f32 v39, v63  }
0x176: {  	v55 =	vmul.f32 v54, v55;
	v4 =	vand.u32 $0xFFFFFFF8, v58;
	v58 =	vld.idx.msk [tilespmem:v24+s3+$0x0], $0xffff;
	v63 =	vadd.f32 $1.000000000e+00, v5  }
0x177: {  	v0 =	vadd.s32 $0x6, v62;
	v4 =	vadd.s32 v3, v4;
	v2 =	vld.idx.msk [tilespmem:v15+s3+$0x0], $0xffff;
	v1 =	vsub.f32 $0.0e+00, v1  }
0x178: {  	[tilespmem:v35+s20+$0x0] =	vst.idx.add.f32.msk $0xffff, v55;
	v30 =	vor.u32 v30, v4;
	v4 =	vand.u32 $0xFFFFFFF8, v0;
	v63 =	vadd.f32 v63, v45  }
0x179: {  	v40 =	vld.idx.msk [tilespmem:v20+s3+$0x0], $0xffff;
	v0 =	vand.u32 $0x7, v0;
	v18 =	vadd.s32 v3, v4;
	v1 =	vmul.f32 $1.442695020e+00, v1  }
0x17a: {  	s15 =	simm.s32 $0x5B60;
	v4 =	vld [tilespmem:s31+$0x5A10];
	v18 =	vor.u32 v0, v18;
	(erf) = vrcp.f32 v63  }
0x17b: {  	v0 =	vsub.f32 v51, v39;
	v39 =	vld [tilespmem:s15+$0x0];
	(erf) = vpow2.f32 v1;
	v1 =	vmul.f32 v61, v36  }
0x17c: {  	v36 =	vadd.f32 v58, v46;
	v2 =	vsub.f32 v2, v58;
	v58 =	vmul.f32 v60, v49;
	v49 =	vld.idx.msk [tilespmem:v23+s3+$0x0], $0xffff  }
0x17d: {  	v63 =	vld [tilespmem:s15+$0xFFFFFFE0]  }
0x17e: {  	v38 =	vmul.f32 v61, v38;
	v51 =	vld.idx.msk [tilespmem:v30+s3+$0x0], $0xffff;
	v1 =	vsub.f32 $0.0e+00, v1  }
0x17f: {  	v50 =	vmul.f32 v60, v50;
	v0 =	vmul.f32 $1.442695020e+00, v0;
	v46 =	vsub.f32 $0.0e+00, v58;
	v58 =	vld [tilespmem:s15+$0xFFFFFFF0]  }
0x180: {  	v53 =	vmul.f32 v41, v53;
	v52 =	vmul.f32 v41, v52;
	[tilespmem:v8+s20+$0x0] =	vst.idx.add.f32.msk $0xffff, v1  }
0x181: {  	v37 =	vmul.f32 v39, v4;
	[tilespmem:v12+s20+$0x0] =	vst.idx.add.f32.msk $0xffff, v46;
	v6 =	vadd.f32 v49, v40;
	v40 =	vpop (erf)  }
0x182: {  	v1 =	vsub.f32 $0.0e+00, v53;
	[tilespmem:v9+s20+$0x0] =	vst.idx.add.f32.msk $0xffff, v61;
	(erf) = vpow2.f32 v0;
	v11 =	vadd.f32 $1.000000000e+00, v40  }
0x183: {  	v8 =	vsub.f32 v51, v49;
	v61 =	vmul.f32 v63, v4;
	[tilespmem:v10+s20+$0x0] =	vst.idx.add.f32.msk $0xffff, v60;
	v0 =	vpop (erf);
	v6 =	vsub.f32 $0.0e+00, v6  }
0x184: {  	v9 =	vadd.s32 $0x9, v62;
	[tilespmem:v7+s20+$0x0] =	vst.idx.add.f32.msk $0xffff, v38;
	v39 =	vmul.f32 v58, v4;
	v11 =	vadd.f32 v11, v0  }
0x185: {  	v10 =	vand.u32 $0xFFFFFFF8, v9;
	[tilespmem:v29+s20+$0x0] =	vst.idx.add.f32.msk $0xffff, v50;
	v8 =	vmul.f32 $1.442695020e+00, v8;
	v7 =	vpop (erf);
	v62 =	vmul.f32 $1.442695020e+00, v6  }
0x186: {  	s0 =	simm.s32 $0x5B90;
	[tilespmem:v34+s20+$0x0] =	vst.idx.add.f32.msk $0xffff, v1;
	v6 =	vand.u32 $0x7, v9;
	v49 =	vmul.f32 v7, v61;
	(erf) = vrcp.f32 v11  }
0x187: {  	v7 =	vadd.s32 v3, v10;
	v10 =	vadd.s32 v27, v10;
	v61 =	vld [tilespmem:s0+$0x0];
	(erf) = vpow2.f32 v8  }
0x188: {  	[tilespmem:v32+s20+$0x0] =	vst.idx.add.f32.msk $0xffff, v41;
	v47 =	vpop (erf);
	v7 =	vor.u32 v6, v7;
	v8 =	vadd.s32 $0x3, v9;
	(erf) = vpow2.f32 v62  }
0x189: {  	v58 =	vld.idx.msk [tilespmem:v18+s3+$0x0], $0xffff;
	v6 =	vor.u32 v6, v10;
	v10 =	vadd.s32 $0x1, v9;
	v26 =	vand.u32 $0xFFFFFFF8, v8  }
0x18a: {  	[tilespmem:v28+s20+$0x0] =	vst.idx.add.f32.msk $0xffff, v52;
	v22 =	vadd.f32 $1.000000000e+00, v47;
	v1 =	vand.u32 $0x7, v8;
	v8 =	vadd.s32 v3, v26  }
0x18b: {  	v36 =	vsub.f32 $0.0e+00, v36;
	v55 =	vand.u32 $0x7, v10;
	v38 =	vpop (erf);
	v8 =	vor.u32 v1, v8;
	v1 =	vld.idx.msk [tilespmem:v19+s3+$0x0], $0xffff  }
0x18c: {  	v10 =	vand.u32 $0xFFFFFFF8, v10;
	v33 =	vmul.f32 v61, v4;
	v61 =	vld [tilespmem:$0x1FFA0];
	v22 =	vadd.f32 v22, v38  }
0x18d: {  	v36 =	vmul.f32 $1.442695020e+00, v36;
	v63 =	vadd.s32 $0x7, v9;
	v10 =	vadd.s32 v3, v10  }
0x18e: {  	v11 =	vadd.s32 $0x2, v9;
	(erf) = vrcp.f32 v22;
	v22 =	vand.u32 $0xFFFFFFF8, v63  }
0x18f: {  	v2 =	vmul.f32 $1.442695020e+00, v2;
	v17 =	vand.u32 $0xFFFFFFF8, v11;
	v5 =	vmul.f32 v49, v5;
	v59 =	vpop (erf)  }
0x190: {  	v57 =	vadd.s32 v3, v17;
	v26 =	vor.u32 v55, v10;
	(erf) = vpow2.f32 v36;
	v10 =	vpop (erf)  }
0x191: {  	v17 =	vadd.s32 v3, v22;
	v22 =	vpop (erf);
	(erf) = vpow2.f32 v2;
	v2 =	vadd.f32 v1, v58  }
0x192: {  	v5 =	vsub.f32 $0.0e+00, v5;
	v46 =	vadd.f32 $1.000000000e+00, v22  }
0x193: {  	v2 =	vsub.f32 $0.0e+00, v2  }
0x194: {  	v58 =	vmul.f32 v49, v45;
	[tilespmem:v61+s20+$0x0] =	vst.idx.msk $0xffff, v5;
	v32 =	vadd.f32 v46, v10  }
0x195: {  	[tilespmem:v43+s20+$0x0] =	vst.idx.msk $0xffff, v49;
	v2 =	vmul.f32 $1.442695020e+00, v2  }
0x196: {  	v29 =	vand.u32 $0x7, v11;
	v11 =	vadd.s32 $0x4, v9;
	[tilespmem:v44+s20+$0x0] =	vst.idx.msk $0xffff, v58;
	(erf) = vrcp.f32 v32  }
0x197: {  	v53 =	vand.u32 $0xFFFFFFF8, v11;
	(erf) = vpow2.f32 v2;
	v2 =	vld [tilespmem:$0x1FFB0]  }
0x198: {  	v11 =	vand.u32 $0x7, v11;
	v54 =	vadd.s32 v3, v53  }
0x199: {  	v11 =	vor.u32 v11, v54;
	v36 =	vmul.f32 v59, v39  }
0x19a: {  	v12 =	vadd.s32 $0x5, v9  }
0x19b: {  	v14 =	vadd.s32 $0x6, v9;
	v56 =	vand.u32 $0x7, v12;
	v40 =	vmul.f32 v36, v40  }
0x19c: {  	v12 =	vand.u32 $0xFFFFFFF8, v12;
	v60 =	vand.u32 $0x7, v14;
	v28 =	vand.u32 $0xFFFFFFF8, v14;
	v62 =	vld.idx.msk [tilespmem:v13+s3+$0x0], $0xffff  }
0x19d: {  	v14 =	vand.u32 $0x7, v63;
	v12 =	vadd.s32 v3, v12;
	v63 =	vld.idx.msk [tilespmem:v8+s3+$0x0], $0xffff;
	v5 =	vsub.f32 $0.0e+00, v40  }
0x19e: {  	v14 =	vor.u32 v14, v17;
	v17 =	vor.u32 v56, v12;
	v56 =	vld.idx.msk [tilespmem:v11+s3+$0x0], $0xffff  }
0x19f: {  	v12 =	vadd.s32 v3, v28;
	v28 =	vor.u32 v29, v57;
	v29 =	vld.idx.msk [tilespmem:v7+s3+$0x0], $0xffff;
	[tilespmem:v2+s20+$0x0] =	vst.idx.msk $0xffff, v5  }
0x1a0: {  	v5 =	vld [tilespmem:$0x1FFC0]  }
0x1a1: {  	v59 =	vld [tilespmem:s0+$0xFFFFFFF0]  }
0x1a2: {  	v46 =	vld.idx.msk [tilespmem:v26+s3+$0x0], $0xffff  }
0x1a3: {  	v57 =	vpop (erf)  }
0x1a4: {  	v12 =	vor.u32 v60, v12;
	v1 =	vsub.f32 v62, v1;
	v60 =	vld.idx.msk [tilespmem:v17+s3+$0x0], $0xffff;
	v37 =	vmul.f32 v57, v37  }
0x1a5: {  	v39 =	vld [tilespmem:s0+$0xFFFFFFE0];
	v0 =	vmul.f32 v36, v0;
	v63 =	vadd.f32 v56, v63  }
0x1a6: {  	v1 =	vmul.f32 $1.442695020e+00, v1;
	v43 =	vld.idx.msk [tilespmem:v28+s3+$0x0], $0xffff;
	v62 =	vmul.f32 v37, v47  }
0x1a7: {  	v35 =	vmul.f32 v59, v4;
	v41 =	vsub.f32 $0.0e+00, v63;
	v32 =	vpop (erf);
	v2 =	vadd.f32 v46, v29  }
0x1a8: {  	v34 =	vld.idx.msk [tilespmem:v14+s3+$0x0], $0xffff;
	(erf) = vpow2.f32 v1;
	v45 =	vadd.f32 $1.000000000e+00, v32;
	v40 =	vsub.f32 $0.0e+00, v62;
	[tilespmem:v5+s20+$0x0] =	vst.idx.msk $0xffff, v36  }
0x1a9: {  	s2 =	simm.s32 $0x6;
	v38 =	vmul.f32 v37, v38;
	v29 =	vpop (erf);
	v44 =	vsub.f32 $0.0e+00, v2;
	v36 =	vsub.f32 v60, v56;
	[tilespmem:v42+s20+$0x0] =	vst.idx.msk $0xffff, v0  }
.LBB2_12:
0x1aa: {  	s2 =	sadd.s32 $0x3, s2;
	v9 =	vadd.s32 $0x9, v9;
	v0 =	vmul.f32 v39, v4;
	v1 =	vadd.f32 v45, v29;
	s0 =	sadd.s32 $0x30, s0;
	[tilespmem:v31+s20+$0x0] =	vst.idx.msk $0xffff, v40  }
0x1ab: {  	v5 =	vsub.f32 v43, v46;
	p1 =	slt.u32 s2, $0x12;
	v2 =	vmul.f32 $1.442695020e+00, v44;
	v39 =	vmul.f32 $1.442695020e+00, v36;
	[tilespmem:v25+s20+$0x0] =	vst.idx.msk $0xffff, v37;
	v36 =	vmovc v11  }
0x1ac: {  	v11 =	vand.u32 $0x7, v9;
	v37 =	vadd.s32 $0x5, v9;
	v25 =	vpop (erf);
	(erf) = vrcp.f32 v1;
	[tilespmem:v16+s20+$0x0] =	vst.idx.msk $0xffff, v38  }
0x1ad: {  	v1 =	vand.u32 $0xFFFFFFF8, v9;
	v38 =	vmul.f32 $1.442695020e+00, v41;
	v16 =	vmovc v13;
	v13 =	vmovc v6;
	v0 =	vmul.f32 v25, v0  }
0x1ae: {  	v40 =	vadd.s32 $0x6, v9;
	v45 =	vmul.f32 $1.442695020e+00, v5;
	v41 =	vmovc v23;
	v23 =	vmovc v26;
	v6 =	vadd.s32 v3, v1  }
0x1af: {  	v31 =	vadd.s32 $0x2, v9;
	v1 =	vadd.s32 v27, v1;
	v42 =	vor.u32 v11, v6;
	v44 =	vpop (erf)  }
0x1b0: {  	v26 =	vand.u32 $0xFFFFFFF8, v31;
	v43 =	vand.u32 $0x7, v31;
	v25 =	vmovc v19;
	v19 =	vmovc v14;
	v6 =	vor.u32 v11, v1  }
0x1b1: {  	v14 =	vadd.s32 $0x7, v9;
	v1 =	vadd.s32 $0x1, v9;
	(erf) = vpow2.f32 v45;
	v5 =	vpop (erf)  }
0x1b2: {  	v47 =	vmovc v15;
	v15 =	vmovc v17;
	v11 =	vadd.s32 $0x3, v9;
	v48 =	vadd.f32 $1.000000000e+00, v44;
	v45 =	vadd.s32 $0x4, v9  }
0x1b3: {  	v17 =	vand.u32 $0xFFFFFFF8, v11;
	v46 =	vand.u32 $0xFFFFFFF8, v45;
	(erf) = vpow2.f32 v2;
	v2 =	vmovc v30;
	v30 =	vmovc v28  }
0x1b4: {  	v31 =	vmovc v18;
	v18 =	vmovc v12;
	v11 =	vand.u32 $0x7, v11;
	v28 =	vadd.s32 v3, v46;
	v46 =	vadd.f32 v48, v5  }
0x1b5: {  	v17 =	vadd.s32 v3, v17;
	v52 =	vand.u32 $0x7, v45;
	v48 =	vand.u32 $0x7, v1;
	v49 =	vpop (erf)  }
0x1b6: {  	v51 =	vmovc v34;
	v50 =	vor.u32 v11, v17;
	v11 =	vor.u32 v52, v28;
	v45 =	vmovc v33;
	(erf) = vrcp.f32 v46  }
0x1b7: {  	v17 =	vand.u32 $0x7, v37;
	v1 =	vand.u32 $0xFFFFFFF8, v1;
	v28 =	vand.u32 $0xFFFFFFF8, v14  }
0x1b8: {  	v34 =	vand.u32 $0xFFFFFFF8, v37;
	v37 =	vand.u32 $0x7, v40;
	v33 =	vadd.s32 v3, v26;
	v46 =	vld.idx.msk [tilespmem:v12+s3+$0x0], $0xffff  }
0x1b9: {  	v1 =	vadd.s32 v3, v1;
	v12 =	vand.u32 $0xFFFFFFF8, v40;
	v40 =	vld [tilespmem:s0+$0x0];
	(erf) = vpow2.f32 v38  }
0x1ba: {  	v26 =	vor.u32 v48, v1;
	v1 =	vand.u32 $0x7, v14;
	v14 =	vadd.s32 v3, v28;
	v38 =	vld.idx.msk [tilespmem:v13+s3+$0x0], $0xffff;
	v48 =	vpop (erf)  }
0x1bb: {  	v28 =	vadd.s32 v3, v34;
	v14 =	vor.u32 v1, v14;
	v1 =	vmul.f32 v0, v22;
	v52 =	vld.idx.msk [tilespmem:v50+s3+$0x0], $0xffff  }
0x1bc: {  	v17 =	vor.u32 v17, v28;
	v12 =	vadd.s32 v3, v12;
	v53 =	vld.idx.msk [tilespmem:v11+s3+$0x0], $0xffff;
	v22 =	vpop (erf);
	(erf) = vpow2.f32 v39  }
0x1bd: {  	v28 =	vor.u32 v43, v33;
	v12 =	vor.u32 v37, v12;
	v33 =	vadd.f32 $1.000000000e+00, v22;
	v54 =	vld [tilespmem:s0+$0xFFFFFFF0]  }
0x1be: {  	v35 =	vmul.f32 v49, v35;
	v1 =	vsub.f32 $0.0e+00, v1;
	v37 =	vadd.f32 v51, v46;
	v55 =	vld.idx.msk [tilespmem:v42+s3+$0x0], $0xffff  }
0x1bf: {  	v46 =	vld.idx.msk [tilespmem:v26+s3+$0x0], $0xffff;
	v39 =	vadd.f32 v33, v48;
	v33 =	vmul.f32 v40, v4;
	v40 =	vpop (erf)  }
0x1c0: {  	v56 =	vmul.f32 v0, v10;
	v57 =	vmul.f32 v35, v32;
	v10 =	vmovc v48;
	v49 =	vsub.f32 $0.0e+00, v37;
	v34 =	vld.idx.msk [tilespmem:v14+s3+$0x0], $0xffff  }
0x1c1: {  	v37 =	vmul.f32 v40, v45;
	v48 =	vld.idx.msk [tilespmem:v17+s3+$0x0], $0xffff;
	(erf) = vrcp.f32 v39;
	[tilespmem:v20+s20+$0x0] =	vst.idx.msk $0xffff, v1;
	v20 =	vmov v7  }
0x1c2: {  	v1 =	vmul.f32 $1.442695020e+00, v49;
	v49 =	vsub.f32 v38, v51;
	v43 =	vld.idx.msk [tilespmem:v28+s3+$0x0], $0xffff;
	v32 =	vpop (erf);
	[tilespmem:v41+s20+$0x0] =	vst.idx.msk $0xffff, v0;
	v0 =	vsub.f32 $0.0e+00, v57  }
.Ltmp8:
0x1c3: {  	v38 =	vmul.f32 v37, v5;
	v39 =	vld [tilespmem:s0+$0xFFFFFFE0];
	v45 =	vadd.f32 $1.000000000e+00, v32;
	[tilespmem:v2+s20+$0x0] =	vst.idx.msk $0xffff, v56;
	v2 =	vmul.f32 v37, v44;
	(pc) =	sbr.rel @p1 .LBB2_12-.Ltmp8, $4  }
0x1c4: {  	v7 =	vmovc v42;
	v5 =	vadd.f32 v53, v52;
	v40 =	vmul.f32 $1.442695020e+00, v49;
	(erf) = vpow2.f32 v1;
	[tilespmem:v21+s20+$0x0] =	vst.idx.msk $0xffff, v0  }
0x1c5: {  	v0 =	vadd.f32 v46, v55;
	v1 =	vmul.f32 v35, v29;
	v21 =	vmov v8;
	v29 =	vpop (erf);
	[tilespmem:v24+s20+$0x0] =	vst.idx.msk $0xffff, v35  }
0x1c6: {  	v41 =	vsub.f32 $0.0e+00, v5;
	v8 =	vmovc v50;
	v24 =	vmovc v36;
	(erf) = vpow2.f32 v40;
	v40 =	vsub.f32 $0.0e+00, v2  }
0x1c7: {  	v35 =	vmul.f32 v54, v4;
	v44 =	vsub.f32 $0.0e+00, v0;
	v36 =	vsub.f32 v48, v53;
	[tilespmem:v47+s20+$0x0] =	vst.idx.msk $0xffff, v1  }
0x1c8: {  	v0 =	vsub.f32 v43, v46  }
0x1c9: {  	v1 =	vadd.f32 v45, v29  }
0x1ca: {  	v0 =	vmul.f32 $1.442695020e+00, v0  }
0x1cb: {  	v2 =	vmul.f32 $1.442695020e+00, v44;
	(erf) = vrcp.f32 v1  }
0x1cc: {  	(erf) = vpow2.f32 v0  }
0x1cd: {  	(erf) = vpow2.f32 v2;
	_ =	sdelay $0x3  }
0x1ce: {  	v1 =	vld.idx.msk [tilespmem:v12+s3+$0x0], $0xffff;
	v0 =	vpop (erf)  }
0x1cf: {  	v2 =	vpop (erf)  }
0x1d0: {  	v5 =	vpop (erf);
	v9 =	vadd.f32 $1.000000000e+00, v2  }
0x1d1: {  	v27 =	vpop (erf)  }
0x1d2: {  	v42 =	vld.idx.msk [tilespmem:v6+s3+$0x0], $0xffff;
	v9 =	vadd.f32 v9, v5;
	v52 =	vpop (erf)  }
0x1d3: {  	v41 =	vmul.f32 $1.442695020e+00, v41;
	v1 =	vadd.f32 v34, v1;
	v53 =	vpop (erf)  }
0x1d4: {  	(erf) = vrcp.f32 v9;
	v54 =	vadd.f32 $1.000000000e+00, v53  }
0x1d5: {  	v36 =	vmul.f32 $1.442695020e+00, v36;
	v1 =	vsub.f32 $0.0e+00, v1;
	(erf) = vpow2.f32 v41  }
0x1d6: {  	v9 =	vadd.f32 v54, v52  }
0x1d7: {  	v55 =	vsub.f32 v42, v34;
	v1 =	vmul.f32 $1.442695020e+00, v1;
	(erf) = vpow2.f32 v36  }
0x1d8: {  	(erf) = vrcp.f32 v9  }
0x1d9: {  	v9 =	vmul.f32 $1.442695020e+00, v55;
	(erf) = vpow2.f32 v1;
	_ =	sdelay $0x1  }
0x1da: {  	(erf) = vpow2.f32 v9;
	_ =	sdelay $0x1  }
0x1db: {  	v56 =	vmul.f32 v39, v4;
	v1 =	vpop (erf)  }
0x1dc: {  	v9 =	vpop (erf)  }
0x1dd: {  	v0 =	vmul.f32 v0, v56;
	v57 =	vadd.f32 $1.000000000e+00, v9  }
0x1de: {  	v58 =	vpop (erf)  }
0x1df: {  	v22 =	vmul.f32 v0, v22;
	v60 =	vadd.f32 v57, v58;
	v59 =	vpop (erf)  }
0x1e0: {  	s0 =	sadd.s32 $0x30, s0;
	[tilespmem:v31+s20+$0x0] =	vst.idx.msk $0xffff, v40;
	v27 =	vmul.f32 v27, v35;
	v61 =	vpop (erf)  }
0x1e1: {  	v63 =	vld [tilespmem:s0+$0xFFFFFFE0];
	[tilespmem:v25+s20+$0x0] =	vst.idx.msk $0xffff, v37;
	v22 =	vsub.f32 $0.0e+00, v22;
	(erf) = vrcp.f32 v60;
	v62 =	vadd.f32 $1.000000000e+00, v61  }
0x1e2: {  	[tilespmem:v16+s20+$0x0] =	vst.idx.msk $0xffff, v38;
	v25 =	vmul.f32 v27, v32;
	v48 =	vpop (erf)  }
0x1e3: {  	[tilespmem:v20+s20+$0x0] =	vst.idx.msk $0xffff, v22;
	v31 =	vadd.f32 v62, v48  }
0x1e4: {  	v16 =	vld [tilespmem:s0+$0xFFFFFFF0];
	v10 =	vmul.f32 v0, v10;
	[tilespmem:v23+s20+$0x0] =	vst.idx.msk $0xffff, v0;
	v0 =	vsub.f32 $0.0e+00, v25  }
0x1e5: {  	v1 =	vmul.f32 v1, v33;
	(erf) = vrcp.f32 v31  }
0x1e6: {  	v20 =	vmul.f32 v63, v4;
	[tilespmem:v21+s20+$0x0] =	vst.idx.msk $0xffff, v0;
	v0 =	vmul.f32 v27, v29  }
0x1e7: {  	v2 =	vmul.f32 v1, v2  }
0x1e8: {  	v22 =	vld [tilespmem:s0+$0x0];
	[tilespmem:v30+s20+$0x0] =	vst.idx.msk $0xffff, v10;
	v10 =	vmul.f32 v59, v20  }
0x1e9: {  	v16 =	vmul.f32 v16, v4;
	[tilespmem:v24+s20+$0x0] =	vst.idx.msk $0xffff, v27;
	v2 =	vsub.f32 $0.0e+00, v2  }
0x1ea: {  	[tilespmem:v15+s20+$0x0] =	vst.idx.msk $0xffff, v0;
	v5 =	vmul.f32 v1, v5;
	v15 =	vmul.f32 v10, v53;
	v0 =	vpop (erf)  }
0x1eb: {  	[tilespmem:v18+s20+$0x0] =	vst.idx.msk $0xffff, v2;
	v0 =	vmul.f32 v0, v16  }
0x1ec: {  	[tilespmem:v19+s20+$0x0] =	vst.idx.msk $0xffff, v1;
	v1 =	vsub.f32 $0.0e+00, v15  }
0x1ed: {  	v2 =	vmul.f32 v22, v4;
	[tilespmem:v13+s20+$0x0] =	vst.idx.msk $0xffff, v5;
	v9 =	vmul.f32 v0, v9  }
0x1ee: {  	v13 =	vmul.f32 v10, v52;
	[tilespmem:v7+s20+$0x0] =	vst.idx.msk $0xffff, v1;
	v5 =	vpop (erf)  }
0x1ef: {  	[tilespmem:v26+s20+$0x0] =	vst.idx.msk $0xffff, v10;
	v1 =	vmul.f32 v5, v2;
	v2 =	vsub.f32 $0.0e+00, v9  }
0x1f0: {  	[tilespmem:v28+s20+$0x0] =	vst.idx.msk $0xffff, v13  }
0x1f1: {  	[tilespmem:v8+s20+$0x0] =	vst.idx.msk $0xffff, v2  }
0x1f2: {  	v5 =	vmul.f32 v1, v61;
	[tilespmem:v11+s20+$0x0] =	vst.idx.msk $0xffff, v0  }
0x1f3: {  	v62 =	vld [tilespmem:$0x1FFF0]  }
0x1f4: {  	v2 =	vmul.f32 v0, v58;
	v0 =	vsub.f32 $0.0e+00, v5;
	v5 =	vld [tilespmem:$0x1FF90];
	_ =	sdelay $0x4  }
0x1f5: {  	[tilespmem:v17+s20+$0x0] =	vst.idx.msk $0xffff, v2;
	v5 =	vadd.s32 v62, v5  }
0x1f6: {  	v2 =	vmul.f32 v1, v48;
	[tilespmem:v12+s20+$0x0] =	vst.idx.msk $0xffff, v0  }
0x1f7: {  	[tilespmem:v14+s20+$0x0] =	vst.idx.msk $0xffff, v1  }
0x1f8: {  	[tilespmem:v6+s20+$0x0] =	vst.idx.msk $0xffff, v2  }
0x1f9: {  	v1 =	vor.u32 $0x1, v3;
	v2 =	vld.idx.msk [tilespmem:v3+s3+$0x0], $0xffff  }
0x1fa: {  	v0 =	vld.idx.msk [tilespmem:v5+s3+$0x0], $0xffff;
	_ =	sdelay $0x3  }
0x1fb: {  	v6 =	vld.idx.msk [tilespmem:v1+s3+$0x0], $0xffff  }
0x1fc: {  	v0 =	vadd.f32 v2, v0;
	_ =	sdelay $0x1  }
0x1fd: {  	v0 =	vsub.f32 $0.0e+00, v0;
	_ =	sdelay $0x1  }
0x1fe: {  	v2 =	vsub.f32 v6, v2;
	v0 =	vmul.f32 $1.442695020e+00, v0;
	_ =	sdelay $0x1  }
0x1ff: {  	(erf) = vpow2.f32 v0;
	v0 =	vmul.f32 $1.442695020e+00, v2;
	_ =	sdelay $0x1  }
0x200: {  	(erf) = vpow2.f32 v0;
	_ =	sdelay $0x6  }
0x201: {  	v0 =	vpop (erf)  }
0x202: {  	v2 =	vadd.f32 $1.000000000e+00, v0  }
0x203: {  	v6 =	vpop (erf)  }
0x204: {  	v2 =	vadd.f32 v2, v6;
	_ =	sdelay $0x1  }
0x205: {  	(erf) = vrcp.f32 v2;
	_ =	sdelay $0x2  }
0x206: {  	v2 =	vld [tilespmem:$0x5C90];
	_ =	sdelay $0x4  }
0x207: {  	v2 =	vmul.f32 v2, v4  }
0x208: {  	v7 =	vpop (erf)  }
0x209: {  	v2 =	vmul.f32 v7, v2;
	_ =	sdelay $0x1  }
0x20a: {  	v0 =	vmul.f32 v2, v0;
	_ =	sdelay $0x1  }
0x20b: {  	v9 =	vimm.s32 $0x2;
	v0 =	vsub.f32 $0.0e+00, v0  }
0x20c: {  	v7 =	vand.u32 $0xFFFFFFF8, v9  }
0x20d: {  	v8 =	vand.u32 $0x6, v9;
	v7 =	vadd.s32 v3, v7;
	v6 =	vmul.f32 v2, v6;
	[tilespmem:v5+s20+$0x0] =	vst.idx.msk $0xffff, v0  }
0x20e: {  	v33 =	vor.u32 v8, v7;
	v0 =	vadd.s32 $0x4, v9;
	[tilespmem:v3+s20+$0x0] =	vst.idx.add.f32.msk $0xffff, v2  }
0x20f: {  	v31 =	vor.u32 $0x1, v33;
	v2 =	vand.u32 $0xFFFFFFF8, v0;
	[tilespmem:v1+s20+$0x0] =	vst.idx.add.f32.msk $0xffff, v6;
	v1 =	vadd.s32 $0x3, v9  }
0x210: {  	s2 =	simm.s32 $0x5CB0;
	v0 =	vand.u32 $0x6, v0;
	v2 =	vadd.s32 v3, v2;
	v5 =	vand.u32 $0xFFFFFFF8, v1  }
0x211: {  	v8 =	vld [tilespmem:s2+$0x0];
	v1 =	vand.u32 $0x7, v1;
	v6 =	vadd.s32 v3, v5;
	v5 =	vor.u32 v0, v2  }
0x212: {  	v51 =	vld [tilespmem:s2+$0xFFFFFFF0];
	v2 =	vadd.s32 $0x5, v9;
	v6 =	vor.u32 v1, v6  }
0x213: {  	v10 =	vadd.s32 $0x2, v9;
	v7 =	vand.u32 $0xFFFFFFF8, v2  }
0x214: {  	v11 =	vand.u32 $0xFFFFFFF8, v10;
	v0 =	vld.idx.msk [tilespmem:v33+s3+$0x0], $0xffff;
	v2 =	vand.u32 $0x7, v2;
	v7 =	vadd.s32 v3, v7  }
0x215: {  	v1 =	vld.idx.msk [tilespmem:v31+s3+$0x0], $0xffff;
	v7 =	vor.u32 v2, v7;
	v2 =	vand.u32 $0x6, v10;
	v10 =	vadd.s32 v3, v11  }
0x216: {  	v25 =	vmul.f32 v8, v4;
	v8 =	vor.u32 v2, v10;
	v2 =	vadd.s32 $0x6, v9;
	v12 =	vld.idx.msk [tilespmem:v5+s3+$0x0], $0xffff  }
0x217: {  	s15 =	simm.s32 $0x5CD0;
	v54 =	vmul.f32 v51, v4;
	v9 =	vadd.s32 $0x2, v2;
	v11 =	vld.idx.msk [tilespmem:v6+s3+$0x0], $0xffff  }
0x218: {  	v13 =	vld [tilespmem:s15+$0x0];
	v10 =	vand.u32 $0x6, v2;
	v14 =	vand.u32 $0xFFFFFFF8, v2;
	v17 =	vadd.s32 $0x5, v2  }
0x219: {  	v19 =	vadd.s32 $0x4, v2;
	v15 =	vadd.s32 $0x3, v2;
	v14 =	vadd.s32 v3, v14  }
0x21a: {  	v2 =	vadd.s32 $0x6, v2;
	v0 =	vadd.f32 v1, v0;
	v10 =	vor.u32 v10, v14;
	v14 =	vld.idx.msk [tilespmem:v7+s3+$0x0], $0xffff  }
0x21b: {  	v16 =	vand.u32 $0x6, v9;
	v9 =	vand.u32 $0xFFFFFFF8, v9;
	v20 =	vand.u32 $0xFFFFFFF8, v17  }
0x21c: {  	v21 =	vand.u32 $0xFFFFFFF8, v15;
	v22 =	vand.u32 $0x7, v15;
	v11 =	vadd.f32 v12, v11  }
0x21d: {  	v15 =	vmul.f32 v13, v4;
	v18 =	vadd.s32 v3, v9;
	v21 =	vadd.s32 v3, v21;
	v13 =	vld.idx.msk [tilespmem:v8+s3+$0x0], $0xffff  }
0x21e: {  	v9 =	vor.u32 $0x1, v10;
	v0 =	vsub.f32 $0.0e+00, v0;
	v23 =	vsub.f32 $0.0e+00, v11  }
0x21f: {  	v11 =	vor.u32 v22, v21;
	v21 =	vand.u32 $0xFFFFFFF8, v19;
	v14 =	vsub.f32 v14, v12  }
0x220: {  	v12 =	vand.u32 $0x6, v19;
	v19 =	vadd.s32 v3, v21;
	v21 =	vmul.f32 $1.442695020e+00, v23  }
0x221: {  	v27 =	vadd.s32 $0x4, v2;
	v12 =	vor.u32 v12, v19;
	v19 =	vmul.f32 $1.442695020e+00, v14  }
0x222: {  	v0 =	vmul.f32 $1.442695020e+00, v0;
	v22 =	vld.idx.msk [tilespmem:v10+s3+$0x0], $0xffff;
	v1 =	vsub.f32 v13, v1;
	(erf) = vpow2.f32 v21  }
0x223: {  	v20 =	vadd.s32 v3, v20;
	v26 =	vld.idx.msk [tilespmem:v9+s3+$0x0], $0xffff;
	v14 =	vand.u32 $0x7, v17;
	(erf) = vpow2.f32 v19  }
0x224: {  	v17 =	vand.u32 $0xFFFFFFF8, v2;
	(erf) = vpow2.f32 v0;
	v0 =	vmul.f32 $1.442695020e+00, v1  }
0x225: {  	s0 =	simm.s32 $0x5CF0;
	v13 =	vor.u32 v14, v20;
	v14 =	vor.u32 v16, v18;
	v16 =	vadd.s32 $0x2, v2  }
0x226: {  	v18 =	vand.u32 $0x6, v2;
	v20 =	vadd.s32 $0x3, v2;
	v19 =	vld [tilespmem:s0+$0x0];
	(erf) = vpow2.f32 v0  }
0x227: {  	v23 =	vand.u32 $0x6, v16;
	v16 =	vand.u32 $0xFFFFFFF8, v16;
	v21 =	vld.idx.msk [tilespmem:v11+s3+$0x0], $0xffff;
	v0 =	vadd.s32 v3, v17  }
0x228: {  	v1 =	vadd.f32 v26, v22;
	v22 =	vld.idx.msk [tilespmem:v12+s3+$0x0], $0xffff;
	v17 =	vor.u32 v18, v0;
	v0 =	vadd.s32 $0x5, v2  }
0x229: {  	v24 =	vadd.s32 v3, v16;
	v16 =	vor.u32 $0x1, v17;
	v18 =	vand.u32 $0xFFFFFFF8, v0  }
0x22a: {  	v28 =	vand.u32 $0xFFFFFFF8, v20;
	v24 =	vor.u32 v23, v24;
	v29 =	vadd.s32 v3, v18  }
0x22b: {  	v30 =	vld.idx.msk [tilespmem:v13+s3+$0x0], $0xffff;
	v18 =	vand.u32 $0x7, v20;
	v20 =	vmul.f32 v19, v4;
	v19 =	vadd.s32 v3, v28;
	v37 =	vpop (erf)  }
0x22c: {  	v52 =	vld.idx.msk [tilespmem:v14+s3+$0x0], $0xffff;
	v18 =	vor.u32 v18, v19;
	v19 =	vand.u32 $0xFFFFFFF8, v27;
	v27 =	vand.u32 $0x6, v27;
	v38 =	vpop (erf)  }
0x22d: {  	v21 =	vadd.f32 v22, v21;
	v19 =	vadd.s32 v3, v19;
	v49 =	vld.idx.msk [tilespmem:v17+s3+$0x0], $0xffff;
	v50 =	vadd.f32 $1.000000000e+00, v37;
	v36 =	vpop (erf)  }
0x22e: {  	v1 =	vsub.f32 $0.0e+00, v1;
	v19 =	vor.u32 v27, v19;
	v28 =	vld.idx.msk [tilespmem:v16+s3+$0x0], $0xffff;
	v27 =	vadd.f32 $1.000000000e+00, v36  }
0x22f: {  	v0 =	vand.u32 $0x7, v0;
	v53 =	vsub.f32 $0.0e+00, v21;
	v34 =	vadd.f32 v50, v38;
	v41 =	vpop (erf)  }
0x230: {  	v1 =	vmul.f32 $1.442695020e+00, v1;
	v21 =	vor.u32 v0, v29;
	v0 =	vadd.f32 v27, v41  }
0x231: {  	v22 =	vsub.f32 v30, v22;
	v27 =	vmul.f32 $1.442695020e+00, v53;
	(erf) = vrcp.f32 v34  }
0x232: {  	v23 =	vsub.f32 v52, v26;
	(erf) = vrcp.f32 v0;
	v0 =	vadd.s32 $0x6, v2  }
0x233: {  	v2 =	vmul.f32 $1.442695020e+00, v22;
	(erf) = vpow2.f32 v27;
	v27 =	vadd.f32 v28, v49  }
0x234: {  	v22 =	vadd.s32 $0x2, v0;
	v55 =	vadd.s32 $0x5, v0;
	v59 =	vadd.s32 $0x4, v0  }
0x235: {  	s2 =	simm.s32 $0x5D10;
	v30 =	vadd.s32 $0x3, v0;
	(erf) = vpow2.f32 v2;
	v46 =	vand.u32 $0x6, v22  }
0x236: {  	v26 =	vld [tilespmem:s2+$0x0];
	(erf) = vpow2.f32 v1;
	v1 =	vand.u32 $0xFFFFFFF8, v22;
	v22 =	vmul.f32 $1.442695020e+00, v23  }
0x237: {  	v60 =	vld.idx.msk [tilespmem:v18+s3+$0x0], $0xffff;
	v29 =	vand.u32 $0xFFFFFFF8, v0;
	v2 =	vand.u32 $0x6, v0;
	v61 =	vand.u32 $0xFFFFFFF8, v30  }
0x238: {  	v47 =	vld.idx.msk [tilespmem:v19+s3+$0x0], $0xffff;
	v57 =	vand.u32 $0x6, v59;
	v23 =	vand.u32 $0xFFFFFFF8, v55;
	(erf) = vpow2.f32 v22  }
0x239: {  	v49 =	vld.idx.msk [tilespmem:v21+s3+$0x0], $0xffff;
	v27 =	vsub.f32 $0.0e+00, v27;
	v63 =	vadd.s32 v3, v23;
	v22 =	vadd.s32 v3, v29  }
0x23a: {  	v22 =	vor.u32 v2, v22;
	v2 =	vand.u32 $0x7, v30;
	v30 =	vadd.s32 v3, v61  }
0x23b: {  	v23 =	vmul.f32 v26, v4;
	v56 =	vpop (erf);
	v30 =	vor.u32 v2, v30;
	v2 =	vand.u32 $0xFFFFFFF8, v59  }
0x23c: {  	v40 =	vmul.f32 $1.442695020e+00, v27;
	v29 =	vor.u32 $0x1, v22;
	v2 =	vadd.s32 v3, v2;
	v26 =	vpop (erf)  }
0x23d: {  	v27 =	vor.u32 v57, v2;
	v2 =	vadd.f32 v47, v60;
	v48 =	vmul.f32 v26, v54;
	v26 =	vpop (erf)  }
0x23e: {  	v50 =	vand.u32 $0x7, v55;
	v47 =	vsub.f32 v49, v47;
	v35 =	vpop (erf)  }
0x23f: {  	v44 =	vld [tilespmem:s15+$0xFFFFFFF0];
	v1 =	vadd.s32 v3, v1;
	v58 =	vadd.f32 $1.000000000e+00, v26;
	v2 =	vsub.f32 $0.0e+00, v2;
	v34 =	vpop (erf)  }
0x240: {  	v45 =	vld.idx.msk [tilespmem:v22+s3+$0x0], $0xffff;
	v47 =	vmul.f32 $1.442695020e+00, v47;
	v51 =	vmul.f32 v48, v36;
	v52 =	vadd.f32 $1.000000000e+00, v34  }
0x241: {  	v36 =	vmul.f32 v56, v25;
	v39 =	vmul.f32 v48, v41;
	v42 =	vld.idx.msk [tilespmem:v29+s3+$0x0], $0xffff;
	v59 =	vadd.f32 v58, v35;
	v32 =	vpop (erf)  }
0x242: {  	v43 =	vld.idx.msk [tilespmem:v24+s3+$0x0], $0xffff;
	v2 =	vmul.f32 $1.442695020e+00, v2;
	v60 =	vsub.f32 $0.0e+00, v51;
	v61 =	vadd.f32 v52, v32  }
0x243: {  	v25 =	vor.u32 v50, v63;
	v63 =	vmul.f32 v36, v37;
	v37 =	vld.idx.msk [tilespmem:v27+s3+$0x0], $0xffff;
	(erf) = vrcp.f32 v59  }
0x244: {  	v41 =	vmul.f32 v36, v38;
	v38 =	vadd.s32 $0x6, v0;
	[tilespmem:v33+s20+$0x0] =	vst.idx.add.f32.msk $0xffff, v60;
	(erf) = vrcp.f32 v61  }
0x245: {  	s6 =	simm.s32 $0x1C;
	s15 =	simm.s32 $0x5D30;
	v33 =	vor.u32 v46, v1;
	v46 =	vsub.f32 $0.0e+00, v63;
	[tilespmem:v31+s20+$0x0] =	vst.idx.add.f32.msk $0xffff, v48;
	(erf) = vpow2.f32 v2  }
.LBB2_14:
0x246: {  	v0 =	vadd.f32 v42, v45;
	v1 =	vmul.f32 v44, v4;
	v2 =	vmov v16  }
0x247: {  	s6 =	sadd.s32 $0x2, s6;
	[tilespmem:v6+s20+$0x0] =	vst.idx.add.f32.msk $0xffff, v46;
	v16 =	vmovc v29;
	v6 =	vmovc v11;
	v11 =	vmov v18;
	v18 =	vmov v30;
	v31 =	vmov v35  }
0x248: {  	v29 =	vadd.s32 $0x2, v38;
	v30 =	vsub.f32 v43, v28;
	v28 =	vmovc v42;
	p1 =	slt.u32 s6, $0x1E;
	(erf) = vpow2.f32 v47;
	[tilespmem:v8+s20+$0x0] =	vst.idx.add.f32.msk $0xffff, v39  }
0x249: {  	v35 =	vand.u32 $0x6, v38;
	v46 =	vand.u32 $0x6, v29;
	v8 =	vmovc v14;
	v14 =	vmovc v24;
	v39 =	vld [tilespmem:s15+$0x0];
	(erf) = vpow2.f32 v40  }
0x24a: {  	v42 =	vadd.s32 $0x5, v38;
	v24 =	vand.u32 $0xFFFFFFF8, v29;
	v29 =	vmul.f32 $1.442695020e+00, v30;
	[tilespmem:v5+s20+$0x0] =	vst.idx.add.f32.msk $0xffff, v36;
	v5 =	vmovc v12;
	v12 =	vmovc v19  }
0x24b: {  	v47 =	vadd.s32 v3, v24;
	v24 =	vand.u32 $0xFFFFFFF8, v42;
	v36 =	vadd.s32 $0x4, v38;
	v19 =	vmovc v27;
	[tilespmem:v7+s20+$0x0] =	vst.idx.add.f32.msk $0xffff, v41  }
0x24c: {  	v30 =	vadd.s32 $0x3, v38;
	v27 =	vand.u32 $0xFFFFFFF8, v38;
	v7 =	vmovc v13;
	v13 =	vmovc v21;
	v41 =	vld.idx.msk [tilespmem:v18+s3+$0x0], $0xffff;
	(erf) = vpow2.f32 v29  }
0x24d: {  	v44 =	vadd.s32 v3, v24;
	v21 =	vadd.s32 v3, v27;
	v27 =	vand.u32 $0xFFFFFFF8, v30;
	v48 =	vpop (erf)  }
0x24e: {  	v49 =	vor.u32 v35, v21;
	v35 =	vand.u32 $0x7, v30;
	v50 =	vmul.f32 v39, v4;
	v24 =	vpop (erf)  }
0x24f: {  	v0 =	vsub.f32 $0.0e+00, v0;
	v27 =	vadd.s32 v3, v27;
	v29 =	vor.u32 $0x1, v49;
	v51 =	vpop (erf)  }
0x250: {  	v30 =	vor.u32 v35, v27;
	v27 =	vand.u32 $0xFFFFFFF8, v36;
	v21 =	vmovc v25;
	v1 =	vmul.f32 v24, v1;
	v24 =	vmovc v33  }
0x251: {  	v40 =	vmul.f32 $1.442695020e+00, v0;
	v36 =	vand.u32 $0x6, v36;
	v27 =	vadd.s32 v3, v27;
	v0 =	vld.idx.msk [tilespmem:v25+s3+$0x0], $0xffff;
	v35 =	vpop (erf)  }
0x252: {  	v27 =	vor.u32 v36, v27;
	v25 =	vadd.f32 v37, v41;
	v43 =	vld.idx.msk [tilespmem:v33+s3+$0x0], $0xffff;
	v33 =	vadd.f32 $1.000000000e+00, v51;
	v41 =	vpop (erf)  }
0x253: {  	v52 =	vand.u32 $0x7, v42;
	v36 =	vmul.f32 v48, v15;
	v15 =	vmovc v20;
	v54 =	vmul.f32 v1, v34;
	v45 =	vld.idx.msk [tilespmem:v49+s3+$0x0], $0xffff  }
0x254: {  	v20 =	vmovc v23;
	v23 =	vmovc v50;
	v39 =	vmul.f32 v1, v32;
	v48 =	vsub.f32 $0.0e+00, v25;
	v53 =	vadd.f32 $1.000000000e+00, v41;
	v42 =	vld.idx.msk [tilespmem:v29+s3+$0x0], $0xffff  }
.Ltmp9:
0x255: {  	v25 =	vor.u32 v52, v44;
	v50 =	vsub.f32 $0.0e+00, v54;
	v33 =	vadd.f32 v33, v35;
	v44 =	vld [tilespmem:s0+$0xFFFFFFF0];
	v32 =	vpop (erf);
	s0 =	smov.u32 s2;
	s2 =	smov.u32 s15;
	(pc) =	sbr.rel @p1 .LBB2_14-.Ltmp9, $4  }
0x256: {  	v34 =	vmovc v41;
	v48 =	vmul.f32 $1.442695020e+00, v48;
	v52 =	vadd.f32 v53, v32;
	v53 =	vmul.f32 v36, v26;
	v26 =	vmovc v51  }
0x257: {  	v41 =	vmul.f32 v36, v31;
	v0 =	vsub.f32 v0, v37;
	(erf) = vrcp.f32 v33;
	[tilespmem:v10+s20+$0x0] =	vst.idx.add.f32.msk $0xffff, v50  }
0x258: {  	v33 =	vor.u32 v46, v47;
	v10 =	vmovc v17;
	v17 =	vmovc v22;
	v37 =	vld.idx.msk [tilespmem:v27+s3+$0x0], $0xffff;
	(erf) = vrcp.f32 v52;
	v46 =	vsub.f32 $0.0e+00, v53  }
0x259: {  	v38 =	vadd.s32 $0x6, v38;
	s15 =	sadd.s32 $0x20, s15;
	v22 =	vmovc v49;
	v47 =	vmul.f32 $1.442695020e+00, v0;
	(erf) = vpow2.f32 v48;
	[tilespmem:v9+s20+$0x0] =	vst.idx.add.f32.msk $0xffff, v1;
	v9 =	vmovc v2  }
0x25a: {  	v0 =	vsub.f32 v43, v28  }
0x25b: {  	(erf) = vpow2.f32 v47  }
0x25c: {  	(erf) = vpow2.f32 v40;
	v0 =	vmul.f32 $1.442695020e+00, v0;
	_ =	sdelay $0x1  }
0x25d: {  	(erf) = vpow2.f32 v0;
	_ =	sdelay $0x1  }
0x25e: {  	v59 =	vld.idx.msk [tilespmem:v30+s3+$0x0], $0xffff  }
0x25f: {  	v1 =	vpop (erf)  }
0x260: {  	v2 =	vpop (erf)  }
0x261: {  	v60 =	vld.idx.msk [tilespmem:v25+s3+$0x0], $0xffff;
	v3 =	vpop (erf)  }
0x262: {  	v31 =	vpop (erf)  }
0x263: {  	v0 =	vadd.f32 v37, v59;
	v38 =	vadd.f32 $1.000000000e+00, v3;
	v40 =	vpop (erf)  }
0x264: {  	v61 =	vadd.f32 v42, v45;
	v63 =	vld.idx.msk [tilespmem:v33+s3+$0x0], $0xffff;
	v52 =	vadd.f32 $1.000000000e+00, v40  }
0x265: {  	v0 =	vsub.f32 $0.0e+00, v0;
	v38 =	vadd.f32 v38, v31;
	v48 =	vpop (erf)  }
0x266: {  	v28 =	vsub.f32 v60, v37;
	v47 =	vadd.f32 v52, v48  }
0x267: {  	v53 =	vsub.f32 $0.0e+00, v61;
	v0 =	vmul.f32 $1.442695020e+00, v0;
	(erf) = vrcp.f32 v38  }
0x268: {  	v28 =	vmul.f32 $1.442695020e+00, v28;
	(erf) = vrcp.f32 v47  }
0x269: {  	v37 =	vmul.f32 $1.442695020e+00, v53;
	v54 =	vsub.f32 v63, v42;
	(erf) = vpow2.f32 v0  }
0x26a: {  	(erf) = vpow2.f32 v28  }
0x26b: {  	v0 =	vmul.f32 $1.442695020e+00, v54;
	(erf) = vpow2.f32 v37;
	_ =	sdelay $0x1  }
0x26c: {  	(erf) = vpow2.f32 v0;
	_ =	sdelay $0x2  }
0x26d: {  	v55 =	vpop (erf)  }
0x26e: {  	v56 =	vpop (erf)  }
0x26f: {  	v37 =	vpop (erf)  }
0x270: {  	v38 =	vpop (erf);
	v57 =	vadd.f32 $1.000000000e+00, v37  }
0x271: {  	v44 =	vmul.f32 v44, v4;
	v58 =	vpop (erf)  }
0x272: {  	[tilespmem:v6+s20+$0x0] =	vst.idx.add.f32.msk $0xffff, v46;
	v1 =	vmul.f32 v1, v15;
	v59 =	vadd.f32 $1.000000000e+00, v58;
	v42 =	vadd.f32 v57, v38  }
0x273: {  	v60 =	vld [tilespmem:s0+$0xFFFFFFF0];
	v2 =	vmul.f32 v2, v44;
	v49 =	vpop (erf)  }
0x274: {  	[tilespmem:v8+s20+$0x0] =	vst.idx.add.f32.msk $0xffff, v39;
	v26 =	vmul.f32 v1, v26;
	v61 =	vadd.f32 v59, v49;
	(erf) = vrcp.f32 v42  }
0x275: {  	[tilespmem:v5+s20+$0x0] =	vst.idx.add.f32.msk $0xffff, v36;
	v63 =	vmul.f32 v2, v34  }
0x276: {  	v36 =	vld [tilespmem:s2+$0xFFFFFFF0];
	v39 =	vsub.f32 $0.0e+00, v26;
	(erf) = vrcp.f32 v61  }
0x277: {  	[tilespmem:v7+s20+$0x0] =	vst.idx.add.f32.msk $0xffff, v41;
	v15 =	vsub.f32 $0.0e+00, v63;
	v0 =	vmul.f32 v55, v20  }
0x278: {  	v34 =	vmul.f32 v60, v4;
	[tilespmem:v11+s20+$0x0] =	vst.idx.add.f32.msk $0xffff, v39  }
0x279: {  	[tilespmem:v10+s20+$0x0] =	vst.idx.add.f32.msk $0xffff, v15;
	v47 =	vmul.f32 v0, v3  }
0x27a: {  	v45 =	vmul.f32 v1, v35;
	[tilespmem:v12+s20+$0x0] =	vst.idx.add.f32.msk $0xffff, v1;
	v41 =	vmul.f32 v56, v34  }
0x27b: {  	[tilespmem:v9+s20+$0x0] =	vst.idx.add.f32.msk $0xffff, v2;
	v53 =	vsub.f32 $0.0e+00, v47  }
0x27c: {  	[tilespmem:v13+s20+$0x0] =	vst.idx.add.f32.msk $0xffff, v45;
	v44 =	vmul.f32 v41, v40  }
0x27d: {  	[tilespmem:v18+s20+$0x0] =	vst.idx.add.f32.msk $0xffff, v53;
	v57 =	vmul.f32 v0, v31;
	v51 =	vpop (erf)  }
0x27e: {  	v50 =	vmul.f32 v36, v4;
	v46 =	vsub.f32 $0.0e+00, v44;
	[tilespmem:v19+s20+$0x0] =	vst.idx.add.f32.msk $0xffff, v0;
	v4 =	vmul.f32 v51, v23  }
0x27f: {  	v42 =	vmul.f32 v2, v32;
	[tilespmem:v21+s20+$0x0] =	vst.idx.add.f32.msk $0xffff, v57;
	v52 =	vpop (erf)  }
0x280: {  	[tilespmem:v17+s20+$0x0] =	vst.idx.add.f32.msk $0xffff, v46;
	v54 =	vmul.f32 v52, v50;
	v59 =	vmul.f32 v4, v37  }
0x281: {  	v55 =	vmul.f32 v41, v48;
	[tilespmem:v14+s20+$0x0] =	vst.idx.add.f32.msk $0xffff, v42  }
0x282: {  	[tilespmem:v16+s20+$0x0] =	vst.idx.add.f32.msk $0xffff, v41;
	v56 =	vmul.f32 v54, v58;
	v60 =	vsub.f32 $0.0e+00, v59  }
0x283: {  	[tilespmem:v24+s20+$0x0] =	vst.idx.add.f32.msk $0xffff, v55  }
0x284: {  	v58 =	vsub.f32 $0.0e+00, v56;
	[tilespmem:v30+s20+$0x0] =	vst.idx.add.f32.msk $0xffff, v60  }
0x285: {  	p1 =	slt.u32 s30, $0x8;
	v63 =	vmul.f32 v4, v38;
	[tilespmem:v27+s20+$0x0] =	vst.idx.add.f32.msk $0xffff, v4  }
.Ltmp10:
0x286: {  	[tilespmem:v22+s20+$0x0] =	vst.idx.add.f32.msk $0xffff, v58;
	(pc) =	sbr.rel @p1 .LBB2_7-.Ltmp10, $4  }
0x287: {  	v61 =	vmul.f32 v54, v49;
	[tilespmem:v25+s20+$0x0] =	vst.idx.add.f32.msk $0xffff, v63  }
0x288: {  	[tilespmem:v29+s20+$0x0] =	vst.idx.add.f32.msk $0xffff, v54  }
0x289: {  	s31 =	sadd.s32 $0x2, s30;
	[tilespmem:v33+s20+$0x0] =	vst.idx.add.f32.msk $0xffff, v61  }
0x28a: {  	s30 =	smov.u32 s31;
	v61 =	vld [tilespmem:$0x1FFE0]  }
0x28b: {  	s30 =	sshll.u32 s28, $0x6  }
0x28c: {  	s0 =	sor.u32 s5, s30  }
0x28d: {  	s0 =	smul.u32 $0x500, s0;
	_ =	sdelay $0x1  }
0x28e: {  	s2 =	simm.s32 $0x5D40;
	s0 =	sadd.s32 s7, s0  }
0x28f: {  	s6 =	simm.s32 $0x8;
	s10 =	simm.s32 $0x5D88;
	s15 =	sadd.s32 $0x0, s0  }
.LBB2_17:
0x290: {  	[hbm4b:s15+s3] =	stream.linear.scatter [tilespmem:s2], [sflag:$0x3], $0x40, $0x38;
	[tilespmem:$0xB740] =	vst v63  }
0x291: {  	s15 =	smov.u32 s6;
	s2 =	smov.u32 s10;
	p1 =	sne.s32 s6, $0x4F8  }
.Ltmp11:
0x292: {  	s6 =	sadd.s32 $0x8, s6;
	(pc) =	sbr.rel @p1 .LBB2_17-.Ltmp11, $2  }
0x293: {  	_ =	sdelay $0x2  }
0x294: {  	s10 =	sadd.s32 $0x48, s10;
	s15 =	sadd.s32 s15, s0  }
0x295: {  	s0 =	sadd.s32 $0x2, s29  }
0x296: {  	p1 =	sgt.u32 s0, s8  }
.Ltmp12:
0x297: {  	_ = 	snop;
	(pc) =	sbr.rel @p1 .LBB2_22-.Ltmp12, $2  }
0x298: {  	_ =	sdelay $0x2  }
0x299: {  	[hbm4b:s15+s3] =	stream.linear.scatter [tilespmem:s2], [sflag:$0x3], $0x40, $0x38;
	[tilespmem:$0xB740] =	vst v63  }
0x29a: {  	s0 =	sshll.u32 s0, $0x5  }
0x29b: {  	s0 =	sor.u32 s5, s0  }
0x29c: {  	s2 =	smul.u32 $0x500, s0;
	_ =	sdelay $0x1  }
0x29d: {  	s6 =	simm.s32 $0x0;
	s2 =	sadd.s32 s1, s2  }
0x29e: {  	s10 =	simm.s32 $0x8;
	s15 =	simm.s32 $0x48;
	s31 =	sadd.s32 $0x0, s2  }
.LBB2_20:
0x29f: {  	[tilespmem:s6], [sflag:$0x1] =	stream.linear.gather [hbm4b:s31+s3], $0x40, $0x38;
	[tilespmem:$0xB740] =	vst v63  }
0x2a0: {  	s31 =	smov.u32 s10;
	s6 =	smov.u32 s15;
	p1 =	sne.s32 s10, $0x4F8  }
.Ltmp13:
0x2a1: {  	s10 =	sadd.s32 $0x8, s10;
	(pc) =	sbr.rel @p1 .LBB2_20-.Ltmp13, $2  }
0x2a2: {  	_ =	sdelay $0x2  }
0x2a3: {  	s15 =	sadd.s32 $0x48, s15;
	s31 =	sadd.s32 s31, s2  }
0x2a4: {  	s0 =	smul.u32 $0x14, s0  }
0x2a5: {  	[tilespmem:s6], [sflag:$0x1] =	stream.linear.gather [hbm4b:s31+s3], $0x40, $0x38;
	[tilespmem:$0xB740] =	vst v63  }
0x2a6: {  	s0 =	sadd.s32 s4, s0  }
0x2a7: {  	[tilespmem:s17], [sflag:$0x1] =	stream.linear.gather [hbm4b:s0+s3], $0xA0, $0x38;
	[tilespmem:$0xB740] =	vst v63  }
.LBB2_22:
0x2a8: {  	p1 =	sge.u32 s29, s8  }
.Ltmp14:
0x2a9: {  	_ = 	snop;
	(pc) =	sbr.rel @p1 .LBB2_39-.Ltmp14, $1  }
0x2aa: {  	_ =	sdelay $0x3  }
0x2ab: {  	_ =	swait.ge [sflag:s21], $0x2800  }
0x2ac: {  	[sflag:s21] =	ssyncset.done $0x0  }
0x2ad: {  	[sflag:s21] =	ssyncadd.s32 $0xFFFFD800  }
0x2ae: {  	_ =	swait.ge [sflag:s21], $0xA0  }
0x2af: {  	[sflag:s21] =	ssyncset.done $0x0  }
0x2b0: {  	s0 =	simm.s32 @!p0 $0x4;
	[sflag:s21] =	ssyncadd.s32 $0xFFFFFF60  }
0x2b1: {  	_ =	swait.ge @!p0 [sflag:s0], $0x2800  }
0x2b2: {  	[sflag:s0] =	ssyncset.done @!p0 $0x0  }
0x2b3: {  	s31 =	simm.s32 $0x0;
	[sflag:s0] =	ssyncadd.s32 @!p0 $0xFFFFD800  }
.LBB2_24:
0x2b4: {  	s0 =	sshll.u32 s31, $0x4  }
0x2b5: {  	v0 =	vmov s0  }
0x2b6: {  	v0 =	vmul.u32 $0x48, v0;
	_ =	sdelay $0x1  }
0x2b7: {  	v5 =	vbroadcast v0, $0x0;
	v0 =	vimm.s32 $0x0  }
0x2b8: {  	v1 =	vand.u32 $0xFFFFFFF8, v0;
	v2 =	vand.u32 $0x7, v0  }
0x2b9: {  	v4 =	vadd.s32 $0x5, v0;
	v7 =	vadd.s32 $0x2, v0;
	v3 =	vadd.s32 v61, v5  }
0x2ba: {  	v10 =	vadd.s32 $0x1, v0;
	v11 =	vadd.s32 $0x4, v0;
	v6 =	vadd.s32 v3, v1  }
0x2bb: {  	v8 =	vand.u32 $0xFFFFFFF8, v7;
	v32 =	vor.u32 v2, v6;
	v6 =	vadd.s32 $0x3, v0  }
0x2bc: {  	v7 =	vand.u32 $0x7, v7;
	v8 =	vadd.s32 v3, v8;
	v9 =	vand.u32 $0xFFFFFFF8, v6  }
0x2bd: {  	v36 =	vor.u32 v7, v8;
	v6 =	vand.u32 $0x7, v6;
	v9 =	vadd.s32 v3, v9  }
0x2be: {  	v31 =	vor.u32 v6, v9;
	v6 =	vand.u32 $0xFFFFFFF8, v10;
	v9 =	vand.u32 $0xFFFFFFF8, v11  }
0x2bf: {  	v10 =	vand.u32 $0x7, v10;
	v6 =	vadd.s32 v3, v6;
	v9 =	vadd.s32 v3, v9  }
0x2c0: {  	v37 =	vor.u32 v10, v6;
	v6 =	vand.u32 $0x7, v11;
	v10 =	vand.u32 $0xFFFFFFF8, v4  }
0x2c1: {  	v4 =	vand.u32 $0x7, v4;
	v35 =	vor.u32 v6, v9;
	v6 =	vadd.s32 v3, v10  }
0x2c2: {  	v33 =	vor.u32 v4, v6;
	v6 =	vld [tilespmem:$0x1FFD0]  }
0x2c3: {  	v9 =	vld.idx.msk [tilespmem:v36+s22+$0x0], $0xffff  }
0x2c4: {  	v4 =	vld.idx.msk [tilespmem:v32+s22+$0x0], $0xffff  }
0x2c5: {  	v7 =	vld.idx.msk [tilespmem:v31+s22+$0x0], $0xffff  }
0x2c6: {  	v13 =	vadd.s32 $0x6, v0;
	v8 =	vld.idx.msk [tilespmem:v37+s22+$0x0], $0xffff  }
0x2c7: {  	v10 =	vadd.s32 $0x7, v0;
	v0 =	vadd.s32 $0x9, v0;
	v11 =	vld.idx.msk [tilespmem:v35+s22+$0x0], $0xffff;
	v14 =	vadd.s32 v6, v5  }
0x2c8: {  	v16 =	vand.u32 $0x7, v0;
	v1 =	vadd.s32 v14, v1  }
0x2c9: {  	v17 =	vadd.s32 $0x6, v0;
	v15 =	vadd.s32 $0x2, v0;
	v12 =	vld.idx.msk [tilespmem:v33+s22+$0x0], $0xffff;
	v6 =	vor.u32 v2, v1  }
0x2ca: {  	v1 =	vand.u32 $0xFFFFFFF8, v10;
	v2 =	vand.u32 $0x7, v13;
	v13 =	vand.u32 $0xFFFFFFF8, v13  }
0x2cb: {  	v10 =	vand.u32 $0x7, v10;
	v4 =	vadd.f32 v8, v4;
	v1 =	vadd.s32 v3, v1  }
0x2cc: {  	v8 =	vsub.f32 v9, v8;
	v10 =	vor.u32 v10, v1;
	v1 =	vadd.f32 v11, v7  }
0x2cd: {  	v7 =	vadd.s32 v3, v13;
	v13 =	vadd.s32 $0x1, v0;
	v4 =	vsub.f32 $0.0e+00, v4  }
0x2ce: {  	v9 =	vsub.f32 v12, v11;
	v8 =	vmul.f32 $1.442695020e+00, v8;
	v18 =	vor.u32 v2, v7  }
0x2cf: {  	v11 =	vand.u32 $0xFFFFFFF8, v0;
	v7 =	vadd.s32 $0x4, v0;
	v1 =	vsub.f32 $0.0e+00, v1  }
0x2d0: {  	v19 =	vand.u32 $0xFFFFFFF8, v7;
	v21 =	vand.u32 $0x7, v7;
	v2 =	vmul.f32 $1.442695020e+00, v4  }
0x2d1: {  	v12 =	vmul.f32 $1.442695020e+00, v9;
	(erf) = vpow2.f32 v8;
	v4 =	vadd.s32 $0x3, v0  }
0x2d2: {  	v8 =	vadd.s32 v3, v11;
	v9 =	vand.u32 $0xFFFFFFF8, v4;
	(erf) = vpow2.f32 v2  }
0x2d3: {  	s2 =	simm.s32 $0x5B60;
	v19 =	vadd.s32 v3, v19;
	v20 =	vand.u32 $0x7, v4;
	v9 =	vadd.s32 v3, v9  }
0x2d4: {  	v24 =	vld [tilespmem:s2+$0x0];
	v1 =	vmul.f32 $1.442695020e+00, v1;
	v2 =	vadd.s32 $0x5, v0;
	v7 =	vor.u32 v20, v9  }
0x2d5: {  	v20 =	vld.idx.msk [tilespmem:v10+s22+$0x0], $0xffff;
	v9 =	vor.u32 v16, v8;
	v8 =	vor.u32 v21, v19;
	v19 =	vand.u32 $0xFFFFFFF8, v13  }
0x2d6: {  	v21 =	vadd.s32 v14, v11;
	v11 =	vand.u32 $0x7, v13;
	v22 =	vld.idx.msk [tilespmem:v18+s22+$0x0], $0xffff;
	v13 =	vadd.s32 v3, v19  }
0x2d7: {  	v30 =	vld [tilespmem:s2+$0xFFFFFFF0];
	v26 =	vadd.s32 $0x7, v0;
	v23 =	vand.u32 $0xFFFFFFF8, v2;
	v13 =	vor.u32 v11, v13  }
0x2d8: {  	v2 =	vand.u32 $0x7, v2;
	(erf) = vpow2.f32 v1;
	v1 =	vld.idx.msk [tilespmem:v6+s22+$0x0], $0xffff;
	v19 =	vand.u32 $0xFFFFFFF8, v15  }
0x2d9: {  	v4 =	vld [tilespmem:s0+$0x5AA0];
	v15 =	vand.u32 $0x7, v15;
	(erf) = vpow2.f32 v12;
	v12 =	vor.u32 v16, v21  }
0x2da: {  	v16 =	vand.u32 $0xFFFFFFF8, v26;
	v21 =	vand.u32 $0x7, v17;
	v19 =	vadd.s32 v3, v19;
	v25 =	vpop (erf)  }
0x2db: {  	v11 =	vadd.s32 v3, v23;
	v15 =	vor.u32 v15, v19;
	v19 =	vld.idx.msk [tilespmem:v9+s22+$0x0], $0xffff;
	v22 =	vadd.f32 v20, v22;
	v27 =	vpop (erf)  }
0x2dc: {  	v17 =	vand.u32 $0xFFFFFFF8, v17;
	v11 =	vor.u32 v2, v11;
	v29 =	vld.idx.msk [tilespmem:v13+s22+$0x0], $0xffff;
	v2 =	vadd.f32 $1.000000000e+00, v27  }
0x2dd: {  	v16 =	vadd.s32 v3, v16;
	v23 =	vld.idx.msk [tilespmem:v7+s22+$0x0], $0xffff;
	v1 =	vsub.f32 v1, v20;
	v22 =	vsub.f32 $0.0e+00, v22  }
0x2de: {  	v38 =	vmul.f32 v24, v4;
	v40 =	vmul.f32 v30, v4;
	v28 =	vld.idx.msk [tilespmem:v8+s22+$0x0], $0xffff;
	v2 =	vadd.f32 v2, v25  }
0x2df: {  	v34 =	vld [tilespmem:s2+$0xFFFFFFE0];
	v1 =	vmul.f32 $1.442695020e+00, v1;
	v20 =	vmul.f32 $1.442695020e+00, v22;
	v22 =	vadd.s32 $0x9, v0  }
0x2e0: {  	v44 =	vadd.s32 $0x7, v22;
	(erf) = vrcp.f32 v2;
	v2 =	vand.u32 $0x7, v26  }
0x2e1: {  	v39 =	vpop (erf);
	v19 =	vadd.f32 v29, v19;
	v26 =	vld.idx.msk [tilespmem:v11+s22+$0x0], $0xffff;
	v16 =	vor.u32 v2, v16;
	v2 =	vadd.s32 v3, v17  }
0x2e2: {  	(erf) = vpow2.f32 v20;
	v20 =	vadd.f32 $1.000000000e+00, v39;
	v17 =	vor.u32 v21, v2;
	v2 =	vld.idx.msk [tilespmem:v15+s22+$0x0], $0xffff  }
0x2e3: {  	v19 =	vsub.f32 $0.0e+00, v19;
	v21 =	vadd.f32 v28, v23;
	(erf) = vpow2.f32 v1;
	v1 =	vpop (erf)  }
0x2e4: {  	v0 =	vmul.f32 v34, v4;
	v60 =	vand.u32 $0xFFFFFFF8, v44;
	v20 =	vadd.f32 v20, v1  }
0x2e5: {  	v24 =	vmul.f32 $1.442695020e+00, v19;
	v19 =	vand.u32 $0x7, v22;
	v21 =	vsub.f32 $0.0e+00, v21  }
0x2e6: {  	v23 =	vsub.f32 v26, v28;
	(erf) = vrcp.f32 v20;
	v28 =	vand.u32 $0xFFFFFFF8, v22  }
0x2e7: {  	v20 =	vadd.s32 v3, v28;
	v28 =	vadd.s32 v14, v28;
	v2 =	vsub.f32 v2, v29  }
0x2e8: {  	v30 =	vmul.f32 $1.442695020e+00, v23;
	v23 =	vadd.s32 $0x5, v22;
	v29 =	vmul.f32 $1.442695020e+00, v21  }
0x2e9: {  	v21 =	vadd.s32 $0x2, v22;
	v20 =	vor.u32 v19, v20;
	v19 =	vor.u32 v19, v28  }
0x2ea: {  	v28 =	vadd.s32 $0x1, v22;
	v58 =	vand.u32 $0xFFFFFFF8, v21;
	v2 =	vmul.f32 $1.442695020e+00, v2  }
0x2eb: {  	v41 =	vand.u32 $0x7, v21;
	v21 =	vadd.s32 $0x4, v22;
	v47 =	vand.u32 $0x7, v28  }
0x2ec: {  	v28 =	vand.u32 $0xFFFFFFF8, v28;
	v59 =	vand.u32 $0x7, v23;
	v26 =	vpop (erf);
	(erf) = vpow2.f32 v2  }
0x2ed: {  	v63 =	vand.u32 $0xFFFFFFF8, v23;
	v46 =	vand.u32 $0xFFFFFFF8, v21;
	v42 =	vpop (erf);
	(erf) = vpow2.f32 v24  }
0x2ee: {  	v48 =	vand.u32 $0x7, v21;
	v34 =	vadd.s32 v3, v58;
	v43 =	vadd.f32 $1.000000000e+00, v42  }
0x2ef: {  	v23 =	vadd.s32 v3, v28;
	v28 =	vadd.s32 v3, v60;
	v2 =	vadd.s32 $0x3, v22;
	v45 =	vpop (erf)  }
0x2f0: {  	v0 =	vmul.f32 v26, v0;
	v24 =	vand.u32 $0xFFFFFFF8, v2;
	v43 =	vadd.f32 v43, v45  }
0x2f1: {  	v26 =	vadd.s32 $0x6, v22;
	v2 =	vand.u32 $0x7, v2;
	v24 =	vadd.s32 v3, v24  }
0x2f2: {  	v49 =	vld.idx.msk [tilespmem:v17+s22+$0x0], $0xffff;
	v46 =	vadd.s32 v3, v46;
	v21 =	vor.u32 v2, v24;
	(erf) = vrcp.f32 v43  }
0x2f3: {  	s2 =	simm.s32 $0x5B90;
	v56 =	vadd.s32 v3, v63;
	v51 =	vand.u32 $0x7, v26;
	v24 =	vor.u32 v48, v46;
	v2 =	vld.idx.msk [tilespmem:v16+s22+$0x0], $0xffff  }
0x2f4: {  	v53 =	vld [tilespmem:s2+$0x0];
	v52 =	vand.u32 $0xFFFFFFF8, v26;
	v26 =	vand.u32 $0x7, v44;
	v57 =	vmul.f32 v0, v27;
	v50 =	vpop (erf)  }
0x2f5: {  	v44 =	vld.idx.msk [tilespmem:v12+s22+$0x0], $0xffff;
	v26 =	vor.u32 v26, v28;
	(erf) = vpow2.f32 v29;
	v29 =	vor.u32 v47, v23;
	v23 =	vpop (erf)  }
0x2f6: {  	v27 =	vor.u32 v59, v56;
	v58 =	vadd.s32 v3, v52;
	v47 =	vsub.f32 $0.0e+00, v57;
	v57 =	vld [tilespmem:s2+$0xFFFFFFF0];
	v28 =	vpop (erf)  }
0x2f7: {  	v54 =	vmul.f32 v0, v25;
	v50 =	vmul.f32 v50, v40;
	v48 =	vld.idx.msk [tilespmem:v21+s22+$0x0], $0xffff;
	v59 =	vadd.f32 $1.000000000e+00, v28  }
0x2f8: {  	v25 =	vor.u32 v51, v58;
	v52 =	vld.idx.msk [tilespmem:v24+s22+$0x0], $0xffff;
	v60 =	vadd.f32 v2, v49;
	(erf) = vpow2.f32 v30  }
0x2f9: {  	v58 =	vmul.f32 v50, v39;
	v49 =	vld.idx.msk [tilespmem:v20+s22+$0x0], $0xffff;
	v30 =	vor.u32 v41, v34;
	v46 =	vadd.f32 v59, v23  }
0x2fa: {  	v1 =	vmul.f32 v50, v1;
	[tilespmem:v32+s23+$0x0] =	vst.idx.msk $0xffff, v47;
	v40 =	vld.idx.msk [tilespmem:v29+s22+$0x0], $0xffff;
	v41 =	vsub.f32 $0.0e+00, v60  }
0x2fb: {  	v2 =	vsub.f32 v44, v2;
	[tilespmem:v37+s23+$0x0] =	vst.idx.msk $0xffff, v0;
	v0 =	vsub.f32 $0.0e+00, v58;
	v63 =	vpop (erf);
	(erf) = vrcp.f32 v46  }
0x2fc: {  	[tilespmem:v36+s23+$0x0] =	vst.idx.msk $0xffff, v54;
	v41 =	vmul.f32 $1.442695020e+00, v41;
	v59 =	vld.idx.msk [tilespmem:v27+s22+$0x0], $0xffff;
	v39 =	vmul.f32 v63, v38  }
0x2fd: {  	v37 =	vld [tilespmem:s2+$0xFFFFFFE0];
	v34 =	vmul.f32 v53, v4;
	v2 =	vmul.f32 $1.442695020e+00, v2;
	[tilespmem:v31+s23+$0x0] =	vst.idx.msk $0xffff, v0  }
0x2fe: {  	v32 =	vpop (erf);
	v63 =	vadd.f32 v52, v48;
	v43 =	vld.idx.msk [tilespmem:v30+s22+$0x0], $0xffff;
	v60 =	vmul.f32 v39, v42;
	(erf) = vpow2.f32 v41  }
0x2ff: {  	[tilespmem:v35+s23+$0x0] =	vst.idx.msk $0xffff, v50;
	v35 =	vmul.f32 v57, v4;
	v44 =	vadd.f32 $1.000000000e+00, v32;
	v0 =	vadd.f32 v40, v49  }
0x300: {  	[tilespmem:v33+s23+$0x0] =	vst.idx.msk $0xffff, v1;
	v42 =	vsub.f32 $0.0e+00, v63;
	(erf) = vpow2.f32 v2;
	v41 =	vsub.f32 $0.0e+00, v60  }
0x301: {  	s15 =	simm.s32 $0x6;
	v38 =	vld.idx.msk [tilespmem:v26+s22+$0x0], $0xffff;
	v36 =	vmul.f32 v39, v45;
	v46 =	vsub.f32 $0.0e+00, v0;
	v45 =	vsub.f32 v59, v52;
	v31 =	vpop (erf)  }
.LBB2_25:
0x302: {  	s15 =	sadd.s32 $0x3, s15;
	v22 =	vadd.s32 $0x9, v22;
	v0 =	vmul.f32 v37, v4;
	v1 =	vadd.f32 v44, v31;
	s2 =	sadd.s32 $0x30, s2;
	[tilespmem:v18+s23+$0x0] =	vst.idx.msk $0xffff, v41  }
0x303: {  	v18 =	vsub.f32 v43, v40;
	v33 =	vmovc v24;
	p0 =	slt.u32 s15, $0x12;
	v2 =	vmul.f32 $1.442695020e+00, v46;
	v37 =	vmul.f32 $1.442695020e+00, v45;
	[tilespmem:v10+s23+$0x0] =	vst.idx.msk $0xffff, v39  }
0x304: {  	v10 =	vand.u32 $0x7, v22;
	v39 =	vadd.s32 $0x5, v22;
	v24 =	vpop (erf);
	(erf) = vrcp.f32 v1;
	[tilespmem:v6+s23+$0x0] =	vst.idx.msk $0xffff, v36  }
0x305: {  	v1 =	vand.u32 $0xFFFFFFF8, v22;
	v36 =	vmul.f32 $1.442695020e+00, v42;
	v6 =	vmovc v12;
	v12 =	vmovc v19;
	v0 =	vmul.f32 v24, v0  }
0x306: {  	v41 =	vmovc v13;
	v13 =	vmovc v29;
	v40 =	vadd.s32 $0x6, v22;
	v18 =	vmul.f32 $1.442695020e+00, v18;
	v19 =	vadd.s32 v3, v1  }
0x307: {  	v24 =	vadd.s32 $0x2, v22;
	v1 =	vadd.s32 v14, v1;
	v42 =	vor.u32 v10, v19;
	v45 =	vpop (erf)  }
0x308: {  	v29 =	vand.u32 $0xFFFFFFF8, v24;
	v43 =	vand.u32 $0x7, v24;
	v19 =	vor.u32 v10, v1;
	v10 =	vmovc v16;
	v16 =	vmovc v26  }
0x309: {  	v1 =	vadd.s32 $0x1, v22;
	v26 =	vadd.s32 $0x7, v22;
	(erf) = vpow2.f32 v18;
	v46 =	vpop (erf)  }
0x30a: {  	v47 =	vmovc v11;
	v11 =	vmovc v27;
	v49 =	vadd.s32 $0x3, v22;
	v24 =	vadd.s32 $0x4, v22;
	v44 =	vadd.f32 $1.000000000e+00, v45  }
0x30b: {  	v27 =	vand.u32 $0xFFFFFFF8, v49;
	v48 =	vand.u32 $0xFFFFFFF8, v24;
	(erf) = vpow2.f32 v2;
	v2 =	vmovc v15;
	v15 =	vmovc v30  }
0x30c: {  	v53 =	vadd.s32 v3, v48;
	v18 =	vmovc v17;
	v17 =	vmovc v25;
	v52 =	vadd.f32 v44, v46;
	v30 =	vand.u32 $0x7, v49  }
0x30d: {  	v27 =	vadd.s32 v3, v27;
	v24 =	vand.u32 $0x7, v24;
	v49 =	vand.u32 $0x7, v1;
	v50 =	vpop (erf)  }
0x30e: {  	v24 =	vor.u32 v24, v53;
	v48 =	vmovc v38;
	v51 =	vor.u32 v30, v27;
	v44 =	vmovc v34;
	(erf) = vrcp.f32 v52  }
0x30f: {  	v1 =	vand.u32 $0xFFFFFFF8, v1;
	v27 =	vand.u32 $0x7, v39;
	v30 =	vand.u32 $0xFFFFFFF8, v26  }
0x310: {  	v38 =	vand.u32 $0xFFFFFFF8, v39;
	v34 =	vadd.s32 v3, v29;
	v39 =	vand.u32 $0x7, v40;
	v52 =	vld.idx.msk [tilespmem:v25+s22+$0x0], $0xffff  }
0x311: {  	v1 =	vadd.s32 v3, v1;
	v25 =	vand.u32 $0xFFFFFFF8, v40;
	v53 =	vld [tilespmem:s2+$0x0];
	(erf) = vpow2.f32 v36  }
0x312: {  	v29 =	vor.u32 v49, v1;
	v1 =	vand.u32 $0x7, v26;
	v26 =	vadd.s32 v3, v30;
	v36 =	vld.idx.msk [tilespmem:v12+s22+$0x0], $0xffff;
	v49 =	vpop (erf)  }
0x313: {  	v30 =	vadd.s32 v3, v38;
	v26 =	vor.u32 v1, v26;
	v1 =	vmul.f32 v0, v28;
	v54 =	vld.idx.msk [tilespmem:v51+s22+$0x0], $0xffff  }
0x314: {  	v27 =	vor.u32 v27, v30;
	v25 =	vadd.s32 v3, v25;
	v55 =	vld.idx.msk [tilespmem:v24+s22+$0x0], $0xffff;
	v28 =	vpop (erf);
	(erf) = vpow2.f32 v37  }
0x315: {  	v30 =	vor.u32 v43, v34;
	v25 =	vor.u32 v39, v25;
	v34 =	vadd.f32 $1.000000000e+00, v28;
	v56 =	vld [tilespmem:s2+$0xFFFFFFF0]  }
0x316: {  	v35 =	vmul.f32 v50, v35;
	v1 =	vsub.f32 $0.0e+00, v1;
	v37 =	vadd.f32 v48, v52;
	v57 =	vld.idx.msk [tilespmem:v42+s22+$0x0], $0xffff  }
0x317: {  	v40 =	vld.idx.msk [tilespmem:v29+s22+$0x0], $0xffff;
	v39 =	vadd.f32 v34, v49;
	v34 =	vmul.f32 v53, v4;
	v43 =	vpop (erf)  }
0x318: {  	v50 =	vmul.f32 v0, v23;
	v23 =	vmovc v49;
	v52 =	vmul.f32 v35, v32;
	v37 =	vsub.f32 $0.0e+00, v37;
	v38 =	vld.idx.msk [tilespmem:v26+s22+$0x0], $0xffff  }
0x319: {  	v49 =	vld.idx.msk [tilespmem:v27+s22+$0x0], $0xffff;
	(erf) = vrcp.f32 v39;
	[tilespmem:v9+s23+$0x0] =	vst.idx.msk $0xffff, v1;
	v39 =	vmul.f32 v43, v44;
	v9 =	vmov v20  }
0x31a: {  	v48 =	vsub.f32 v36, v48;
	v1 =	vmul.f32 $1.442695020e+00, v37;
	v43 =	vld.idx.msk [tilespmem:v30+s22+$0x0], $0xffff;
	v32 =	vpop (erf);
	[tilespmem:v41+s23+$0x0] =	vst.idx.msk $0xffff, v0;
	v0 =	vsub.f32 $0.0e+00, v52  }
.Ltmp15:
0x31b: {  	v37 =	vld [tilespmem:s2+$0xFFFFFFE0];
	v44 =	vadd.f32 $1.000000000e+00, v32;
	[tilespmem:v2+s23+$0x0] =	vst.idx.msk $0xffff, v50;
	v2 =	vmul.f32 v39, v45;
	v36 =	vmul.f32 v39, v46;
	(pc) =	sbr.rel @p0 .LBB2_25-.Ltmp15, $4  }
0x31c: {  	v20 =	vmovc v42;
	v41 =	vadd.f32 v55, v54;
	v45 =	vmul.f32 $1.442695020e+00, v48;
	(erf) = vpow2.f32 v1;
	[tilespmem:v7+s23+$0x0] =	vst.idx.msk $0xffff, v0  }
0x31d: {  	v0 =	vadd.f32 v40, v57;
	v1 =	vmul.f32 v35, v31;
	v7 =	vmov v21;
	v31 =	vpop (erf);
	[tilespmem:v8+s23+$0x0] =	vst.idx.msk $0xffff, v35  }
0x31e: {  	v42 =	vsub.f32 $0.0e+00, v41;
	v21 =	vmovc v51;
	v41 =	vsub.f32 $0.0e+00, v2;
	v8 =	vmovc v33;
	(erf) = vpow2.f32 v45  }
0x31f: {  	v35 =	vmul.f32 v56, v4;
	v46 =	vsub.f32 $0.0e+00, v0;
	v45 =	vsub.f32 v49, v55;
	[tilespmem:v47+s23+$0x0] =	vst.idx.msk $0xffff, v1  }
0x320: {  	v0 =	vsub.f32 v43, v40  }
0x321: {  	v1 =	vadd.f32 v44, v31  }
0x322: {  	v0 =	vmul.f32 $1.442695020e+00, v0  }
0x323: {  	v2 =	vmul.f32 $1.442695020e+00, v46;
	(erf) = vrcp.f32 v1  }
0x324: {  	(erf) = vpow2.f32 v0  }
0x325: {  	(erf) = vpow2.f32 v2;
	_ =	sdelay $0x3  }
0x326: {  	v1 =	vld.idx.msk [tilespmem:v25+s22+$0x0], $0xffff;
	v0 =	vpop (erf)  }
0x327: {  	v2 =	vpop (erf)  }
0x328: {  	v14 =	vpop (erf)  }
0x329: {  	v22 =	vadd.f32 $1.000000000e+00, v2;
	v33 =	vpop (erf)  }
0x32a: {  	v58 =	vld.idx.msk [tilespmem:v19+s22+$0x0], $0xffff;
	v59 =	vpop (erf)  }
0x32b: {  	v1 =	vadd.f32 v38, v1;
	v22 =	vadd.f32 v22, v14;
	v60 =	vpop (erf)  }
0x32c: {  	v42 =	vmul.f32 $1.442695020e+00, v42;
	v63 =	vadd.f32 $1.000000000e+00, v60  }
0x32d: {  	v45 =	vmul.f32 $1.442695020e+00, v45;
	v1 =	vsub.f32 $0.0e+00, v1;
	(erf) = vrcp.f32 v22  }
0x32e: {  	(erf) = vpow2.f32 v42;
	v22 =	vadd.f32 v63, v59  }
0x32f: {  	v46 =	vsub.f32 v58, v38;
	v1 =	vmul.f32 $1.442695020e+00, v1;
	(erf) = vpow2.f32 v45  }
0x330: {  	(erf) = vrcp.f32 v22  }
0x331: {  	v22 =	vmul.f32 $1.442695020e+00, v46;
	(erf) = vpow2.f32 v1;
	_ =	sdelay $0x1  }
0x332: {  	(erf) = vpow2.f32 v22;
	_ =	sdelay $0x2  }
0x333: {  	v37 =	vmul.f32 v37, v4;
	v1 =	vpop (erf)  }
0x334: {  	v22 =	vpop (erf)  }
0x335: {  	v0 =	vmul.f32 v0, v37;
	v47 =	vadd.f32 $1.000000000e+00, v22;
	v48 =	vpop (erf)  }
0x336: {  	v49 =	vpop (erf)  }
0x337: {  	v28 =	vmul.f32 v0, v28;
	v50 =	vadd.f32 v47, v48;
	v51 =	vpop (erf)  }
0x338: {  	s2 =	sadd.s32 $0x30, s2;
	[tilespmem:v18+s23+$0x0] =	vst.idx.msk $0xffff, v41;
	v18 =	vmul.f32 v33, v35;
	v52 =	vadd.f32 $1.000000000e+00, v51  }
0x339: {  	v53 =	vld [tilespmem:s2+$0xFFFFFFE0];
	[tilespmem:v10+s23+$0x0] =	vst.idx.msk $0xffff, v39;
	v10 =	vsub.f32 $0.0e+00, v28;
	(erf) = vrcp.f32 v50;
	v54 =	vpop (erf)  }
0x33a: {  	[tilespmem:v6+s23+$0x0] =	vst.idx.msk $0xffff, v36;
	v28 =	vmul.f32 v18, v32;
	v55 =	vadd.f32 v52, v54  }
0x33b: {  	[tilespmem:v9+s23+$0x0] =	vst.idx.msk $0xffff, v10  }
0x33c: {  	v6 =	vld [tilespmem:s2+$0xFFFFFFF0];
	v23 =	vmul.f32 v0, v23;
	[tilespmem:v13+s23+$0x0] =	vst.idx.msk $0xffff, v0;
	v0 =	vsub.f32 $0.0e+00, v28;
	(erf) = vrcp.f32 v55  }
0x33d: {  	v1 =	vmul.f32 v1, v34  }
0x33e: {  	v9 =	vmul.f32 v53, v4;
	[tilespmem:v7+s23+$0x0] =	vst.idx.msk $0xffff, v0;
	v0 =	vmul.f32 v18, v31  }
0x33f: {  	v10 =	vld [tilespmem:s2+$0x0];
	v2 =	vmul.f32 v1, v2  }
0x340: {  	[tilespmem:v15+s23+$0x0] =	vst.idx.msk $0xffff, v23;
	v7 =	vmul.f32 v49, v9  }
0x341: {  	v6 =	vmul.f32 v6, v4;
	[tilespmem:v8+s23+$0x0] =	vst.idx.msk $0xffff, v18;
	v2 =	vsub.f32 $0.0e+00, v2  }
0x342: {  	[tilespmem:v11+s23+$0x0] =	vst.idx.msk $0xffff, v0;
	v8 =	vmul.f32 v7, v60;
	v0 =	vpop (erf)  }
0x343: {  	[tilespmem:v17+s23+$0x0] =	vst.idx.msk $0xffff, v2;
	v9 =	vmul.f32 v1, v14;
	v0 =	vmul.f32 v0, v6  }
0x344: {  	v2 =	vmul.f32 v10, v4;
	[tilespmem:v16+s23+$0x0] =	vst.idx.msk $0xffff, v1;
	v1 =	vsub.f32 $0.0e+00, v8  }
0x345: {  	[tilespmem:v12+s23+$0x0] =	vst.idx.msk $0xffff, v9;
	v8 =	vmul.f32 v0, v22;
	v6 =	vpop (erf)  }
0x346: {  	v9 =	vmul.f32 v7, v59;
	[tilespmem:v20+s23+$0x0] =	vst.idx.msk $0xffff, v1;
	v1 =	vmul.f32 v6, v2  }
0x347: {  	[tilespmem:v29+s23+$0x0] =	vst.idx.msk $0xffff, v7;
	v2 =	vsub.f32 $0.0e+00, v8  }
0x348: {  	[tilespmem:v30+s23+$0x0] =	vst.idx.msk $0xffff, v9;
	v6 =	vmul.f32 v1, v51  }
0x349: {  	[tilespmem:v21+s23+$0x0] =	vst.idx.msk $0xffff, v2;
	v2 =	vmul.f32 v0, v48  }
0x34a: {  	v5 =	vadd.s32 v62, v5;
	[tilespmem:v24+s23+$0x0] =	vst.idx.msk $0xffff, v0;
	v0 =	vsub.f32 $0.0e+00, v6  }
0x34b: {  	[tilespmem:v27+s23+$0x0] =	vst.idx.msk $0xffff, v2  }
0x34c: {  	v2 =	vmul.f32 v1, v54;
	[tilespmem:v25+s23+$0x0] =	vst.idx.msk $0xffff, v0  }
0x34d: {  	[tilespmem:v26+s23+$0x0] =	vst.idx.msk $0xffff, v1  }
0x34e: {  	[tilespmem:v19+s23+$0x0] =	vst.idx.msk $0xffff, v2  }
0x34f: {  	v1 =	vor.u32 $0x1, v3;
	v0 =	vld.idx.msk [tilespmem:v5+s22+$0x0], $0xffff  }
0x350: {  	v2 =	vld.idx.msk [tilespmem:v3+s22+$0x0], $0xffff;
	_ =	sdelay $0x3  }
0x351: {  	v6 =	vld.idx.msk [tilespmem:v1+s22+$0x0], $0xffff  }
0x352: {  	v0 =	vadd.f32 v2, v0;
	_ =	sdelay $0x1  }
0x353: {  	v0 =	vsub.f32 $0.0e+00, v0;
	_ =	sdelay $0x1  }
0x354: {  	v2 =	vsub.f32 v6, v2;
	v0 =	vmul.f32 $1.442695020e+00, v0;
	_ =	sdelay $0x1  }
0x355: {  	(erf) = vpow2.f32 v0;
	v0 =	vmul.f32 $1.442695020e+00, v2;
	_ =	sdelay $0x1  }
0x356: {  	(erf) = vpow2.f32 v0;
	_ =	sdelay $0x6  }
0x357: {  	v0 =	vpop (erf)  }
0x358: {  	v2 =	vadd.f32 $1.000000000e+00, v0  }
0x359: {  	v6 =	vpop (erf)  }
0x35a: {  	v2 =	vadd.f32 v2, v6;
	_ =	sdelay $0x1  }
0x35b: {  	(erf) = vrcp.f32 v2;
	_ =	sdelay $0x2  }
0x35c: {  	v2 =	vld [tilespmem:$0x5C90];
	_ =	sdelay $0x4  }
0x35d: {  	v2 =	vmul.f32 v2, v4  }
0x35e: {  	v7 =	vpop (erf)  }
0x35f: {  	v2 =	vmul.f32 v7, v2;
	_ =	sdelay $0x1  }
0x360: {  	v0 =	vmul.f32 v2, v0;
	_ =	sdelay $0x1  }
0x361: {  	v7 =	vimm.s32 $0x2;
	v0 =	vsub.f32 $0.0e+00, v0  }
0x362: {  	v8 =	vand.u32 $0xFFFFFFF8, v7  }
0x363: {  	v9 =	vand.u32 $0x6, v7;
	v8 =	vadd.s32 v3, v8;
	v6 =	vmul.f32 v2, v6;
	[tilespmem:v5+s23+$0x0] =	vst.idx.msk $0xffff, v0  }
0x364: {  	v27 =	vor.u32 v9, v8;
	v0 =	vadd.s32 $0x4, v7;
	[tilespmem:v3+s23+$0x0] =	vst.idx.add.f32.msk $0xffff, v2  }
0x365: {  	v25 =	vor.u32 $0x1, v27;
	v2 =	vand.u32 $0xFFFFFFF8, v0;
	[tilespmem:v1+s23+$0x0] =	vst.idx.add.f32.msk $0xffff, v6;
	v1 =	vadd.s32 $0x3, v7  }
0x366: {  	s10 =	simm.s32 $0x5CB0;
	v0 =	vand.u32 $0x6, v0;
	v2 =	vadd.s32 v3, v2;
	v6 =	vand.u32 $0xFFFFFFF8, v1  }
0x367: {  	v5 =	vld [tilespmem:s10+$0x0];
	v1 =	vand.u32 $0x7, v1;
	v15 =	vor.u32 v0, v2;
	v6 =	vadd.s32 v3, v6  }
0x368: {  	v2 =	vadd.s32 $0x5, v7;
	v21 =	vor.u32 v1, v6  }
0x369: {  	v8 =	vadd.s32 $0x2, v7;
	v0 =	vld.idx.msk [tilespmem:v27+s22+$0x0], $0xffff;
	v6 =	vand.u32 $0xFFFFFFF8, v2  }
0x36a: {  	v9 =	vand.u32 $0xFFFFFFF8, v8;
	v1 =	vld.idx.msk [tilespmem:v25+s22+$0x0], $0xffff;
	v2 =	vand.u32 $0x7, v2;
	v6 =	vadd.s32 v3, v6  }
0x36b: {  	v19 =	vor.u32 v2, v6;
	v2 =	vand.u32 $0x6, v8;
	v6 =	vadd.s32 v3, v9  }
0x36c: {  	v28 =	vmul.f32 v5, v4;
	v5 =	vld.idx.msk [tilespmem:v15+s22+$0x0], $0xffff;
	v23 =	vor.u32 v2, v6;
	v2 =	vadd.s32 $0x6, v7  }
0x36d: {  	s6 =	simm.s32 $0x5CD0;
	v6 =	vadd.s32 $0x2, v2;
	v7 =	vld.idx.msk [tilespmem:v21+s22+$0x0], $0xffff  }
0x36e: {  	v9 =	vld [tilespmem:s6+$0x0];
	v8 =	vand.u32 $0x6, v2;
	v10 =	vand.u32 $0xFFFFFFF8, v2;
	v12 =	vadd.s32 $0x5, v2  }
0x36f: {  	v16 =	vadd.s32 $0x4, v2;
	v0 =	vadd.f32 v1, v0;
	v10 =	vadd.s32 v3, v10  }
0x370: {  	v11 =	vand.u32 $0x6, v6;
	v6 =	vand.u32 $0xFFFFFFF8, v6;
	v18 =	vor.u32 v8, v10;
	v10 =	vld.idx.msk [tilespmem:v19+s22+$0x0], $0xffff  }
0x371: {  	v13 =	vand.u32 $0xFFFFFFF8, v12;
	v14 =	vadd.s32 v3, v6;
	v8 =	vadd.s32 $0x3, v2  }
0x372: {  	v20 =	vadd.s32 v3, v13;
	v6 =	vor.u32 $0x1, v18;
	v7 =	vadd.f32 v5, v7  }
0x373: {  	v17 =	vand.u32 $0xFFFFFFF8, v8;
	v8 =	vand.u32 $0x7, v8;
	v13 =	vmul.f32 v9, v4;
	v22 =	vld.idx.msk [tilespmem:v23+s22+$0x0], $0xffff  }
0x374: {  	v0 =	vsub.f32 $0.0e+00, v0;
	v9 =	vadd.s32 v3, v17;
	v7 =	vsub.f32 $0.0e+00, v7  }
0x375: {  	v11 =	vor.u32 v11, v14;
	v8 =	vor.u32 v8, v9;
	v5 =	vsub.f32 v10, v5  }
0x376: {  	v9 =	vand.u32 $0xFFFFFFF8, v16;
	v0 =	vmul.f32 $1.442695020e+00, v0;
	v7 =	vmul.f32 $1.442695020e+00, v7  }
0x377: {  	v9 =	vadd.s32 v3, v9;
	v17 =	vld.idx.msk [tilespmem:v18+s22+$0x0], $0xffff;
	v10 =	vand.u32 $0x6, v16;
	v5 =	vmul.f32 $1.442695020e+00, v5  }
0x378: {  	v24 =	vld.idx.msk [tilespmem:v6+s22+$0x0], $0xffff;
	v9 =	vor.u32 v10, v9;
	v1 =	vsub.f32 v22, v1;
	(erf) = vpow2.f32 v7  }
0x379: {  	v2 =	vadd.s32 $0x6, v2;
	v10 =	vand.u32 $0x7, v12;
	(erf) = vpow2.f32 v5  }
0x37a: {  	v22 =	vadd.s32 $0x3, v2;
	(erf) = vpow2.f32 v0;
	v0 =	vmul.f32 $1.442695020e+00, v1  }
0x37b: {  	s2 =	simm.s32 $0x5CF0;
	v39 =	vld.idx.msk [tilespmem:v11+s22+$0x0], $0xffff;
	v12 =	vand.u32 $0x6, v2;
	v30 =	vand.u32 $0xFFFFFFF8, v22;
	v7 =	vor.u32 v10, v20  }
0x37c: {  	v14 =	vld [tilespmem:s2+$0x0];
	v10 =	vand.u32 $0xFFFFFFF8, v2;
	v5 =	vadd.s32 $0x2, v2;
	(erf) = vpow2.f32 v0  }
0x37d: {  	v1 =	vadd.f32 v24, v17;
	v20 =	vld.idx.msk [tilespmem:v9+s22+$0x0], $0xffff;
	v26 =	vand.u32 $0x6, v5;
	v5 =	vand.u32 $0xFFFFFFF8, v5  }
0x37e: {  	v22 =	vand.u32 $0x7, v22;
	v29 =	vadd.s32 v3, v5;
	v5 =	vld.idx.msk [tilespmem:v8+s22+$0x0], $0xffff;
	v0 =	vadd.s32 v3, v10  }
0x37f: {  	v17 =	vadd.s32 $0x4, v2;
	v1 =	vsub.f32 $0.0e+00, v1;
	v12 =	vor.u32 v12, v0  }
0x380: {  	v24 =	vsub.f32 v39, v24;
	v0 =	vadd.s32 $0x5, v2;
	v10 =	vor.u32 $0x1, v12  }
0x381: {  	v16 =	vand.u32 $0xFFFFFFF8, v0;
	v1 =	vmul.f32 $1.442695020e+00, v1;
	v0 =	vand.u32 $0x7, v0;
	v35 =	vpop (erf)  }
0x382: {  	v31 =	vadd.s32 v3, v16;
	v16 =	vmul.f32 v14, v4;
	v14 =	vadd.s32 v3, v30;
	v30 =	vld.idx.msk [tilespmem:v7+s22+$0x0], $0xffff;
	v44 =	vpop (erf)  }
0x383: {  	v60 =	vld [tilespmem:s10+$0xFFFFFFF0];
	v14 =	vor.u32 v22, v14;
	v57 =	vadd.f32 v20, v5;
	v58 =	vadd.f32 $1.000000000e+00, v35;
	v37 =	vpop (erf)  }
0x384: {  	v22 =	vand.u32 $0xFFFFFFF8, v17;
	v17 =	vand.u32 $0x6, v17;
	v56 =	vld.idx.msk [tilespmem:v12+s22+$0x0], $0xffff;
	v59 =	vadd.f32 $1.000000000e+00, v37  }
0x385: {  	v22 =	vadd.s32 v3, v22;
	v33 =	vsub.f32 $0.0e+00, v57;
	v5 =	vld.idx.msk [tilespmem:v10+s22+$0x0], $0xffff;
	v34 =	vadd.f32 v58, v44;
	v62 =	vpop (erf)  }
0x386: {  	v17 =	vor.u32 v17, v22;
	v22 =	vor.u32 v0, v31;
	v0 =	vadd.f32 v59, v62  }
0x387: {  	v20 =	vsub.f32 v30, v20;
	v30 =	vmul.f32 $1.442695020e+00, v33;
	(erf) = vrcp.f32 v34  }
0x388: {  	v29 =	vor.u32 v26, v29;
	v31 =	vmul.f32 v60, v4;
	(erf) = vrcp.f32 v0  }
0x389: {  	v0 =	vadd.s32 $0x6, v2;
	v2 =	vmul.f32 $1.442695020e+00, v20;
	(erf) = vpow2.f32 v30  }
0x38a: {  	v30 =	vadd.f32 v5, v56;
	v20 =	vadd.s32 $0x2, v0;
	v52 =	vadd.s32 $0x5, v0  }
0x38b: {  	v53 =	vand.u32 $0xFFFFFFF8, v0;
	(erf) = vpow2.f32 v2;
	v47 =	vand.u32 $0x6, v20  }
0x38c: {  	(erf) = vpow2.f32 v1;
	v1 =	vand.u32 $0xFFFFFFF8, v20;
	v20 =	vmul.f32 $1.442695020e+00, v24  }
0x38d: {  	v54 =	vadd.s32 $0x3, v0;
	v2 =	vand.u32 $0x6, v0;
	v26 =	vand.u32 $0xFFFFFFF8, v52  }
0x38e: {  	v41 =	vld.idx.msk [tilespmem:v14+s22+$0x0], $0xffff;
	v55 =	vand.u32 $0xFFFFFFF8, v54;
	v42 =	vand.u32 $0x7, v52;
	(erf) = vpow2.f32 v20  }
0x38f: {  	v46 =	vld.idx.msk [tilespmem:v17+s22+$0x0], $0xffff;
	v24 =	vadd.s32 $0x4, v0;
	v48 =	vadd.s32 v3, v26;
	v20 =	vadd.s32 v3, v53  }
0x390: {  	s15 =	simm.s32 $0x5D10;
	v58 =	vadd.s32 v3, v55;
	v30 =	vsub.f32 $0.0e+00, v30;
	v26 =	vor.u32 v2, v20  }
0x391: {  	v63 =	vld [tilespmem:s15+$0x0];
	v1 =	vadd.s32 v3, v1;
	v2 =	vand.u32 $0x7, v54;
	v56 =	vpop (erf);
	v33 =	vor.u32 $0x1, v26  }
0x392: {  	v34 =	vor.u32 v2, v58;
	v2 =	vand.u32 $0xFFFFFFF8, v24;
	v24 =	vand.u32 $0x6, v24;
	v57 =	vpop (erf)  }
0x393: {  	v39 =	vmul.f32 $1.442695020e+00, v30;
	v2 =	vadd.s32 v3, v2;
	v49 =	vmul.f32 v57, v31;
	v36 =	vpop (erf)  }
0x394: {  	v30 =	vmul.f32 v56, v28;
	v32 =	vor.u32 v24, v2;
	v2 =	vadd.f32 v46, v41;
	v31 =	vld.idx.msk [tilespmem:v22+s22+$0x0], $0xffff;
	v38 =	vpop (erf)  }
0x395: {  	v28 =	vor.u32 v42, v48;
	v42 =	vld [tilespmem:s6+$0xFFFFFFF0];
	v50 =	vadd.f32 $1.000000000e+00, v36;
	v24 =	vpop (erf);
	v51 =	vmul.f32 v49, v37  }
0x396: {  	v20 =	vmul.f32 v63, v4;
	v43 =	vld.idx.msk [tilespmem:v26+s22+$0x0], $0xffff;
	v2 =	vsub.f32 $0.0e+00, v2;
	v52 =	vadd.f32 $1.000000000e+00, v24  }
0x397: {  	v63 =	vmul.f32 v30, v35;
	v40 =	vld.idx.msk [tilespmem:v33+s22+$0x0], $0xffff;
	v59 =	vadd.f32 v50, v38;
	v37 =	vpop (erf);
	v60 =	vsub.f32 $0.0e+00, v51  }
0x398: {  	v41 =	vld.idx.msk [tilespmem:v29+s22+$0x0], $0xffff;
	v35 =	vor.u32 v47, v1;
	v45 =	vmul.f32 v49, v62;
	v62 =	vadd.f32 v52, v37  }
0x399: {  	v2 =	vmul.f32 $1.442695020e+00, v2;
	v53 =	vsub.f32 v31, v46;
	(erf) = vrcp.f32 v59;
	[tilespmem:v27+s23+$0x0] =	vst.idx.add.f32.msk $0xffff, v60  }
0x39a: {  	v58 =	vsub.f32 $0.0e+00, v63;
	v46 =	vmul.f32 v30, v44;
	v27 =	vld.idx.msk [tilespmem:v32+s22+$0x0], $0xffff;
	(erf) = vrcp.f32 v62  }
0x39b: {  	s10 =	simm.s32 $0x5D30;
	s6 =	simm.s32 $0x1C;
	v31 =	vadd.s32 $0x6, v0;
	v44 =	vmul.f32 $1.442695020e+00, v53;
	[tilespmem:v25+s23+$0x0] =	vst.idx.add.f32.msk $0xffff, v49;
	(erf) = vpow2.f32 v2  }
.LBB2_27:
0x39c: {  	v0 =	vadd.f32 v40, v43;
	v1 =	vmul.f32 v42, v4;
	v2 =	vmov v10  }
0x39d: {  	s6 =	sadd.s32 $0x2, s6;
	[tilespmem:v21+s23+$0x0] =	vst.idx.add.f32.msk $0xffff, v58;
	v10 =	vmovc v33;
	v21 =	vmovc v8;
	v8 =	vmov v14;
	v14 =	vmov v34;
	v25 =	vmov v38  }
0x39e: {  	v33 =	vadd.s32 $0x2, v31;
	v34 =	vsub.f32 v41, v5;
	v5 =	vmovc v40;
	p0 =	slt.u32 s6, $0x1E;
	(erf) = vpow2.f32 v44;
	[tilespmem:v23+s23+$0x0] =	vst.idx.add.f32.msk $0xffff, v45  }
0x39f: {  	v38 =	vand.u32 $0x6, v31;
	v44 =	vand.u32 $0x6, v33;
	v23 =	vmovc v11;
	v11 =	vmovc v29;
	v40 =	vld [tilespmem:s10+$0x0];
	(erf) = vpow2.f32 v39  }
0x3a0: {  	v42 =	vadd.s32 $0x5, v31;
	v29 =	vand.u32 $0xFFFFFFF8, v33;
	v33 =	vmul.f32 $1.442695020e+00, v34;
	[tilespmem:v15+s23+$0x0] =	vst.idx.add.f32.msk $0xffff, v30;
	v15 =	vmovc v9;
	v9 =	vmovc v17  }
0x3a1: {  	v47 =	vadd.s32 v3, v29;
	v29 =	vand.u32 $0xFFFFFFF8, v42;
	v30 =	vadd.s32 $0x4, v31;
	v17 =	vmovc v32;
	[tilespmem:v19+s23+$0x0] =	vst.idx.add.f32.msk $0xffff, v46  }
0x3a2: {  	v34 =	vadd.s32 $0x3, v31;
	v32 =	vand.u32 $0xFFFFFFF8, v31;
	v19 =	vmovc v7;
	v7 =	vmovc v22;
	v43 =	vld.idx.msk [tilespmem:v14+s22+$0x0], $0xffff;
	(erf) = vpow2.f32 v33  }
0x3a3: {  	v22 =	vadd.s32 v3, v32;
	v32 =	vand.u32 $0xFFFFFFF8, v34;
	v46 =	vadd.s32 v3, v29;
	v45 =	vpop (erf)  }
0x3a4: {  	v48 =	vor.u32 v38, v22;
	v38 =	vand.u32 $0x7, v34;
	v49 =	vmul.f32 v40, v4;
	v29 =	vpop (erf)  }
0x3a5: {  	v0 =	vsub.f32 $0.0e+00, v0;
	v32 =	vadd.s32 v3, v32;
	v33 =	vor.u32 $0x1, v48;
	v50 =	vpop (erf)  }
0x3a6: {  	v34 =	vor.u32 v38, v32;
	v32 =	vand.u32 $0xFFFFFFF8, v30;
	v22 =	vmovc v28;
	v1 =	vmul.f32 v29, v1;
	v29 =	vmovc v35  }
0x3a7: {  	v39 =	vmul.f32 $1.442695020e+00, v0;
	v30 =	vand.u32 $0x6, v30;
	v32 =	vadd.s32 v3, v32;
	v0 =	vld.idx.msk [tilespmem:v28+s22+$0x0], $0xffff;
	v38 =	vpop (erf)  }
0x3a8: {  	v32 =	vor.u32 v30, v32;
	v28 =	vadd.f32 v27, v43;
	v41 =	vld.idx.msk [tilespmem:v35+s22+$0x0], $0xffff;
	v35 =	vadd.f32 $1.000000000e+00, v50;
	v51 =	vpop (erf)  }
0x3a9: {  	v42 =	vand.u32 $0x7, v42;
	v30 =	vmul.f32 v45, v13;
	v13 =	vmovc v16;
	v54 =	vmul.f32 v1, v24;
	v43 =	vld.idx.msk [tilespmem:v48+s22+$0x0], $0xffff  }
0x3aa: {  	v16 =	vmovc v20;
	v20 =	vmovc v49;
	v45 =	vmul.f32 v1, v37;
	v52 =	vsub.f32 $0.0e+00, v28;
	v53 =	vadd.f32 $1.000000000e+00, v51;
	v40 =	vld.idx.msk [tilespmem:v33+s22+$0x0], $0xffff  }
.Ltmp16:
0x3ab: {  	v28 =	vor.u32 v42, v46;
	v46 =	vsub.f32 $0.0e+00, v54;
	v35 =	vadd.f32 v35, v38;
	v42 =	vld [tilespmem:s2+$0xFFFFFFF0];
	v37 =	vpop (erf);
	s2 =	smov.u32 s15;
	s15 =	smov.u32 s10;
	(pc) =	sbr.rel @p0 .LBB2_27-.Ltmp16, $4  }
0x3ac: {  	v24 =	vmovc v51;
	v49 =	vmul.f32 $1.442695020e+00, v52;
	v52 =	vadd.f32 v53, v37;
	v53 =	vmul.f32 v30, v36;
	v36 =	vmovc v50  }
0x3ad: {  	v0 =	vsub.f32 v0, v27;
	(erf) = vrcp.f32 v35;
	[tilespmem:v18+s23+$0x0] =	vst.idx.add.f32.msk $0xffff, v46;
	v46 =	vmul.f32 v30, v25  }
0x3ae: {  	v35 =	vor.u32 v44, v47;
	v18 =	vmovc v12;
	v12 =	vmovc v26;
	v27 =	vld.idx.msk [tilespmem:v32+s22+$0x0], $0xffff;
	(erf) = vrcp.f32 v52;
	v58 =	vsub.f32 $0.0e+00, v53  }
0x3af: {  	v31 =	vadd.s32 $0x6, v31;
	s10 =	sadd.s32 $0x20, s10;
	v26 =	vmovc v48;
	v44 =	vmul.f32 $1.442695020e+00, v0;
	(erf) = vpow2.f32 v49;
	[tilespmem:v6+s23+$0x0] =	vst.idx.add.f32.msk $0xffff, v1;
	v6 =	vmovc v2  }
0x3b0: {  	v0 =	vsub.f32 v41, v5  }
0x3b1: {  	(erf) = vpow2.f32 v44  }
0x3b2: {  	(erf) = vpow2.f32 v39;
	v0 =	vmul.f32 $1.442695020e+00, v0;
	_ =	sdelay $0x1  }
0x3b3: {  	(erf) = vpow2.f32 v0;
	_ =	sdelay $0x1  }
0x3b4: {  	v0 =	vld.idx.msk [tilespmem:v34+s22+$0x0], $0xffff  }
0x3b5: {  	v1 =	vpop (erf)  }
0x3b6: {  	v2 =	vpop (erf)  }
0x3b7: {  	v3 =	vld.idx.msk [tilespmem:v28+s22+$0x0], $0xffff;
	v48 =	vpop (erf)  }
0x3b8: {  	v47 =	vpop (erf)  }
0x3b9: {  	v0 =	vadd.f32 v27, v0;
	v5 =	vadd.f32 $1.000000000e+00, v48;
	v49 =	vpop (erf)  }
0x3ba: {  	v25 =	vadd.f32 v40, v43;
	v31 =	vld.idx.msk [tilespmem:v35+s22+$0x0], $0xffff;
	v62 =	vadd.f32 $1.000000000e+00, v49  }
0x3bb: {  	v0 =	vsub.f32 $0.0e+00, v0;
	v5 =	vadd.f32 v5, v47;
	v50 =	vpop (erf)  }
0x3bc: {  	v3 =	vsub.f32 v3, v27;
	v39 =	vadd.f32 v62, v50  }
0x3bd: {  	v25 =	vsub.f32 $0.0e+00, v25;
	v0 =	vmul.f32 $1.442695020e+00, v0;
	(erf) = vrcp.f32 v5  }
0x3be: {  	v3 =	vmul.f32 $1.442695020e+00, v3;
	(erf) = vrcp.f32 v39  }
0x3bf: {  	v5 =	vmul.f32 $1.442695020e+00, v25;
	(erf) = vpow2.f32 v0;
	v0 =	vsub.f32 v31, v40  }
0x3c0: {  	(erf) = vpow2.f32 v3  }
0x3c1: {  	(erf) = vpow2.f32 v5;
	v0 =	vmul.f32 $1.442695020e+00, v0;
	_ =	sdelay $0x1  }
0x3c2: {  	(erf) = vpow2.f32 v0;
	_ =	sdelay $0x2  }
0x3c3: {  	v0 =	vpop (erf)  }
0x3c4: {  	v25 =	vpop (erf)  }
0x3c5: {  	s10 =	sor.u32 $0x10, s0;
	v53 =	vpop (erf)  }
0x3c6: {  	v27 =	vmov s10;
	v3 =	vld [tilespmem:s2+$0xFFFFFFF0];
	v52 =	vpop (erf)  }
0x3c7: {  	v27 =	vmul.u32 $0x48, v27;
	v62 =	vimm.s32 $0x0;
	v5 =	vadd.f32 $1.000000000e+00, v53;
	v56 =	vpop (erf)  }
0x3c8: {  	v54 =	vadd.s32 $0x3, v62;
	v31 =	vmul.f32 v42, v4;
	v63 =	vadd.f32 $1.000000000e+00, v56  }
0x3c9: {  	v59 =	vand.u32 $0xFFFFFFF8, v54;
	v44 =	vadd.f32 v5, v52;
	v5 =	vbroadcast v27, $0x0;
	v55 =	vpop (erf)  }
0x3ca: {  	v40 =	vand.u32 $0x7, v54;
	v57 =	vmul.f32 v2, v31;
	v2 =	vadd.f32 v63, v55  }
0x3cb: {  	v27 =	vmul.f32 v3, v4;
	(erf) = vrcp.f32 v44;
	v3 =	vadd.s32 v61, v5  }
0x3cc: {  	v39 =	vadd.s32 v3, v59;
	(erf) = vrcp.f32 v2;
	v2 =	vand.u32 $0xFFFFFFF8, v62  }
0x3cd: {  	v31 =	vand.u32 $0x7, v62;
	v39 =	vor.u32 v40, v39;
	v51 =	vadd.s32 v3, v2  }
0x3ce: {  	[tilespmem:$0x1FF70] =	vst v39;
	v41 =	vor.u32 v31, v51  }
0x3cf: {  	v60 =	vadd.s32 $0x1, v62;
	[tilespmem:$0x1FF60] =	vst v41  }
0x3d0: {  	v43 =	vand.u32 $0x7, v60;
	v42 =	vadd.s32 $0x2, v62;
	v51 =	vld [tilespmem:s15+$0xFFFFFFF0]  }
0x3d1: {  	v61 =	vadd.s32 $0x4, v62;
	v63 =	vand.u32 $0xFFFFFFF8, v60;
	v60 =	vand.u32 $0xFFFFFFF8, v42  }
0x3d2: {  	v42 =	vand.u32 $0x7, v42;
	v54 =	vand.u32 $0xFFFFFFF8, v61;
	v44 =	vand.u32 $0x7, v61  }
0x3d3: {  	v59 =	vadd.s32 $0x5, v62;
	v40 =	vadd.s32 v3, v63;
	v54 =	vadd.s32 v3, v54  }
0x3d4: {  	v61 =	vmul.f32 v1, v13;
	v43 =	vor.u32 v43, v40;
	v40 =	vor.u32 v44, v54  }
0x3d5: {  	v44 =	vadd.s32 v3, v60;
	v54 =	vand.u32 $0xFFFFFFF8, v59;
	v4 =	vmul.f32 v51, v4;
	v51 =	vpop (erf)  }
0x3d6: {  	v59 =	vand.u32 $0x7, v59;
	v54 =	vadd.s32 v3, v54;
	v44 =	vor.u32 v42, v44;
	v1 =	vpop (erf)  }
0x3d7: {  	v42 =	vor.u32 v59, v54;
	v59 =	vmul.f32 v0, v16;
	[tilespmem:$0x1FF80] =	vst v40;
	v54 =	vmul.f32 v1, v4;
	v1 =	vld [tilespmem:$0x1FFD0]  }
0x3d8: {  	v37 =	vmul.f32 v57, v37;
	v63 =	vld.idx.msk [tilespmem:v39+s22+$0x0], $0xffff  }
0x3d9: {  	v39 =	vmul.f32 v57, v24;
	v48 =	vmul.f32 v59, v48;
	v13 =	vld.idx.msk [tilespmem:v43+s22+$0x0], $0xffff  }
0x3da: {  	v60 =	vmul.f32 v25, v27;
	v38 =	vmul.f32 v61, v38;
	v24 =	vld.idx.msk [tilespmem:v41+s22+$0x0], $0xffff  }
0x3db: {  	v0 =	vld.idx.msk [tilespmem:v40+s22+$0x0], $0xffff;
	v40 =	vsub.f32 $0.0e+00, v39;
	v48 =	vsub.f32 $0.0e+00, v48;
	v51 =	vmul.f32 v51, v20  }
0x3dc: {  	[tilespmem:$0x1FF50] =	vst v5;
	v4 =	vadd.s32 $0x6, v62;
	v27 =	vadd.s32 v1, v5;
	v1 =	vadd.s32 $0x7, v62  }
0x3dd: {  	v5 =	vld.idx.msk [tilespmem:v44+s22+$0x0], $0xffff;
	v62 =	vadd.s32 $0x9, v62;
	v2 =	vadd.s32 v27, v2;
	v20 =	vand.u32 $0xFFFFFFF8, v1  }
0x3de: {  	v1 =	vand.u32 $0x7, v1;
	v16 =	vor.u32 v31, v2;
	v2 =	vadd.s32 v3, v20;
	v20 =	vld.idx.msk [tilespmem:v42+s22+$0x0], $0xffff  }
0x3df: {  	v25 =	vor.u32 v1, v2;
	v1 =	vand.u32 $0xFFFFFFF8, v4;
	v2 =	vadd.f32 v13, v24  }
0x3e0: {  	v4 =	vand.u32 $0x7, v4;
	v24 =	vadd.f32 v0, v63;
	v1 =	vadd.s32 v3, v1  }
0x3e1: {  	[tilespmem:v23+s23+$0x0] =	vst.idx.add.f32.msk $0xffff, v45;
	v23 =	vadd.s32 $0x1, v62;
	v31 =	vor.u32 v4, v1;
	v1 =	vsub.f32 $0.0e+00, v2  }
0x3e2: {  	v41 =	vadd.s32 $0x7, v62;
	v2 =	vsub.f32 $0.0e+00, v24;
	v4 =	vsub.f32 v5, v13  }
0x3e3: {  	v5 =	vand.u32 $0xFFFFFFF8, v62;
	v13 =	vand.u32 $0x7, v62;
	v0 =	vsub.f32 v20, v0  }
0x3e4: {  	v20 =	vadd.s32 v3, v5;
	v4 =	vmul.f32 $1.442695020e+00, v4;
	v5 =	vadd.s32 v27, v5  }
0x3e5: {  	v1 =	vmul.f32 $1.442695020e+00, v1;
	v20 =	vor.u32 v13, v20;
	v13 =	vor.u32 v13, v5  }
0x3e6: {  	[tilespmem:v21+s23+$0x0] =	vst.idx.add.f32.msk $0xffff, v58;
	v5 =	vadd.s32 $0x4, v62;
	(erf) = vpow2.f32 v4;
	v4 =	vadd.s32 $0x3, v62  }
0x3e7: {  	[tilespmem:v18+s23+$0x0] =	vst.idx.add.f32.msk $0xffff, v40;
	v24 =	vand.u32 $0xFFFFFFF8, v5;
	(erf) = vpow2.f32 v1;
	v1 =	vand.u32 $0xFFFFFFF8, v4  }
0x3e8: {  	[tilespmem:v15+s23+$0x0] =	vst.idx.add.f32.msk $0xffff, v30;
	v5 =	vand.u32 $0x7, v5;
	v4 =	vand.u32 $0x7, v4;
	v1 =	vadd.s32 v3, v1  }
0x3e9: {  	[tilespmem:v19+s23+$0x0] =	vst.idx.add.f32.msk $0xffff, v46;
	v24 =	vadd.s32 v3, v24;
	v21 =	vor.u32 v4, v1;
	v4 =	vadd.s32 $0x5, v62  }
0x3ea: {  	v39 =	vld.idx.msk [tilespmem:v25+s22+$0x0], $0xffff;
	v24 =	vor.u32 v5, v24;
	v5 =	vand.u32 $0x7, v4;
	v4 =	vand.u32 $0xFFFFFFF8, v4  }
0x3eb: {  	v19 =	vand.u32 $0xFFFFFFF8, v41;
	v2 =	vmul.f32 $1.442695020e+00, v2;
	v63 =	vld.idx.msk [tilespmem:v31+s22+$0x0], $0xffff;
	v4 =	vadd.s32 v3, v4  }
0x3ec: {  	[tilespmem:v14+s23+$0x0] =	vst.idx.add.f32.msk $0xffff, v48;
	v0 =	vmul.f32 $1.442695020e+00, v0;
	v15 =	vor.u32 v5, v4;
	v5 =	vand.u32 $0xFFFFFFF8, v23  }
0x3ed: {  	[tilespmem:v6+s23+$0x0] =	vst.idx.add.f32.msk $0xffff, v57;
	(erf) = vpow2.f32 v2;
	v4 =	vand.u32 $0x7, v23;
	v5 =	vadd.s32 v3, v5  }
0x3ee: {  	[tilespmem:v17+s23+$0x0] =	vst.idx.add.f32.msk $0xffff, v59;
	v2 =	vand.u32 $0x7, v41;
	v23 =	vor.u32 v4, v5;
	v4 =	vadd.s32 v3, v19  }
0x3ef: {  	v50 =	vmul.f32 v60, v50;
	v58 =	vadd.s32 $0x2, v62;
	v5 =	vld.idx.msk [tilespmem:v16+s22+$0x0], $0xffff;
	v45 =	vpop (erf);
	v19 =	vor.u32 v2, v4  }
0x3f0: {  	v46 =	vld.idx.msk [tilespmem:v21+s22+$0x0], $0xffff;
	v4 =	vand.u32 $0xFFFFFFF8, v58;
	v41 =	vpop (erf);
	(erf) = vpow2.f32 v0;
	v0 =	vadd.f32 v39, v63  }
0x3f1: {  	v30 =	vand.u32 $0x7, v58;
	v58 =	vld.idx.msk [tilespmem:v24+s22+$0x0], $0xffff;
	v4 =	vadd.s32 v3, v4;
	v63 =	vadd.f32 $1.000000000e+00, v41  }
0x3f2: {  	v2 =	vld.idx.msk [tilespmem:v15+s22+$0x0], $0xffff;
	v30 =	vor.u32 v30, v4;
	v1 =	vsub.f32 $0.0e+00, v0;
	v0 =	vadd.s32 $0x6, v62  }
0x3f3: {  	v47 =	vmul.f32 v59, v47;
	[tilespmem:v11+s23+$0x0] =	vst.idx.add.f32.msk $0xffff, v37;
	v63 =	vadd.f32 v63, v45;
	v4 =	vand.u32 $0xFFFFFFF8, v0  }
0x3f4: {  	v0 =	vand.u32 $0x7, v0;
	v18 =	vadd.s32 v3, v4;
	v1 =	vmul.f32 $1.442695020e+00, v1;
	v4 =	vld [tilespmem:s0+$0x5AB0]  }
0x3f5: {  	v18 =	vor.u32 v0, v18;
	(erf) = vrcp.f32 v63;
	v0 =	vsub.f32 v5, v39;
	v39 =	vld.idx.msk [tilespmem:v20+s22+$0x0], $0xffff  }
0x3f6: {  	(erf) = vpow2.f32 v1;
	v1 =	vmul.f32 v61, v36;
	v36 =	vadd.f32 v58, v46;
	v46 =	vld.idx.msk [tilespmem:v23+s22+$0x0], $0xffff  }
0x3f7: {  	s15 =	simm.s32 $0x5B60;
	v56 =	vmul.f32 v54, v56;
	v2 =	vsub.f32 v2, v58;
	v58 =	vmul.f32 v60, v49;
	v49 =	vld.idx.msk [tilespmem:v30+s22+$0x0], $0xffff  }
0x3f8: {  	v53 =	vmul.f32 v51, v53;
	v52 =	vmul.f32 v51, v52;
	v63 =	vld [tilespmem:s15+$0xFFFFFFE0]  }
0x3f9: {  	[tilespmem:v22+s23+$0x0] =	vst.idx.add.f32.msk $0xffff, v47;
	v56 =	vsub.f32 $0.0e+00, v56;
	v0 =	vmul.f32 $1.442695020e+00, v0;
	v1 =	vsub.f32 $0.0e+00, v1  }
0x3fa: {  	v55 =	vmul.f32 v54, v55;
	v40 =	vsub.f32 $0.0e+00, v58;
	v58 =	vld [tilespmem:s15+$0xFFFFFFF0];
	v36 =	vsub.f32 $0.0e+00, v36  }
0x3fb: {  	v2 =	vmul.f32 $1.442695020e+00, v2;
	[tilespmem:v8+s23+$0x0] =	vst.idx.add.f32.msk $0xffff, v1;
	v1 =	vsub.f32 $0.0e+00, v53;
	v6 =	vadd.f32 v46, v39;
	v39 =	vpop (erf)  }
0x3fc: {  	[tilespmem:v12+s23+$0x0] =	vst.idx.add.f32.msk $0xffff, v40;
	v36 =	vmul.f32 $1.442695020e+00, v36;
	v8 =	vsub.f32 v49, v46;
	v11 =	vadd.f32 $1.000000000e+00, v39  }
0x3fd: {  	[tilespmem:v9+s23+$0x0] =	vst.idx.add.f32.msk $0xffff, v61;
	(erf) = vpow2.f32 v0;
	v61 =	vmul.f32 v63, v4;
	v9 =	vadd.s32 $0x9, v62;
	v0 =	vpop (erf)  }
0x3fe: {  	[tilespmem:v10+s23+$0x0] =	vst.idx.add.f32.msk $0xffff, v60;
	v12 =	vadd.s32 $0x5, v9;
	v10 =	vand.u32 $0xFFFFFFF8, v9;
	v11 =	vadd.f32 v11, v0  }
0x3ff: {  	v14 =	vadd.s32 $0x6, v9;
	v63 =	vadd.s32 $0x7, v9;
	[tilespmem:v34+s23+$0x0] =	vst.idx.add.f32.msk $0xffff, v1;
	v37 =	vmul.f32 v58, v4  }
0x400: {  	v6 =	vsub.f32 $0.0e+00, v6;
	v8 =	vmul.f32 $1.442695020e+00, v8;
	[tilespmem:v32+s23+$0x0] =	vst.idx.add.f32.msk $0xffff, v51;
	(erf) = vrcp.f32 v11  }
0x401: {  	v57 =	vand.u32 $0x7, v12;
	v12 =	vand.u32 $0xFFFFFFF8, v12;
	[tilespmem:v28+s23+$0x0] =	vst.idx.add.f32.msk $0xffff, v52;
	v28 =	vand.u32 $0xFFFFFFF8, v14  }
0x402: {  	[tilespmem:v7+s23+$0x0] =	vst.idx.add.f32.msk $0xffff, v38;
	v7 =	vpop (erf);
	v12 =	vadd.s32 v3, v12;
	v62 =	vmul.f32 $1.442695020e+00, v6;
	v6 =	vand.u32 $0x7, v9  }
0x403: {  	v40 =	vmul.f32 v7, v61;
	v7 =	vadd.s32 v3, v10;
	v10 =	vadd.s32 v27, v10  }
0x404: {  	[tilespmem:v26+s23+$0x0] =	vst.idx.add.f32.msk $0xffff, v56;
	v47 =	vpop (erf);
	v61 =	vand.u32 $0x7, v14;
	v14 =	vand.u32 $0x7, v63;
	v11 =	vadd.s32 $0x2, v9  }
0x405: {  	[tilespmem:v33+s23+$0x0] =	vst.idx.add.f32.msk $0xffff, v54;
	v7 =	vor.u32 v6, v7;
	v22 =	vadd.f32 $1.000000000e+00, v47;
	(erf) = vpow2.f32 v8  }
0x406: {  	[tilespmem:v35+s23+$0x0] =	vst.idx.add.f32.msk $0xffff, v55;
	v6 =	vor.u32 v6, v10;
	v8 =	vadd.s32 $0x3, v9;
	(erf) = vpow2.f32 v62;
	v38 =	vpop (erf)  }
0x407: {  	v59 =	vld.idx.msk [tilespmem:v18+s22+$0x0], $0xffff;
	v10 =	vadd.s32 $0x1, v9;
	v26 =	vand.u32 $0xFFFFFFF8, v8;
	v22 =	vadd.f32 v22, v38  }
0x408: {  	[tilespmem:v29+s23+$0x0] =	vst.idx.add.f32.msk $0xffff, v50;
	v17 =	vand.u32 $0xFFFFFFF8, v11;
	v1 =	vand.u32 $0x7, v8;
	v8 =	vadd.s32 v3, v26  }
0x409: {  	v56 =	vand.u32 $0x7, v10;
	v8 =	vor.u32 v1, v8;
	v1 =	vld.idx.msk [tilespmem:v19+s22+$0x0], $0xffff;
	(erf) = vrcp.f32 v22;
	v60 =	vpop (erf)  }
0x40a: {  	v10 =	vand.u32 $0xFFFFFFF8, v10;
	(erf) = vpow2.f32 v36;
	v36 =	vmul.f32 v60, v37;
	v60 =	vld [tilespmem:$0x1FF60]  }
0x40b: {  	v29 =	vand.u32 $0x7, v11;
	v11 =	vadd.s32 $0x4, v9;
	v10 =	vadd.s32 v3, v10  }
0x40c: {  	v52 =	vmul.f32 v40, v41;
	v53 =	vand.u32 $0xFFFFFFF8, v11;
	v22 =	vand.u32 $0xFFFFFFF8, v63  }
0x40d: {  	v11 =	vand.u32 $0x7, v11;
	v58 =	vadd.s32 v3, v17;
	v54 =	vadd.s32 v3, v53  }
0x40e: {  	v26 =	vor.u32 v56, v10;
	v56 =	vsub.f32 $0.0e+00, v52;
	v11 =	vor.u32 v11, v54;
	v10 =	vpop (erf)  }
0x40f: {  	v17 =	vadd.s32 v3, v22;
	v22 =	vpop (erf);
	(erf) = vpow2.f32 v2;
	v2 =	vadd.f32 v1, v59  }
0x410: {  	v14 =	vor.u32 v14, v17;
	v17 =	vor.u32 v57, v12;
	v54 =	vadd.f32 $1.000000000e+00, v22  }
0x411: {  	v12 =	vadd.s32 v3, v28;
	v28 =	vor.u32 v29, v58;
	v2 =	vsub.f32 $0.0e+00, v2  }
0x412: {  	v58 =	vmul.f32 v40, v45;
	v32 =	vadd.f32 v54, v10;
	[tilespmem:v60+s23+$0x0] =	vst.idx.msk $0xffff, v56  }
0x413: {  	v2 =	vmul.f32 $1.442695020e+00, v2;
	[tilespmem:v43+s23+$0x0] =	vst.idx.msk $0xffff, v40  }
0x414: {  	(erf) = vrcp.f32 v32;
	[tilespmem:v44+s23+$0x0] =	vst.idx.msk $0xffff, v58  }
0x415: {  	(erf) = vpow2.f32 v2;
	v2 =	vld [tilespmem:$0x1FF70];
	_ =	sdelay $0x1  }
0x416: {  	v5 =	vld [tilespmem:s15+$0x0]  }
0x417: {  	v46 =	vld.idx.msk [tilespmem:v26+s22+$0x0], $0xffff  }
0x418: {  	s0 =	simm.s32 $0x5B90;
	v29 =	vld.idx.msk [tilespmem:v7+s22+$0x0], $0xffff;
	v39 =	vmul.f32 v36, v39  }
0x419: {  	v62 =	vld [tilespmem:s0+$0x0]  }
0x41a: {  	v63 =	vld.idx.msk [tilespmem:v13+s22+$0x0], $0xffff;
	v12 =	vor.u32 v61, v12;
	v61 =	vsub.f32 $0.0e+00, v39  }
0x41b: {  	v53 =	vld.idx.msk [tilespmem:v8+s22+$0x0], $0xffff  }
0x41c: {  	v55 =	vld.idx.msk [tilespmem:v11+s22+$0x0], $0xffff;
	[tilespmem:v2+s23+$0x0] =	vst.idx.msk $0xffff, v61  }
0x41d: {  	v2 =	vadd.f32 v46, v29;
	v29 =	vld [tilespmem:$0x1FF80];
	_ =	sdelay $0x1  }
0x41e: {  	v5 =	vmul.f32 v5, v4;
	v59 =	vld [tilespmem:s0+$0xFFFFFFF0]  }
0x41f: {  	v57 =	vpop (erf)  }
0x420: {  	v1 =	vsub.f32 v63, v1;
	v37 =	vmul.f32 v57, v5;
	v5 =	vld.idx.msk [tilespmem:v17+s22+$0x0], $0xffff  }
0x421: {  	v33 =	vmul.f32 v62, v4;
	v63 =	vadd.f32 v55, v53;
	v39 =	vld [tilespmem:s0+$0xFFFFFFE0]  }
0x422: {  	v1 =	vmul.f32 $1.442695020e+00, v1;
	v62 =	vmul.f32 v37, v47;
	v43 =	vld.idx.msk [tilespmem:v28+s22+$0x0], $0xffff  }
0x423: {  	v0 =	vmul.f32 v36, v0;
	v41 =	vsub.f32 $0.0e+00, v63;
	v35 =	vmul.f32 v59, v4;
	v32 =	vpop (erf)  }
0x424: {  	v34 =	vld.idx.msk [tilespmem:v14+s22+$0x0], $0xffff;
	(erf) = vpow2.f32 v1;
	v45 =	vadd.f32 $1.000000000e+00, v32;
	v40 =	vsub.f32 $0.0e+00, v62;
	[tilespmem:v29+s23+$0x0] =	vst.idx.msk $0xffff, v36  }
0x425: {  	s2 =	simm.s32 $0x6;
	v38 =	vmul.f32 v37, v38;
	v44 =	vsub.f32 $0.0e+00, v2;
	v29 =	vpop (erf);
	v36 =	vsub.f32 v5, v55;
	[tilespmem:v42+s23+$0x0] =	vst.idx.msk $0xffff, v0  }
.LBB2_29:
0x426: {  	s2 =	sadd.s32 $0x3, s2;
	v9 =	vadd.s32 $0x9, v9;
	v0 =	vmul.f32 v39, v4;
	v1 =	vadd.f32 v45, v29;
	s0 =	sadd.s32 $0x30, s0;
	[tilespmem:v31+s23+$0x0] =	vst.idx.msk $0xffff, v40  }
0x427: {  	v5 =	vsub.f32 v43, v46;
	p0 =	slt.u32 s2, $0x12;
	v2 =	vmul.f32 $1.442695020e+00, v44;
	v39 =	vmul.f32 $1.442695020e+00, v36;
	[tilespmem:v25+s23+$0x0] =	vst.idx.msk $0xffff, v37;
	v36 =	vmovc v11  }
0x428: {  	v11 =	vand.u32 $0x7, v9;
	v37 =	vadd.s32 $0x5, v9;
	v25 =	vpop (erf);
	(erf) = vrcp.f32 v1;
	[tilespmem:v16+s23+$0x0] =	vst.idx.msk $0xffff, v38  }
0x429: {  	v1 =	vand.u32 $0xFFFFFFF8, v9;
	v38 =	vmul.f32 $1.442695020e+00, v41;
	v16 =	vmovc v13;
	v13 =	vmovc v6;
	v0 =	vmul.f32 v25, v0  }
0x42a: {  	v40 =	vadd.s32 $0x6, v9;
	v45 =	vmul.f32 $1.442695020e+00, v5;
	v41 =	vmovc v23;
	v23 =	vmovc v26;
	v6 =	vadd.s32 v3, v1  }
0x42b: {  	v31 =	vadd.s32 $0x2, v9;
	v1 =	vadd.s32 v27, v1;
	v42 =	vor.u32 v11, v6;
	v44 =	vpop (erf)  }
0x42c: {  	v26 =	vand.u32 $0xFFFFFFF8, v31;
	v43 =	vand.u32 $0x7, v31;
	v25 =	vmovc v19;
	v19 =	vmovc v14;
	v6 =	vor.u32 v11, v1  }
0x42d: {  	v14 =	vadd.s32 $0x7, v9;
	v1 =	vadd.s32 $0x1, v9;
	(erf) = vpow2.f32 v45;
	v5 =	vpop (erf)  }
0x42e: {  	v47 =	vmovc v15;
	v15 =	vmovc v17;
	v11 =	vadd.s32 $0x3, v9;
	v48 =	vadd.f32 $1.000000000e+00, v44;
	v45 =	vadd.s32 $0x4, v9  }
0x42f: {  	v17 =	vand.u32 $0xFFFFFFF8, v11;
	v46 =	vand.u32 $0xFFFFFFF8, v45;
	(erf) = vpow2.f32 v2;
	v2 =	vmovc v30;
	v30 =	vmovc v28  }
0x430: {  	v31 =	vmovc v18;
	v18 =	vmovc v12;
	v11 =	vand.u32 $0x7, v11;
	v28 =	vadd.s32 v3, v46;
	v46 =	vadd.f32 v48, v5  }
0x431: {  	v17 =	vadd.s32 v3, v17;
	v52 =	vand.u32 $0x7, v45;
	v48 =	vand.u32 $0x7, v1;
	v49 =	vpop (erf)  }
0x432: {  	v51 =	vmovc v34;
	v50 =	vor.u32 v11, v17;
	v11 =	vor.u32 v52, v28;
	v45 =	vmovc v33;
	(erf) = vrcp.f32 v46  }
0x433: {  	v17 =	vand.u32 $0x7, v37;
	v1 =	vand.u32 $0xFFFFFFF8, v1;
	v28 =	vand.u32 $0xFFFFFFF8, v14  }
0x434: {  	v34 =	vand.u32 $0xFFFFFFF8, v37;
	v37 =	vand.u32 $0x7, v40;
	v33 =	vadd.s32 v3, v26;
	v46 =	vld.idx.msk [tilespmem:v12+s22+$0x0], $0xffff  }
0x435: {  	v1 =	vadd.s32 v3, v1;
	v12 =	vand.u32 $0xFFFFFFF8, v40;
	v40 =	vld [tilespmem:s0+$0x0];
	(erf) = vpow2.f32 v38  }
0x436: {  	v26 =	vor.u32 v48, v1;
	v1 =	vand.u32 $0x7, v14;
	v14 =	vadd.s32 v3, v28;
	v38 =	vld.idx.msk [tilespmem:v13+s22+$0x0], $0xffff;
	v48 =	vpop (erf)  }
0x437: {  	v28 =	vadd.s32 v3, v34;
	v14 =	vor.u32 v1, v14;
	v1 =	vmul.f32 v0, v22;
	v52 =	vld.idx.msk [tilespmem:v50+s22+$0x0], $0xffff  }
0x438: {  	v17 =	vor.u32 v17, v28;
	v12 =	vadd.s32 v3, v12;
	v53 =	vld.idx.msk [tilespmem:v11+s22+$0x0], $0xffff;
	v22 =	vpop (erf);
	(erf) = vpow2.f32 v39  }
0x439: {  	v28 =	vor.u32 v43, v33;
	v12 =	vor.u32 v37, v12;
	v33 =	vadd.f32 $1.000000000e+00, v22;
	v54 =	vld [tilespmem:s0+$0xFFFFFFF0]  }
0x43a: {  	v35 =	vmul.f32 v49, v35;
	v1 =	vsub.f32 $0.0e+00, v1;
	v37 =	vadd.f32 v51, v46;
	v55 =	vld.idx.msk [tilespmem:v42+s22+$0x0], $0xffff  }
0x43b: {  	v46 =	vld.idx.msk [tilespmem:v26+s22+$0x0], $0xffff;
	v39 =	vadd.f32 v33, v48;
	v33 =	vmul.f32 v40, v4;
	v40 =	vpop (erf)  }
0x43c: {  	v56 =	vmul.f32 v0, v10;
	v57 =	vmul.f32 v35, v32;
	v10 =	vmovc v48;
	v49 =	vsub.f32 $0.0e+00, v37;
	v34 =	vld.idx.msk [tilespmem:v14+s22+$0x0], $0xffff  }
0x43d: {  	v37 =	vmul.f32 v40, v45;
	v48 =	vld.idx.msk [tilespmem:v17+s22+$0x0], $0xffff;
	(erf) = vrcp.f32 v39;
	[tilespmem:v20+s23+$0x0] =	vst.idx.msk $0xffff, v1;
	v20 =	vmov v7  }
0x43e: {  	v1 =	vmul.f32 $1.442695020e+00, v49;
	v49 =	vsub.f32 v38, v51;
	v43 =	vld.idx.msk [tilespmem:v28+s22+$0x0], $0xffff;
	v32 =	vpop (erf);
	[tilespmem:v41+s23+$0x0] =	vst.idx.msk $0xffff, v0;
	v0 =	vsub.f32 $0.0e+00, v57  }
.Ltmp17:
0x43f: {  	v38 =	vmul.f32 v37, v5;
	v39 =	vld [tilespmem:s0+$0xFFFFFFE0];
	v45 =	vadd.f32 $1.000000000e+00, v32;
	[tilespmem:v2+s23+$0x0] =	vst.idx.msk $0xffff, v56;
	v2 =	vmul.f32 v37, v44;
	(pc) =	sbr.rel @p0 .LBB2_29-.Ltmp17, $4  }
0x440: {  	v7 =	vmovc v42;
	v5 =	vadd.f32 v53, v52;
	v40 =	vmul.f32 $1.442695020e+00, v49;
	(erf) = vpow2.f32 v1;
	[tilespmem:v21+s23+$0x0] =	vst.idx.msk $0xffff, v0  }
0x441: {  	v0 =	vadd.f32 v46, v55;
	v1 =	vmul.f32 v35, v29;
	v21 =	vmov v8;
	v29 =	vpop (erf);
	[tilespmem:v24+s23+$0x0] =	vst.idx.msk $0xffff, v35  }
0x442: {  	v41 =	vsub.f32 $0.0e+00, v5;
	v8 =	vmovc v50;
	v24 =	vmovc v36;
	(erf) = vpow2.f32 v40;
	v40 =	vsub.f32 $0.0e+00, v2  }
0x443: {  	v35 =	vmul.f32 v54, v4;
	v44 =	vsub.f32 $0.0e+00, v0;
	v36 =	vsub.f32 v48, v53;
	[tilespmem:v47+s23+$0x0] =	vst.idx.msk $0xffff, v1  }
0x444: {  	v0 =	vsub.f32 v43, v46  }
0x445: {  	v1 =	vadd.f32 v45, v29  }
0x446: {  	v0 =	vmul.f32 $1.442695020e+00, v0  }
0x447: {  	v2 =	vmul.f32 $1.442695020e+00, v44;
	(erf) = vrcp.f32 v1  }
0x448: {  	(erf) = vpow2.f32 v0  }
0x449: {  	(erf) = vpow2.f32 v2;
	_ =	sdelay $0x3  }
0x44a: {  	v1 =	vld.idx.msk [tilespmem:v12+s22+$0x0], $0xffff;
	v0 =	vpop (erf)  }
0x44b: {  	v2 =	vpop (erf)  }
0x44c: {  	v5 =	vpop (erf);
	v9 =	vadd.f32 $1.000000000e+00, v2  }
0x44d: {  	v27 =	vpop (erf)  }
0x44e: {  	v42 =	vld.idx.msk [tilespmem:v6+s22+$0x0], $0xffff;
	v9 =	vadd.f32 v9, v5;
	v52 =	vpop (erf)  }
0x44f: {  	v41 =	vmul.f32 $1.442695020e+00, v41;
	v1 =	vadd.f32 v34, v1;
	v53 =	vpop (erf)  }
0x450: {  	(erf) = vrcp.f32 v9;
	v54 =	vadd.f32 $1.000000000e+00, v53  }
0x451: {  	v36 =	vmul.f32 $1.442695020e+00, v36;
	v1 =	vsub.f32 $0.0e+00, v1;
	(erf) = vpow2.f32 v41  }
0x452: {  	v9 =	vadd.f32 v54, v52  }
0x453: {  	v55 =	vsub.f32 v42, v34;
	v1 =	vmul.f32 $1.442695020e+00, v1;
	(erf) = vpow2.f32 v36  }
0x454: {  	(erf) = vrcp.f32 v9  }
0x455: {  	v9 =	vmul.f32 $1.442695020e+00, v55;
	(erf) = vpow2.f32 v1;
	_ =	sdelay $0x1  }
0x456: {  	(erf) = vpow2.f32 v9;
	_ =	sdelay $0x1  }
0x457: {  	v56 =	vmul.f32 v39, v4;
	v1 =	vpop (erf)  }
0x458: {  	v9 =	vpop (erf)  }
0x459: {  	v0 =	vmul.f32 v0, v56;
	v57 =	vadd.f32 $1.000000000e+00, v9  }
0x45a: {  	v58 =	vpop (erf)  }
0x45b: {  	v22 =	vmul.f32 v0, v22;
	v60 =	vadd.f32 v57, v58;
	v59 =	vpop (erf)  }
0x45c: {  	s0 =	sadd.s32 $0x30, s0;
	[tilespmem:v31+s23+$0x0] =	vst.idx.msk $0xffff, v40;
	v27 =	vmul.f32 v27, v35;
	v61 =	vpop (erf)  }
0x45d: {  	v63 =	vld [tilespmem:s0+$0xFFFFFFE0];
	[tilespmem:v25+s23+$0x0] =	vst.idx.msk $0xffff, v37;
	v22 =	vsub.f32 $0.0e+00, v22;
	(erf) = vrcp.f32 v60;
	v62 =	vadd.f32 $1.000000000e+00, v61  }
0x45e: {  	[tilespmem:v16+s23+$0x0] =	vst.idx.msk $0xffff, v38;
	v25 =	vmul.f32 v27, v32;
	v48 =	vpop (erf)  }
0x45f: {  	[tilespmem:v20+s23+$0x0] =	vst.idx.msk $0xffff, v22;
	v31 =	vadd.f32 v62, v48  }
0x460: {  	v16 =	vld [tilespmem:s0+$0xFFFFFFF0];
	v10 =	vmul.f32 v0, v10;
	[tilespmem:v23+s23+$0x0] =	vst.idx.msk $0xffff, v0;
	v0 =	vsub.f32 $0.0e+00, v25  }
0x461: {  	v1 =	vmul.f32 v1, v33;
	(erf) = vrcp.f32 v31  }
0x462: {  	v20 =	vmul.f32 v63, v4;
	[tilespmem:v21+s23+$0x0] =	vst.idx.msk $0xffff, v0;
	v0 =	vmul.f32 v27, v29  }
0x463: {  	v2 =	vmul.f32 v1, v2  }
0x464: {  	v22 =	vld [tilespmem:s0+$0x0];
	[tilespmem:v30+s23+$0x0] =	vst.idx.msk $0xffff, v10;
	v10 =	vmul.f32 v59, v20  }
0x465: {  	v16 =	vmul.f32 v16, v4;
	[tilespmem:v24+s23+$0x0] =	vst.idx.msk $0xffff, v27;
	v2 =	vsub.f32 $0.0e+00, v2  }
0x466: {  	[tilespmem:v15+s23+$0x0] =	vst.idx.msk $0xffff, v0;
	v5 =	vmul.f32 v1, v5;
	v15 =	vmul.f32 v10, v53;
	v0 =	vpop (erf)  }
0x467: {  	[tilespmem:v18+s23+$0x0] =	vst.idx.msk $0xffff, v2;
	v0 =	vmul.f32 v0, v16  }
0x468: {  	[tilespmem:v19+s23+$0x0] =	vst.idx.msk $0xffff, v1;
	v1 =	vsub.f32 $0.0e+00, v15  }
0x469: {  	v2 =	vmul.f32 v22, v4;
	[tilespmem:v13+s23+$0x0] =	vst.idx.msk $0xffff, v5;
	v9 =	vmul.f32 v0, v9  }
0x46a: {  	v13 =	vmul.f32 v10, v52;
	[tilespmem:v7+s23+$0x0] =	vst.idx.msk $0xffff, v1;
	v5 =	vpop (erf)  }
0x46b: {  	[tilespmem:v26+s23+$0x0] =	vst.idx.msk $0xffff, v10;
	v1 =	vmul.f32 v5, v2;
	v2 =	vsub.f32 $0.0e+00, v9  }
0x46c: {  	[tilespmem:v28+s23+$0x0] =	vst.idx.msk $0xffff, v13  }
0x46d: {  	[tilespmem:v8+s23+$0x0] =	vst.idx.msk $0xffff, v2  }
0x46e: {  	v5 =	vmul.f32 v1, v61;
	[tilespmem:v11+s23+$0x0] =	vst.idx.msk $0xffff, v0  }
0x46f: {  	v62 =	vld [tilespmem:$0x1FFF0]  }
0x470: {  	v2 =	vmul.f32 v0, v58;
	v0 =	vsub.f32 $0.0e+00, v5;
	v5 =	vld [tilespmem:$0x1FF50];
	_ =	sdelay $0x4  }
0x471: {  	[tilespmem:v17+s23+$0x0] =	vst.idx.msk $0xffff, v2;
	v5 =	vadd.s32 v62, v5  }
0x472: {  	v2 =	vmul.f32 v1, v48;
	[tilespmem:v12+s23+$0x0] =	vst.idx.msk $0xffff, v0  }
0x473: {  	[tilespmem:v14+s23+$0x0] =	vst.idx.msk $0xffff, v1  }
0x474: {  	[tilespmem:v6+s23+$0x0] =	vst.idx.msk $0xffff, v2  }
0x475: {  	v1 =	vor.u32 $0x1, v3;
	v2 =	vld.idx.msk [tilespmem:v3+s22+$0x0], $0xffff  }
0x476: {  	v0 =	vld.idx.msk [tilespmem:v5+s22+$0x0], $0xffff;
	_ =	sdelay $0x3  }
0x477: {  	v6 =	vld.idx.msk [tilespmem:v1+s22+$0x0], $0xffff  }
0x478: {  	v0 =	vadd.f32 v2, v0;
	_ =	sdelay $0x1  }
0x479: {  	v0 =	vsub.f32 $0.0e+00, v0;
	_ =	sdelay $0x1  }
0x47a: {  	v2 =	vsub.f32 v6, v2;
	v0 =	vmul.f32 $1.442695020e+00, v0;
	_ =	sdelay $0x1  }
0x47b: {  	(erf) = vpow2.f32 v0;
	v0 =	vmul.f32 $1.442695020e+00, v2;
	_ =	sdelay $0x1  }
0x47c: {  	(erf) = vpow2.f32 v0;
	_ =	sdelay $0x6  }
0x47d: {  	v0 =	vpop (erf)  }
0x47e: {  	v2 =	vadd.f32 $1.000000000e+00, v0  }
0x47f: {  	v6 =	vpop (erf)  }
0x480: {  	v2 =	vadd.f32 v2, v6;
	_ =	sdelay $0x1  }
0x481: {  	(erf) = vrcp.f32 v2;
	_ =	sdelay $0x2  }
0x482: {  	v2 =	vld [tilespmem:$0x5C90];
	_ =	sdelay $0x4  }
0x483: {  	v2 =	vmul.f32 v2, v4  }
0x484: {  	v7 =	vpop (erf)  }
0x485: {  	v2 =	vmul.f32 v7, v2;
	_ =	sdelay $0x1  }
0x486: {  	v0 =	vmul.f32 v2, v0;
	_ =	sdelay $0x1  }
0x487: {  	v9 =	vimm.s32 $0x2;
	v0 =	vsub.f32 $0.0e+00, v0  }
0x488: {  	v7 =	vand.u32 $0xFFFFFFF8, v9  }
0x489: {  	v8 =	vand.u32 $0x6, v9;
	v7 =	vadd.s32 v3, v7;
	v6 =	vmul.f32 v2, v6;
	[tilespmem:v5+s23+$0x0] =	vst.idx.msk $0xffff, v0  }
0x48a: {  	v33 =	vor.u32 v8, v7;
	v0 =	vadd.s32 $0x4, v9;
	[tilespmem:v3+s23+$0x0] =	vst.idx.add.f32.msk $0xffff, v2  }
0x48b: {  	v31 =	vor.u32 $0x1, v33;
	v2 =	vand.u32 $0xFFFFFFF8, v0;
	[tilespmem:v1+s23+$0x0] =	vst.idx.add.f32.msk $0xffff, v6;
	v1 =	vadd.s32 $0x3, v9  }
0x48c: {  	s2 =	simm.s32 $0x5CB0;
	v0 =	vand.u32 $0x6, v0;
	v2 =	vadd.s32 v3, v2;
	v5 =	vand.u32 $0xFFFFFFF8, v1  }
0x48d: {  	v8 =	vld [tilespmem:s2+$0x0];
	v1 =	vand.u32 $0x7, v1;
	v6 =	vadd.s32 v3, v5;
	v5 =	vor.u32 v0, v2  }
0x48e: {  	v51 =	vld [tilespmem:s2+$0xFFFFFFF0];
	v2 =	vadd.s32 $0x5, v9;
	v6 =	vor.u32 v1, v6  }
0x48f: {  	v10 =	vadd.s32 $0x2, v9;
	v7 =	vand.u32 $0xFFFFFFF8, v2  }
0x490: {  	v11 =	vand.u32 $0xFFFFFFF8, v10;
	v0 =	vld.idx.msk [tilespmem:v33+s22+$0x0], $0xffff;
	v2 =	vand.u32 $0x7, v2;
	v7 =	vadd.s32 v3, v7  }
0x491: {  	v1 =	vld.idx.msk [tilespmem:v31+s22+$0x0], $0xffff;
	v7 =	vor.u32 v2, v7;
	v2 =	vand.u32 $0x6, v10;
	v10 =	vadd.s32 v3, v11  }
0x492: {  	v25 =	vmul.f32 v8, v4;
	v8 =	vor.u32 v2, v10;
	v2 =	vadd.s32 $0x6, v9;
	v12 =	vld.idx.msk [tilespmem:v5+s22+$0x0], $0xffff  }
0x493: {  	s6 =	simm.s32 $0x5CD0;
	v54 =	vmul.f32 v51, v4;
	v9 =	vadd.s32 $0x2, v2;
	v11 =	vld.idx.msk [tilespmem:v6+s22+$0x0], $0xffff  }
0x494: {  	v13 =	vld [tilespmem:s6+$0x0];
	v10 =	vand.u32 $0x6, v2;
	v14 =	vand.u32 $0xFFFFFFF8, v2;
	v17 =	vadd.s32 $0x5, v2  }
0x495: {  	v19 =	vadd.s32 $0x4, v2;
	v15 =	vadd.s32 $0x3, v2;
	v14 =	vadd.s32 v3, v14  }
0x496: {  	v2 =	vadd.s32 $0x6, v2;
	v0 =	vadd.f32 v1, v0;
	v10 =	vor.u32 v10, v14;
	v14 =	vld.idx.msk [tilespmem:v7+s22+$0x0], $0xffff  }
0x497: {  	v16 =	vand.u32 $0x6, v9;
	v9 =	vand.u32 $0xFFFFFFF8, v9;
	v20 =	vand.u32 $0xFFFFFFF8, v17  }
0x498: {  	v21 =	vand.u32 $0xFFFFFFF8, v15;
	v22 =	vand.u32 $0x7, v15;
	v11 =	vadd.f32 v12, v11  }
0x499: {  	v15 =	vmul.f32 v13, v4;
	v18 =	vadd.s32 v3, v9;
	v21 =	vadd.s32 v3, v21;
	v13 =	vld.idx.msk [tilespmem:v8+s22+$0x0], $0xffff  }
0x49a: {  	v9 =	vor.u32 $0x1, v10;
	v0 =	vsub.f32 $0.0e+00, v0;
	v23 =	vsub.f32 $0.0e+00, v11  }
0x49b: {  	v11 =	vor.u32 v22, v21;
	v21 =	vand.u32 $0xFFFFFFF8, v19;
	v14 =	vsub.f32 v14, v12  }
0x49c: {  	v12 =	vand.u32 $0x6, v19;
	v19 =	vadd.s32 v3, v21;
	v21 =	vmul.f32 $1.442695020e+00, v23  }
0x49d: {  	v27 =	vadd.s32 $0x4, v2;
	v12 =	vor.u32 v12, v19;
	v19 =	vmul.f32 $1.442695020e+00, v14  }
0x49e: {  	v0 =	vmul.f32 $1.442695020e+00, v0;
	v22 =	vld.idx.msk [tilespmem:v10+s22+$0x0], $0xffff;
	v1 =	vsub.f32 v13, v1;
	(erf) = vpow2.f32 v21  }
0x49f: {  	v20 =	vadd.s32 v3, v20;
	v26 =	vld.idx.msk [tilespmem:v9+s22+$0x0], $0xffff;
	v14 =	vand.u32 $0x7, v17;
	(erf) = vpow2.f32 v19  }
0x4a0: {  	v17 =	vand.u32 $0xFFFFFFF8, v2;
	(erf) = vpow2.f32 v0;
	v0 =	vmul.f32 $1.442695020e+00, v1  }
0x4a1: {  	s0 =	simm.s32 $0x5CF0;
	v13 =	vor.u32 v14, v20;
	v14 =	vor.u32 v16, v18;
	v16 =	vadd.s32 $0x2, v2  }
0x4a2: {  	v18 =	vand.u32 $0x6, v2;
	v20 =	vadd.s32 $0x3, v2;
	v19 =	vld [tilespmem:s0+$0x0];
	(erf) = vpow2.f32 v0  }
0x4a3: {  	v23 =	vand.u32 $0x6, v16;
	v16 =	vand.u32 $0xFFFFFFF8, v16;
	v21 =	vld.idx.msk [tilespmem:v11+s22+$0x0], $0xffff;
	v0 =	vadd.s32 v3, v17  }
0x4a4: {  	v1 =	vadd.f32 v26, v22;
	v22 =	vld.idx.msk [tilespmem:v12+s22+$0x0], $0xffff;
	v17 =	vor.u32 v18, v0;
	v0 =	vadd.s32 $0x5, v2  }
0x4a5: {  	v24 =	vadd.s32 v3, v16;
	v16 =	vor.u32 $0x1, v17;
	v18 =	vand.u32 $0xFFFFFFF8, v0  }
0x4a6: {  	v28 =	vand.u32 $0xFFFFFFF8, v20;
	v24 =	vor.u32 v23, v24;
	v29 =	vadd.s32 v3, v18  }
0x4a7: {  	v30 =	vld.idx.msk [tilespmem:v13+s22+$0x0], $0xffff;
	v18 =	vand.u32 $0x7, v20;
	v20 =	vmul.f32 v19, v4;
	v19 =	vadd.s32 v3, v28;
	v37 =	vpop (erf)  }
0x4a8: {  	v52 =	vld.idx.msk [tilespmem:v14+s22+$0x0], $0xffff;
	v18 =	vor.u32 v18, v19;
	v19 =	vand.u32 $0xFFFFFFF8, v27;
	v27 =	vand.u32 $0x6, v27;
	v38 =	vpop (erf)  }
0x4a9: {  	v21 =	vadd.f32 v22, v21;
	v19 =	vadd.s32 v3, v19;
	v49 =	vld.idx.msk [tilespmem:v17+s22+$0x0], $0xffff;
	v50 =	vadd.f32 $1.000000000e+00, v37;
	v36 =	vpop (erf)  }
0x4aa: {  	v1 =	vsub.f32 $0.0e+00, v1;
	v19 =	vor.u32 v27, v19;
	v28 =	vld.idx.msk [tilespmem:v16+s22+$0x0], $0xffff;
	v27 =	vadd.f32 $1.000000000e+00, v36  }
0x4ab: {  	v0 =	vand.u32 $0x7, v0;
	v53 =	vsub.f32 $0.0e+00, v21;
	v34 =	vadd.f32 v50, v38;
	v41 =	vpop (erf)  }
0x4ac: {  	v1 =	vmul.f32 $1.442695020e+00, v1;
	v21 =	vor.u32 v0, v29;
	v0 =	vadd.f32 v27, v41  }
0x4ad: {  	v22 =	vsub.f32 v30, v22;
	v27 =	vmul.f32 $1.442695020e+00, v53;
	(erf) = vrcp.f32 v34  }
0x4ae: {  	v23 =	vsub.f32 v52, v26;
	(erf) = vrcp.f32 v0;
	v0 =	vadd.s32 $0x6, v2  }
0x4af: {  	v2 =	vmul.f32 $1.442695020e+00, v22;
	(erf) = vpow2.f32 v27;
	v27 =	vadd.f32 v28, v49  }
0x4b0: {  	v22 =	vadd.s32 $0x2, v0;
	v55 =	vadd.s32 $0x5, v0;
	v59 =	vadd.s32 $0x4, v0  }
0x4b1: {  	s2 =	simm.s32 $0x5D10;
	v30 =	vadd.s32 $0x3, v0;
	(erf) = vpow2.f32 v2;
	v46 =	vand.u32 $0x6, v22  }
0x4b2: {  	v26 =	vld [tilespmem:s2+$0x0];
	(erf) = vpow2.f32 v1;
	v1 =	vand.u32 $0xFFFFFFF8, v22;
	v22 =	vmul.f32 $1.442695020e+00, v23  }
0x4b3: {  	v60 =	vld.idx.msk [tilespmem:v18+s22+$0x0], $0xffff;
	v29 =	vand.u32 $0xFFFFFFF8, v0;
	v2 =	vand.u32 $0x6, v0;
	v61 =	vand.u32 $0xFFFFFFF8, v30  }
0x4b4: {  	v47 =	vld.idx.msk [tilespmem:v19+s22+$0x0], $0xffff;
	v57 =	vand.u32 $0x6, v59;
	v23 =	vand.u32 $0xFFFFFFF8, v55;
	(erf) = vpow2.f32 v22  }
0x4b5: {  	v49 =	vld.idx.msk [tilespmem:v21+s22+$0x0], $0xffff;
	v27 =	vsub.f32 $0.0e+00, v27;
	v63 =	vadd.s32 v3, v23;
	v22 =	vadd.s32 v3, v29  }
0x4b6: {  	v22 =	vor.u32 v2, v22;
	v2 =	vand.u32 $0x7, v30;
	v30 =	vadd.s32 v3, v61  }
0x4b7: {  	v23 =	vmul.f32 v26, v4;
	v56 =	vpop (erf);
	v30 =	vor.u32 v2, v30;
	v2 =	vand.u32 $0xFFFFFFF8, v59  }
0x4b8: {  	v40 =	vmul.f32 $1.442695020e+00, v27;
	v29 =	vor.u32 $0x1, v22;
	v2 =	vadd.s32 v3, v2;
	v26 =	vpop (erf)  }
0x4b9: {  	v27 =	vor.u32 v57, v2;
	v2 =	vadd.f32 v47, v60;
	v48 =	vmul.f32 v26, v54;
	v26 =	vpop (erf)  }
0x4ba: {  	v50 =	vand.u32 $0x7, v55;
	v47 =	vsub.f32 v49, v47;
	v35 =	vpop (erf)  }
0x4bb: {  	v44 =	vld [tilespmem:s6+$0xFFFFFFF0];
	v1 =	vadd.s32 v3, v1;
	v58 =	vadd.f32 $1.000000000e+00, v26;
	v2 =	vsub.f32 $0.0e+00, v2;
	v34 =	vpop (erf)  }
0x4bc: {  	v45 =	vld.idx.msk [tilespmem:v22+s22+$0x0], $0xffff;
	v47 =	vmul.f32 $1.442695020e+00, v47;
	v51 =	vmul.f32 v48, v36;
	v52 =	vadd.f32 $1.000000000e+00, v34  }
0x4bd: {  	v36 =	vmul.f32 v56, v25;
	v39 =	vmul.f32 v48, v41;
	v42 =	vld.idx.msk [tilespmem:v29+s22+$0x0], $0xffff;
	v59 =	vadd.f32 v58, v35;
	v32 =	vpop (erf)  }
0x4be: {  	v43 =	vld.idx.msk [tilespmem:v24+s22+$0x0], $0xffff;
	v2 =	vmul.f32 $1.442695020e+00, v2;
	v60 =	vsub.f32 $0.0e+00, v51;
	v61 =	vadd.f32 v52, v32  }
0x4bf: {  	v25 =	vor.u32 v50, v63;
	v63 =	vmul.f32 v36, v37;
	v37 =	vld.idx.msk [tilespmem:v27+s22+$0x0], $0xffff;
	(erf) = vrcp.f32 v59  }
0x4c0: {  	v41 =	vmul.f32 v36, v38;
	v38 =	vadd.s32 $0x6, v0;
	[tilespmem:v33+s23+$0x0] =	vst.idx.add.f32.msk $0xffff, v60;
	(erf) = vrcp.f32 v61  }
0x4c1: {  	s10 =	simm.s32 $0x5D30;
	s6 =	simm.s32 $0x1C;
	v33 =	vor.u32 v46, v1;
	v46 =	vsub.f32 $0.0e+00, v63;
	[tilespmem:v31+s23+$0x0] =	vst.idx.add.f32.msk $0xffff, v48;
	(erf) = vpow2.f32 v2  }
.LBB2_31:
0x4c2: {  	v0 =	vadd.f32 v42, v45;
	v1 =	vmul.f32 v44, v4;
	v2 =	vmov v16  }
0x4c3: {  	s6 =	sadd.s32 $0x2, s6;
	[tilespmem:v6+s23+$0x0] =	vst.idx.add.f32.msk $0xffff, v46;
	v16 =	vmovc v29;
	v6 =	vmovc v11;
	v11 =	vmov v18;
	v18 =	vmov v30;
	v31 =	vmov v35  }
0x4c4: {  	v29 =	vadd.s32 $0x2, v38;
	v30 =	vsub.f32 v43, v28;
	v28 =	vmovc v42;
	p0 =	slt.u32 s6, $0x1E;
	(erf) = vpow2.f32 v47;
	[tilespmem:v8+s23+$0x0] =	vst.idx.add.f32.msk $0xffff, v39  }
0x4c5: {  	v35 =	vand.u32 $0x6, v38;
	v46 =	vand.u32 $0x6, v29;
	v8 =	vmovc v14;
	v14 =	vmovc v24;
	v39 =	vld [tilespmem:s10+$0x0];
	(erf) = vpow2.f32 v40  }
0x4c6: {  	v42 =	vadd.s32 $0x5, v38;
	v24 =	vand.u32 $0xFFFFFFF8, v29;
	v29 =	vmul.f32 $1.442695020e+00, v30;
	[tilespmem:v5+s23+$0x0] =	vst.idx.add.f32.msk $0xffff, v36;
	v5 =	vmovc v12;
	v12 =	vmovc v19  }
0x4c7: {  	v47 =	vadd.s32 v3, v24;
	v24 =	vand.u32 $0xFFFFFFF8, v42;
	v36 =	vadd.s32 $0x4, v38;
	v19 =	vmovc v27;
	[tilespmem:v7+s23+$0x0] =	vst.idx.add.f32.msk $0xffff, v41  }
0x4c8: {  	v30 =	vadd.s32 $0x3, v38;
	v27 =	vand.u32 $0xFFFFFFF8, v38;
	v7 =	vmovc v13;
	v13 =	vmovc v21;
	v41 =	vld.idx.msk [tilespmem:v18+s22+$0x0], $0xffff;
	(erf) = vpow2.f32 v29  }
0x4c9: {  	v44 =	vadd.s32 v3, v24;
	v21 =	vadd.s32 v3, v27;
	v27 =	vand.u32 $0xFFFFFFF8, v30;
	v48 =	vpop (erf)  }
0x4ca: {  	v49 =	vor.u32 v35, v21;
	v35 =	vand.u32 $0x7, v30;
	v50 =	vmul.f32 v39, v4;
	v24 =	vpop (erf)  }
0x4cb: {  	v0 =	vsub.f32 $0.0e+00, v0;
	v27 =	vadd.s32 v3, v27;
	v29 =	vor.u32 $0x1, v49;
	v51 =	vpop (erf)  }
0x4cc: {  	v30 =	vor.u32 v35, v27;
	v27 =	vand.u32 $0xFFFFFFF8, v36;
	v21 =	vmovc v25;
	v1 =	vmul.f32 v24, v1;
	v24 =	vmovc v33  }
0x4cd: {  	v40 =	vmul.f32 $1.442695020e+00, v0;
	v36 =	vand.u32 $0x6, v36;
	v27 =	vadd.s32 v3, v27;
	v0 =	vld.idx.msk [tilespmem:v25+s22+$0x0], $0xffff;
	v35 =	vpop (erf)  }
0x4ce: {  	v27 =	vor.u32 v36, v27;
	v25 =	vadd.f32 v37, v41;
	v43 =	vld.idx.msk [tilespmem:v33+s22+$0x0], $0xffff;
	v33 =	vadd.f32 $1.000000000e+00, v51;
	v41 =	vpop (erf)  }
0x4cf: {  	v52 =	vand.u32 $0x7, v42;
	v36 =	vmul.f32 v48, v15;
	v15 =	vmovc v20;
	v54 =	vmul.f32 v1, v34;
	v45 =	vld.idx.msk [tilespmem:v49+s22+$0x0], $0xffff  }
0x4d0: {  	v20 =	vmovc v23;
	v23 =	vmovc v50;
	v39 =	vmul.f32 v1, v32;
	v48 =	vsub.f32 $0.0e+00, v25;
	v53 =	vadd.f32 $1.000000000e+00, v41;
	v42 =	vld.idx.msk [tilespmem:v29+s22+$0x0], $0xffff  }
.Ltmp18:
0x4d1: {  	v25 =	vor.u32 v52, v44;
	v50 =	vsub.f32 $0.0e+00, v54;
	v33 =	vadd.f32 v33, v35;
	v44 =	vld [tilespmem:s0+$0xFFFFFFF0];
	v32 =	vpop (erf);
	s0 =	smov.u32 s2;
	s2 =	smov.u32 s10;
	(pc) =	sbr.rel @p0 .LBB2_31-.Ltmp18, $4  }
0x4d2: {  	v34 =	vmovc v41;
	v48 =	vmul.f32 $1.442695020e+00, v48;
	v52 =	vadd.f32 v53, v32;
	v53 =	vmul.f32 v36, v26;
	v26 =	vmovc v51  }
0x4d3: {  	v41 =	vmul.f32 v36, v31;
	v0 =	vsub.f32 v0, v37;
	(erf) = vrcp.f32 v33;
	[tilespmem:v10+s23+$0x0] =	vst.idx.add.f32.msk $0xffff, v50  }
0x4d4: {  	v33 =	vor.u32 v46, v47;
	v10 =	vmovc v17;
	v17 =	vmovc v22;
	v37 =	vld.idx.msk [tilespmem:v27+s22+$0x0], $0xffff;
	(erf) = vrcp.f32 v52;
	v46 =	vsub.f32 $0.0e+00, v53  }
0x4d5: {  	v38 =	vadd.s32 $0x6, v38;
	s10 =	sadd.s32 $0x20, s10;
	v22 =	vmovc v49;
	v47 =	vmul.f32 $1.442695020e+00, v0;
	(erf) = vpow2.f32 v48;
	[tilespmem:v9+s23+$0x0] =	vst.idx.add.f32.msk $0xffff, v1;
	v9 =	vmovc v2  }
0x4d6: {  	v0 =	vsub.f32 v43, v28  }
0x4d7: {  	(erf) = vpow2.f32 v47  }
0x4d8: {  	(erf) = vpow2.f32 v40;
	v0 =	vmul.f32 $1.442695020e+00, v0;
	_ =	sdelay $0x1  }
0x4d9: {  	(erf) = vpow2.f32 v0;
	_ =	sdelay $0x1  }
0x4da: {  	v59 =	vld.idx.msk [tilespmem:v30+s22+$0x0], $0xffff  }
0x4db: {  	v1 =	vpop (erf)  }
0x4dc: {  	v2 =	vpop (erf)  }
0x4dd: {  	v60 =	vld.idx.msk [tilespmem:v25+s22+$0x0], $0xffff;
	v3 =	vpop (erf)  }
0x4de: {  	v31 =	vpop (erf)  }
0x4df: {  	v0 =	vadd.f32 v37, v59;
	v38 =	vadd.f32 $1.000000000e+00, v3;
	v40 =	vpop (erf)  }
0x4e0: {  	v61 =	vadd.f32 v42, v45;
	v63 =	vld.idx.msk [tilespmem:v33+s22+$0x0], $0xffff;
	v52 =	vadd.f32 $1.000000000e+00, v40  }
0x4e1: {  	v0 =	vsub.f32 $0.0e+00, v0;
	v38 =	vadd.f32 v38, v31;
	v48 =	vpop (erf)  }
0x4e2: {  	v28 =	vsub.f32 v60, v37;
	v47 =	vadd.f32 v52, v48  }
0x4e3: {  	v53 =	vsub.f32 $0.0e+00, v61;
	v0 =	vmul.f32 $1.442695020e+00, v0;
	(erf) = vrcp.f32 v38  }
0x4e4: {  	v28 =	vmul.f32 $1.442695020e+00, v28;
	(erf) = vrcp.f32 v47  }
0x4e5: {  	v37 =	vmul.f32 $1.442695020e+00, v53;
	v54 =	vsub.f32 v63, v42;
	(erf) = vpow2.f32 v0  }
0x4e6: {  	(erf) = vpow2.f32 v28  }
0x4e7: {  	v0 =	vmul.f32 $1.442695020e+00, v54;
	(erf) = vpow2.f32 v37;
	_ =	sdelay $0x1  }
0x4e8: {  	(erf) = vpow2.f32 v0;
	_ =	sdelay $0x2  }
0x4e9: {  	v55 =	vpop (erf)  }
0x4ea: {  	v56 =	vpop (erf)  }
0x4eb: {  	v37 =	vpop (erf)  }
0x4ec: {  	v38 =	vpop (erf);
	v57 =	vadd.f32 $1.000000000e+00, v37  }
0x4ed: {  	v44 =	vmul.f32 v44, v4;
	v58 =	vpop (erf)  }
0x4ee: {  	[tilespmem:v6+s23+$0x0] =	vst.idx.add.f32.msk $0xffff, v46;
	v1 =	vmul.f32 v1, v15;
	v59 =	vadd.f32 $1.000000000e+00, v58;
	v42 =	vadd.f32 v57, v38  }
0x4ef: {  	v60 =	vld [tilespmem:s0+$0xFFFFFFF0];
	v2 =	vmul.f32 v2, v44;
	v49 =	vpop (erf)  }
0x4f0: {  	[tilespmem:v8+s23+$0x0] =	vst.idx.add.f32.msk $0xffff, v39;
	v26 =	vmul.f32 v1, v26;
	v61 =	vadd.f32 v59, v49;
	(erf) = vrcp.f32 v42  }
0x4f1: {  	[tilespmem:v5+s23+$0x0] =	vst.idx.add.f32.msk $0xffff, v36;
	v63 =	vmul.f32 v2, v34  }
0x4f2: {  	v36 =	vld [tilespmem:s2+$0xFFFFFFF0];
	v39 =	vsub.f32 $0.0e+00, v26;
	(erf) = vrcp.f32 v61  }
0x4f3: {  	[tilespmem:v7+s23+$0x0] =	vst.idx.add.f32.msk $0xffff, v41;
	v15 =	vsub.f32 $0.0e+00, v63;
	v0 =	vmul.f32 v55, v20  }
0x4f4: {  	v34 =	vmul.f32 v60, v4;
	[tilespmem:v11+s23+$0x0] =	vst.idx.add.f32.msk $0xffff, v39  }
0x4f5: {  	[tilespmem:v10+s23+$0x0] =	vst.idx.add.f32.msk $0xffff, v15;
	v47 =	vmul.f32 v0, v3  }
0x4f6: {  	v45 =	vmul.f32 v1, v35;
	[tilespmem:v12+s23+$0x0] =	vst.idx.add.f32.msk $0xffff, v1;
	v41 =	vmul.f32 v56, v34  }
0x4f7: {  	[tilespmem:v9+s23+$0x0] =	vst.idx.add.f32.msk $0xffff, v2;
	v53 =	vsub.f32 $0.0e+00, v47  }
0x4f8: {  	[tilespmem:v13+s23+$0x0] =	vst.idx.add.f32.msk $0xffff, v45;
	v44 =	vmul.f32 v41, v40  }
0x4f9: {  	[tilespmem:v18+s23+$0x0] =	vst.idx.add.f32.msk $0xffff, v53;
	v57 =	vmul.f32 v0, v31;
	v51 =	vpop (erf)  }
0x4fa: {  	v50 =	vmul.f32 v36, v4;
	v46 =	vsub.f32 $0.0e+00, v44;
	[tilespmem:v19+s23+$0x0] =	vst.idx.add.f32.msk $0xffff, v0;
	v4 =	vmul.f32 v51, v23  }
0x4fb: {  	v42 =	vmul.f32 v2, v32;
	[tilespmem:v21+s23+$0x0] =	vst.idx.add.f32.msk $0xffff, v57;
	v52 =	vpop (erf)  }
0x4fc: {  	[tilespmem:v17+s23+$0x0] =	vst.idx.add.f32.msk $0xffff, v46;
	v54 =	vmul.f32 v52, v50;
	v59 =	vmul.f32 v4, v37  }
0x4fd: {  	v55 =	vmul.f32 v41, v48;
	[tilespmem:v14+s23+$0x0] =	vst.idx.add.f32.msk $0xffff, v42  }
0x4fe: {  	[tilespmem:v16+s23+$0x0] =	vst.idx.add.f32.msk $0xffff, v41;
	v56 =	vmul.f32 v54, v58;
	v60 =	vsub.f32 $0.0e+00, v59  }
0x4ff: {  	[tilespmem:v24+s23+$0x0] =	vst.idx.add.f32.msk $0xffff, v55  }
0x500: {  	v58 =	vsub.f32 $0.0e+00, v56;
	[tilespmem:v30+s23+$0x0] =	vst.idx.add.f32.msk $0xffff, v60  }
0x501: {  	p0 =	slt.u32 s31, $0x8;
	v63 =	vmul.f32 v4, v38;
	[tilespmem:v27+s23+$0x0] =	vst.idx.add.f32.msk $0xffff, v4  }
.Ltmp19:
0x502: {  	[tilespmem:v22+s23+$0x0] =	vst.idx.add.f32.msk $0xffff, v58;
	(pc) =	sbr.rel @p0 .LBB2_24-.Ltmp19, $4  }
0x503: {  	v61 =	vmul.f32 v54, v49;
	[tilespmem:v25+s23+$0x0] =	vst.idx.add.f32.msk $0xffff, v63  }
0x504: {  	[tilespmem:v29+s23+$0x0] =	vst.idx.add.f32.msk $0xffff, v54  }
0x505: {  	s15 =	sadd.s32 $0x2, s31;
	[tilespmem:v33+s23+$0x0] =	vst.idx.add.f32.msk $0xffff, v61  }
0x506: {  	s31 =	smov.u32 s15;
	v61 =	vld [tilespmem:$0x1FFE0]  }
0x507: {  	s0 =	sor.u32 s13, s30  }
0x508: {  	s0 =	smul.u32 $0x500, s0;
	_ =	sdelay $0x1  }
0x509: {  	s2 =	simm.s32 $0x8A40;
	s0 =	sadd.s32 s7, s0  }
0x50a: {  	s6 =	simm.s32 $0x8;
	s10 =	simm.s32 $0x8A88;
	s15 =	sadd.s32 $0x0, s0  }
.LBB2_34:
0x50b: {  	[hbm4b:s15+s3] =	stream.linear.scatter [tilespmem:s2], [sflag:$0x4], $0x40, $0x38;
	[tilespmem:$0xB740] =	vst v63  }
0x50c: {  	s15 =	smov.u32 s6;
	s2 =	smov.u32 s10;
	p0 =	sne.s32 s6, $0x4F8  }
.Ltmp20:
0x50d: {  	s6 =	sadd.s32 $0x8, s6;
	(pc) =	sbr.rel @p0 .LBB2_34-.Ltmp20, $2  }
0x50e: {  	_ =	sdelay $0x2  }
0x50f: {  	s10 =	sadd.s32 $0x48, s10;
	s15 =	sadd.s32 s15, s0  }
0x510: {  	s0 =	sadd.s32 $0x3, s29  }
0x511: {  	p0 =	sgt.u32 s0, s8  }
.Ltmp21:
0x512: {  	_ = 	snop;
	(pc) =	sbr.rel @p0 .LBB2_39-.Ltmp21, $2  }
0x513: {  	_ =	sdelay $0x2  }
0x514: {  	[hbm4b:s15+s3] =	stream.linear.scatter [tilespmem:s2], [sflag:$0x4], $0x40, $0x38;
	[tilespmem:$0xB740] =	vst v63  }
0x515: {  	s0 =	sshll.u32 s0, $0x5  }
0x516: {  	s0 =	sor.u32 s5, s0  }
0x517: {  	s2 =	smul.u32 $0x500, s0;
	_ =	sdelay $0x1  }
0x518: {  	s6 =	simm.s32 $0x2D00;
	s2 =	sadd.s32 s1, s2  }
0x519: {  	s10 =	simm.s32 $0x8;
	s15 =	simm.s32 $0x2D48;
	s29 =	sadd.s32 $0x0, s2  }
.LBB2_37:
0x51a: {  	[tilespmem:s6], [sflag:$0x2] =	stream.linear.gather [hbm4b:s29+s3], $0x40, $0x38;
	[tilespmem:$0xB740] =	vst v63  }
0x51b: {  	s29 =	smov.u32 s10;
	s6 =	smov.u32 s15;
	p0 =	sne.s32 s10, $0x4F8  }
.Ltmp22:
0x51c: {  	s10 =	sadd.s32 $0x8, s10;
	(pc) =	sbr.rel @p0 .LBB2_37-.Ltmp22, $2  }
0x51d: {  	_ =	sdelay $0x2  }
0x51e: {  	s15 =	sadd.s32 $0x48, s15;
	s29 =	sadd.s32 s29, s2  }
.Ltmp23:
0x51f: {  	(pc) =	sbr.rel .LBB2_39-.Ltmp23, $4  }
0x520: {  	s0 =	smul.u32 $0x14, s0  }
0x521: {  	[tilespmem:s6], [sflag:$0x2] =	stream.linear.gather [hbm4b:s29+s3], $0x40, $0x38;
	[tilespmem:$0xB740] =	vst v63  }
0x522: {  	s0 =	sadd.s32 s4, s0  }
0x523: {  	[tilespmem:s18], [sflag:$0x2] =	stream.linear.gather [hbm4b:s0+s3], $0xA0, $0x38;
	[tilespmem:$0xB740] =	vst v63  }
.LBB2_41:
0x524: {  	_ =	sfence.sel $0x180000  }
0x525: {  	[bflag:$0x0] =	sbarrier.arrive $0xFFFF  }
0x526: {  	_ =	strace $0x90000047  }
0x527: {  	s0 =	stileid.u32;
	[bflag:$0x2] =	sbarrier.arrive $0xFFFF  }
0x528: {  	p0 =	sne.s32 s0, $0x0;
	s0 =	rddreg [dreg:$0x2]  }
0x529: {  	s0 =	sadd.s32 @!p0 $0x100000, s0  }
0x52a: {  	[sflag:s0] =	ssyncadd.tile.s32 @!p0 $0x1;
	_ =	shalt  }
.Lfunc_end2:
_tile_overlayer_lowered:
.L_overlay_start_2:
0x52b: {  	(tag) =	ssettag $0x2  }
0x52c: {  	s0 =	rddreg [dreg:$0x0];
	s2 =	stileid.u32  }
0x52d: {  	s1 =	rddreg [dreg:$0x1];
	p0 =	sne.s32 s2, $0x0  }
0x52e: {  	s3 =	rddreg [dreg:$0x2];
	[bflag:$0x3] =	sbarrier.arrive $0xFFFF;
	s2 =	simm.s32 @!p0 $0x1C05  }
0x52f: {  	[timem:s3], [sflag:s2] =	dma.local @!p0 [hbm:s0], s1  }
0x530: {  	s0 =	simm.s32 @!p0 $0x5  }
0x531: {  	_ =	swait.ge @!p0 [sflag:s0], s1  }
0x532: {  	s1 =	ssub.s32 @!p0 $0x0, s1;
	[sflag:s0] =	ssyncset.done @!p0 $0x0  }
0x533: {  	[sflag:s0] =	ssyncadd.s32 @!p0 s1  }
0x534: {  	[bflag:$0x3] =	sbarrier.arrive $0xFFFF  }
0x535: {  	_ =	shalt  }

</sc_bundles>
